<compile_context>
chip_gen: v7x
topology: tpu7x:2x2x1
jax: 0.10.2.dev20260603
libtpu: 0.0.44.dev20260713+nightly
codegen_flags: <defaults>
</compile_context>

<pallas_src>
import functools

import jax
import jax.numpy as jnp
from jax import lax
from jax.experimental import pallas as pl
from jax.experimental.pallas import tpu as pltpu
from jax.experimental.pallas import tpu_sc as plsc

NC = 2
NS = 16
NW = NC * NS
LANES = 16
PADD = 128


def _dense_body(attr_ref, w_ref, b_ref, o_ref):
    o_ref[...] = lax.dot_general(
        attr_ref[...], w_ref[...],
        dimension_numbers=(((1,), (1,)), ((), ())),
        preferred_element_type=jnp.float32,
    ) + b_ref[...]


DELTA = 51200
VCHUNK = 6400


def _pack_body(x_ref, eye_ref, o_hbm, y_ref, sem):
    f = pl.program_id(0)
    V = x_ref.shape[2]
    D = x_ref.shape[1]

    def _dot(x2, eye):
        return lax.dot_general(
            x2, eye,
            dimension_numbers=(((0,), (0,)), ((), ())),
            preferred_element_type=jnp.float32,
        )

    cps = []
    for c in range(DELTA // VCHUNK):
        v0 = VCHUNK * c
        w1 = min(VCHUNK, V - DELTA - v0)
        yb = y_ref.at[c % 3]
        if len(cps) >= 3:
            cps[-3].wait()
        lo = x_ref[0, :, pl.ds(v0, VCHUNK)]
        if w1 == VCHUNK:
            hi = x_ref[0, :, pl.ds(DELTA + v0, VCHUNK)]
            x2 = jnp.concatenate([lo, hi], axis=0)
            yb[...] = _dot(x2, eye_ref[...])
        else:
            yb[:, pl.ds(0, D)] = _dot(lo, eye_ref[pl.ds(0, D),
                                                  pl.ds(0, D)])
            hi = x_ref[0, :, pl.ds(DELTA + v0, w1)]
            yb[pl.ds(0, w1), pl.ds(D, D)] = _dot(
                hi, eye_ref[pl.ds(0, D), pl.ds(0, D)])
        cp = pltpu.make_async_copy(
            yb,
            o_hbm.at[pl.ds(f * DELTA + v0, VCHUNK)],
            sem,
        )
        cp.start()
        cps.append(cp)
    for cp in cps[-3:]:
        cp.wait()


def _make_sc_kernel(Bsz, F, V, D):
    RPW = Bsz // NW
    R = 32
    NCH = RPW // R
    CL = R * F
    SEG = 4 * F
    NSEG = CL // SEG
    assert CL % SEG == 0 and CL % LANES == 0
    assert SEG <= 128 and SEG % 8 == 0
    HV = D // LANES

    mesh = plsc.VectorSubcoreMesh(
        core_axis_name="c", subcore_axis_name="s",
        num_cores=NC, num_subcores=NS,
    )

    @functools.partial(
        pl.kernel,
        out_type=jax.ShapeDtypeStruct((Bsz, PADD), jnp.float32),
        mesh=mesh,
        compiler_params=pltpu.CompilerParams(use_tc_tiling_on_sc=True),
        scratch_types=[
            pltpu.VMEM((CL + LANES,), jnp.int32),
            pltpu.VMEM((CL,), jnp.int32),
            pltpu.VMEM((CL,), jnp.int32),
            pltpu.VMEM((CL, PADD), jnp.float32),
            pltpu.VMEM((R, PADD), jnp.float32),
            pltpu.VMEM((R, PADD), jnp.float32),
            pltpu.SemaphoreType.DMA,
        ],
    )
    def sc_kernel(labels_hbm, offs_hbm, table_hbm, base_hbm, out_hbm,
                  lab_v, idx_v, offs_v, rows_v, base_v, out_v, sem):
        cid = lax.axis_index("c")
        sid = lax.axis_index("s")
        wid = sid * NC + cid
        row0 = wid * RPW

        pltpu.sync_copy(offs_hbm, offs_v)

        def chunk_body(g, _):
            r0 = row0 + g * R

            pltpu.sync_copy(labels_hbm.at[pl.ds(r0 * F, CL)],
                            lab_v.at[pl.ds(0, CL)])

            def idx_body(p, _):
                q = p * LANES
                lv = lab_v[pl.ds(q, LANES)]
                vmod = lv - jnp.where(lv >= DELTA, DELTA, 0)
                idx_v[pl.ds(q, LANES)] = vmod + offs_v[pl.ds(q, LANES)]
                return 0
            lax.fori_loop(0, CL // LANES, idx_body, 0)

            pltpu.sync_copy(base_hbm.at[pl.ds(r0, R)], base_v)

            handles = [
                pltpu.async_copy(
                    table_hbm.at[idx_v.at[pl.ds(s * SEG, SEG)]],
                    rows_v.at[pl.ds(s * SEG, SEG)],
                    sem,
                )
                for s in range(NSEG)
            ]

            RSEG = SEG // F

            def seg_body(s, _):
                pltpu.make_async_copy(
                    table_hbm.at[idx_v.at[pl.ds(s * SEG, SEG)]],
                    rows_v.at[pl.ds(s * SEG, SEG)],
                    sem,
                ).wait()

                def row_body(r, _):
                    rb = r * F
                    accs = [base_v[r, pl.ds(cc * LANES, LANES)]
                            for cc in range(HV)]
                    for j in range(F):
                        lv = lab_v[pl.ds(rb + j, LANES)]
                        half = jnp.where(lv[0] >= DELTA, D, 0)
                        for cc in range(HV):
                            accs[cc] = accs[cc] + rows_v[
                                rb + j, pl.ds(half + cc * LANES, LANES)]
                    for cc in range(HV):
                        out_v[r, pl.ds(cc * LANES, LANES)] = accs[cc]
                    return 0
                lax.fori_loop(s * RSEG, (s + 1) * RSEG, row_body, 0)
                return 0
            lax.fori_loop(0, NSEG, seg_body, 0)
            del handles

            pltpu.sync_copy(out_v, out_hbm.at[pl.ds(r0, R)])
            return 0

        lax.fori_loop(0, NCH, chunk_body, 0)

    return sc_kernel


@jax.jit
def kernel(labels, attr, tables, W, b):
    Bsz, F = labels.shape
    _, V, D = tables.shape
    NH = D // LANES

    Wp = jnp.zeros((PADD, W.shape[1]), jnp.float32).at[:D].set(W)
    bp = jnp.zeros((1, PADD), jnp.float32).at[0, :D].set(b)
    base = pl.pallas_call(
        _dense_body,
        out_shape=jax.ShapeDtypeStruct((Bsz, PADD), jnp.float32),
    )(attr, Wp, bp)

    tables_T = jnp.transpose(tables, (0, 2, 1))
    eye = jnp.eye(PADD, dtype=jnp.float32)
    pairs = pl.pallas_call(
        _pack_body,
        grid=(F,),
        in_specs=[
            pl.BlockSpec((1, D, V), lambda f: (f, 0, 0)),
            pl.BlockSpec((PADD, PADD), lambda f: (0, 0)),
        ],
        out_specs=pl.BlockSpec(memory_space=pl.ANY),
        out_shape=jax.ShapeDtypeStruct((F * DELTA, PADD), jnp.float32),
        scratch_shapes=[
            pltpu.VMEM((3, VCHUNK, PADD), jnp.float32),
            pltpu.SemaphoreType.DMA,
        ],
        compiler_params=pltpu.CompilerParams(
            vmem_limit_bytes=62 * 1024 * 1024),
    )(tables_T, eye)

    labels_flat = labels.astype(jnp.int32).reshape(-1)
    offs = jnp.tile(jnp.arange(F, dtype=jnp.int32) * DELTA, 32)

    sc = _make_sc_kernel(Bsz, F, V, D)
    out_full = sc(labels_flat, offs, pairs, base)
    return out_full[:, :D]

# --- scband reference (transcript-rebuilt; emitter-appended) ---
"""Pipeline reference for scband-feat-encoder-39788577030213 (READ-ONLY COPY).

The authoritative reference and input builder live on the scoring server;
editing this copy changes nothing except your own understanding.
"""

import jax, jax.numpy as jnp
import numpy as np

B = 16384
F = 26
VOCAB = 100000
OUT_DIM = 64
ATTR = 13


def setup_inputs(seed: int = 0) -> dict:
    key = jax.random.key(seed)
    k1, k2, k3, k4, k5 = jax.random.split(key, 5)
    labels = jax.random.randint(k1, (B, F), 0, VOCAB, dtype=jnp.int64 if jax.config.jax_enable_x64 else jnp.int32)
    attr = jax.random.normal(k2, (B, ATTR), dtype=jnp.float32)
    # stacked embedding tables: one [VOCAB, OUT_DIM] table per sparse field
    tables = jax.random.normal(k3, (F, VOCAB, OUT_DIM), dtype=jnp.float32) * 0.02
    # linear layer for dense attributes (torch convention: W [out, in])
    W = jax.random.normal(k4, (OUT_DIM, ATTR), dtype=jnp.float32) * 0.1
    b = jax.random.normal(k5, (OUT_DIM,), dtype=jnp.float32) * 0.01
    return {"labels": labels, "attr": attr, "tables": tables, "W": W, "b": b}


def reference(labels, attr, tables, W, b):
    # per-field embedding lookup: for each field f, tables[f][labels[:, f]]
    field_idx = jnp.arange(F)[None, :]            # [1, F]
    gathered = tables[field_idx, labels]           # [B, F, OUT_DIM]
    embed = gathered.sum(axis=1)                   # sum over fields -> [B, OUT_DIM]
    embed = embed + attr @ W.T + b                 # dense linear on attributes
    return embed

if __name__ == "__main__":
    import jax
    _d = setup_inputs()
    print(jax.jit(kernel)(*tuple(_d.values())))

</pallas_src>

<mosaic_0001>
#map = affine_map<(d0, d1) -> (0)>
#map1 = affine_map<(d0, d1) -> (0, 0)>
module attributes {stable_mosaic.version = 14 : i64} {
  func.func @sc_kernel(%arg0: i32, %arg1: i32, %arg2: memref<425984xi32, #tpu.memory_space<hbm>>, %arg3: memref<832xi32, #tpu.memory_space<hbm>>, %arg4: memref<1331200x128xf32, #tpu.memory_space<hbm>>, %arg5: memref<16384x128xf32, #tpu.memory_space<hbm>>, %arg6: memref<16384x128xf32, #tpu.memory_space<hbm>>, %arg7: memref<848xi32, #tpu.memory_space<vmem>>, %arg8: memref<832xi32, #tpu.memory_space<vmem>>, %arg9: memref<832xi32, #tpu.memory_space<vmem>>, %arg10: memref<832x128xf32, #tpu.memory_space<vmem>>, %arg11: memref<32x128xf32, #tpu.memory_space<vmem>>, %arg12: memref<32x128xf32, #tpu.memory_space<vmem>>, %arg13: memref<!tpu.dma_semaphore, #tpu.memory_space<semaphore_mem>>) attributes {dimension_semantics = [#tpu.dimension_semantics<core_parallel>, #tpu.dimension_semantics<subcore_parallel>], iteration_bounds = array<i64: 2, 16>, scalar_prefetch = 0 : i64, scratch_operands = 7 : i64, tpu.core_type = #tpu.core_type<sc_vector_subcore>, window_params = [{transform_indices = #map}, {transform_indices = #map}, {transform_indices = #map1}, {transform_indices = #map1}, {transform_indices = #map1}]} {
    %mul3A = arith.constant 2 : i32
    %mul3A_0 = arith.muli %arg1, %mul3A : i32
    %add3A = arith.addi %mul3A_0, %arg0 : i32
    %mul3A_1 = arith.constant 512 : i32
    %mul3A_2 = arith.muli %add3A, %mul3A_1 : i32
    "tpu.region"() ({
      %run_scoped3A = tpu.sem_alloc : memref<!tpu.dma_semaphore, #tpu.memory_space<semaphore_mem>>
      tpu.enqueue_dma source(%arg3 : memref<832xi32, #tpu.memory_space<hbm>>) target(%arg9 : memref<832xi32, #tpu.memory_space<vmem>>) target_semaphore(%run_scoped3A : memref<!tpu.dma_semaphore, #tpu.memory_space<semaphore_mem>>)
      tpu.wait_dma2 semaphore(%run_scoped3A : memref<!tpu.dma_semaphore, #tpu.memory_space<semaphore_mem>>) src(%arg3 : memref<832xi32, #tpu.memory_space<hbm>>) dst(%arg9 : memref<832xi32, #tpu.memory_space<vmem>>)
      tpu.yield
    }) : () -> ()
    %scan3A = arith.constant 0 : i32
    %scan3A_3 = arith.constant 0 : i32
    %scan3A_4 = arith.constant 16 : i32
    %scan3A_5 = arith.addi %scan3A_3, %scan3A_4 : i32
    %scan3A_6 = arith.constant 1 : i32
    %scan3A_7 = scf.for %scan3A_9 = %scan3A_3 to %scan3A_5 step %scan3A_6 iter_args(%scan3A_10 = %scan3A) -> (i32)  : i32 {
      %mul3A_11 = arith.constant 32 : i32
      %mul3A_12 = arith.muli %scan3A_9, %mul3A_11 : i32
      %add3A_13 = arith.addi %mul3A_2, %mul3A_12 : i32
      %mul3A_14 = arith.constant 26 : i32
      %mul3A_15 = arith.muli %add3A_13, %mul3A_14 : i32
      "tpu.region"() ({
        %run_scoped3A = tpu.sem_alloc : memref<!tpu.dma_semaphore, #tpu.memory_space<semaphore_mem>>
        %dma_start3A_94 = arith.constant 0 : i32
        %dma_start3A_95 = tpu.memref_slice %arg7[%dma_start3A_94] : memref<848xi32, #tpu.memory_space<vmem>> -> memref<832xi32, #tpu.memory_space<vmem>>
        %dma_start3A_96 = tpu.memref_slice %arg2[%mul3A_15] : memref<425984xi32, #tpu.memory_space<hbm>> -> memref<832xi32, #tpu.memory_space<hbm>>
        %dma_start3A_97 = arith.constant 0 : i32
        %dma_start3A_98 = tpu.memref_slice %arg7[%dma_start3A_97] : memref<848xi32, #tpu.memory_space<vmem>> -> memref<832xi32, #tpu.memory_space<vmem>>
        %dma_start3A_99 = tpu.memref_slice %arg2[%mul3A_15] : memref<425984xi32, #tpu.memory_space<hbm>> -> memref<832xi32, #tpu.memory_space<hbm>>
        tpu.enqueue_dma source(%dma_start3A_99 : memref<832xi32, #tpu.memory_space<hbm>>) target(%dma_start3A_98 : memref<832xi32, #tpu.memory_space<vmem>>) target_semaphore(%run_scoped3A : memref<!tpu.dma_semaphore, #tpu.memory_space<semaphore_mem>>)
        %dma_wait3A = arith.constant 0 : i32
        %dma_wait3A_100 = tpu.memref_slice %arg7[%dma_wait3A] : memref<848xi32, #tpu.memory_space<vmem>> -> memref<832xi32, #tpu.memory_space<vmem>>
        %dma_wait3A_101 = tpu.memref_slice %arg2[%mul3A_15] : memref<425984xi32, #tpu.memory_space<hbm>> -> memref<832xi32, #tpu.memory_space<hbm>>
        %dma_wait3A_102 = arith.constant 0 : i32
        %dma_wait3A_103 = tpu.memref_slice %arg7[%dma_wait3A_102] : memref<848xi32, #tpu.memory_space<vmem>> -> memref<832xi32, #tpu.memory_space<vmem>>
        %dma_wait3A_104 = tpu.memref_slice %arg2[%mul3A_15] : memref<425984xi32, #tpu.memory_space<hbm>> -> memref<832xi32, #tpu.memory_space<hbm>>
        tpu.wait_dma2 semaphore(%run_scoped3A : memref<!tpu.dma_semaphore, #tpu.memory_space<semaphore_mem>>) src(%dma_wait3A_104 : memref<832xi32, #tpu.memory_space<hbm>>) dst(%dma_wait3A_103 : memref<832xi32, #tpu.memory_space<vmem>>)
        tpu.yield
      }) : () -> ()
      %scan3A_16 = arith.constant 0 : i32
      %scan3A_17 = arith.constant 0 : i32
      %scan3A_18 = arith.constant 52 : i32
      %scan3A_19 = arith.addi %scan3A_17, %scan3A_18 : i32
      %scan3A_20 = arith.constant 1 : i32
      %scan3A_21 = scf.for %scan3A_94 = %scan3A_17 to %scan3A_19 step %scan3A_20 iter_args(%scan3A_95 = %scan3A_16) -> (i32)  : i32 {
        %mul3A_96 = arith.constant 16 : i32
        %mul3A_97 = arith.muli %scan3A_94, %mul3A_96 : i32
        %get3A = arith.index_cast %mul3A_97 : i32 to index
        %get3A_98 = tpu.vector_load %arg7[%get3A] {strides = array<i32>} : memref<848xi32, #tpu.memory_space<vmem>>, vector<16xi32>,
        %get3A_99 = vector.shape_cast %get3A_98 : vector<16xi32> to vector<16xi32>
        %ge3A = arith.constant 51200 : i32
        %ge3A_100 = vector.broadcast %ge3A : i32 to vector<16xi32>
        %ge3A_101 = arith.cmpi sge, %get3A_99, %ge3A_100 : vector<16xi32>
        %jit3A = arith.constant 51200 : i32
        %jit3A_102 = arith.constant 0 : i32
        %broadcast_in_dim3A = vector.broadcast %jit3A : i32 to vector<16xi32>
        %broadcast_in_dim3A_103 = vector.broadcast %jit3A_102 : i32 to vector<16xi32>
        %select_n3A = arith.select %ge3A_101, %broadcast_in_dim3A, %broadcast_in_dim3A_103 : vector<16xi1>, vector<16xi32>
        %sub3A = arith.subi %get3A_99, %select_n3A : vector<16xi32>
        %get3A_104 = arith.index_cast %mul3A_97 : i32 to index
        %get3A_105 = tpu.vector_load %arg9[%get3A_104] {strides = array<i32>} : memref<832xi32, #tpu.memory_space<vmem>>, vector<16xi32>,
        %get3A_106 = vector.shape_cast %get3A_105 : vector<16xi32> to vector<16xi32>
        %add3A_107 = arith.addi %sub3A, %get3A_106 : vector<16xi32>
        %swap3A = arith.index_cast %mul3A_97 : i32 to index
        %swap3A_108 = tpu.vector_load %arg8[%swap3A] {strides = array<i32>} : memref<832xi32, #tpu.memory_space<vmem>>, vector<16xi32>,
        %swap3A_109 = vector.shape_cast %swap3A_108 : vector<16xi32> to vector<16xi32>
        %swap3A_110 = vector.shape_cast %add3A_107 : vector<16xi32> to vector<16xi32>
        tpu.vector_store %arg8[%swap3A], %swap3A_110 {strides = array<i32>} : memref<832xi32, #tpu.memory_space<vmem>>, vector<16xi32>,
        %scan3A_111 = arith.constant 0 : i32
        scf.yield %scan3A_111 : i32
      }
      %scan3A_22 = arith.constant 52 : i32
      "tpu.region"() ({
        %run_scoped3A = tpu.sem_alloc : memref<!tpu.dma_semaphore, #tpu.memory_space<semaphore_mem>>
        %dma_start3A_94 = arith.constant 0 : i32
        %dma_start3A_95 = tpu.memref_slice %arg5[%add3A_13, %dma_start3A_94] : memref<16384x128xf32, #tpu.memory_space<hbm>> -> memref<32x128xf32, #tpu.memory_space<hbm>>
        %dma_start3A_96 = arith.constant 0 : i32
        %dma_start3A_97 = tpu.memref_slice %arg5[%add3A_13, %dma_start3A_96] : memref<16384x128xf32, #tpu.memory_space<hbm>> -> memref<32x128xf32, #tpu.memory_space<hbm>>
        tpu.enqueue_dma source(%dma_start3A_97 : memref<32x128xf32, #tpu.memory_space<hbm>>) target(%arg11 : memref<32x128xf32, #tpu.memory_space<vmem>>) target_semaphore(%run_scoped3A : memref<!tpu.dma_semaphore, #tpu.memory_space<semaphore_mem>>)
        %dma_wait3A = arith.constant 0 : i32
        %dma_wait3A_98 = tpu.memref_slice %arg5[%add3A_13, %dma_wait3A] : memref<16384x128xf32, #tpu.memory_space<hbm>> -> memref<32x128xf32, #tpu.memory_space<hbm>>
        %dma_wait3A_99 = arith.constant 0 : i32
        %dma_wait3A_100 = tpu.memref_slice %arg5[%add3A_13, %dma_wait3A_99] : memref<16384x128xf32, #tpu.memory_space<hbm>> -> memref<32x128xf32, #tpu.memory_space<hbm>>
        tpu.wait_dma2 semaphore(%run_scoped3A : memref<!tpu.dma_semaphore, #tpu.memory_space<semaphore_mem>>) src(%dma_wait3A_100 : memref<32x128xf32, #tpu.memory_space<hbm>>) dst(%arg11 : memref<32x128xf32, #tpu.memory_space<vmem>>)
        tpu.yield
      }) : () -> ()
      %dma_start3A = arith.constant 0 : i32
      %dma_start3A_23 = arith.constant 0 : i32
      %dma_start3A_24 = tpu.memref_slice %arg10[%dma_start3A, %dma_start3A_23] : memref<832x128xf32, #tpu.memory_space<vmem>> -> memref<104x128xf32, #tpu.memory_space<vmem>>
      %dma_start3A_25 = arith.constant 0 : i32
      %dma_start3A_26 = tpu.memref_slice %arg8[%dma_start3A_25] : memref<832xi32, #tpu.memory_space<vmem>> -> memref<104xi32, #tpu.memory_space<vmem>>
      %dma_start3A_27 = arith.constant 0 : i32
      %dma_start3A_28 = arith.constant 0 : i32
      %dma_start3A_29 = tpu.memref_slice %arg4[%dma_start3A_27, %dma_start3A_28] : memref<1331200x128xf32, #tpu.memory_space<hbm>> -> memref<1331200x128xf32, #tpu.memory_space<hbm>>
      tpu.enqueue_indirect_dma source(%dma_start3A_29 : memref<1331200x128xf32, #tpu.memory_space<hbm>>) target(%dma_start3A_24 : memref<104x128xf32, #tpu.memory_space<vmem>>) offsets(%dma_start3A_26 : memref<104xi32, #tpu.memory_space<vmem>>) semaphore(%arg13 : memref<!tpu.dma_semaphore, #tpu.memory_space<semaphore_mem>>)
      %dma_start3A_30 = arith.constant 104 : i32
      %dma_start3A_31 = arith.constant 0 : i32
      %dma_start3A_32 = tpu.memref_slice %arg10[%dma_start3A_30, %dma_start3A_31] : memref<832x128xf32, #tpu.memory_space<vmem>> -> memref<104x128xf32, #tpu.memory_space<vmem>>
      %dma_start3A_33 = arith.constant 104 : i32
      %dma_start3A_34 = tpu.memref_slice %arg8[%dma_start3A_33] : memref<832xi32, #tpu.memory_space<vmem>> -> memref<104xi32, #tpu.memory_space<vmem>>
      %dma_start3A_35 = arith.constant 0 : i32
      %dma_start3A_36 = arith.constant 0 : i32
      %dma_start3A_37 = tpu.memref_slice %arg4[%dma_start3A_35, %dma_start3A_36] : memref<1331200x128xf32, #tpu.memory_space<hbm>> -> memref<1331200x128xf32, #tpu.memory_space<hbm>>
      tpu.enqueue_indirect_dma source(%dma_start3A_37 : memref<1331200x128xf32, #tpu.memory_space<hbm>>) target(%dma_start3A_32 : memref<104x128xf32, #tpu.memory_space<vmem>>) offsets(%dma_start3A_34 : memref<104xi32, #tpu.memory_space<vmem>>) semaphore(%arg13 : memref<!tpu.dma_semaphore, #tpu.memory_space<semaphore_mem>>)
      %dma_start3A_38 = arith.constant 208 : i32
      %dma_start3A_39 = arith.constant 0 : i32
      %dma_start3A_40 = tpu.memref_slice %arg10[%dma_start3A_38, %dma_start3A_39] : memref<832x128xf32, #tpu.memory_space<vmem>> -> memref<104x128xf32, #tpu.memory_space<vmem>>
      %dma_start3A_41 = arith.constant 208 : i32
      %dma_start3A_42 = tpu.memref_slice %arg8[%dma_start3A_41] : memref<832xi32, #tpu.memory_space<vmem>> -> memref<104xi32, #tpu.memory_space<vmem>>
      %dma_start3A_43 = arith.constant 0 : i32
      %dma_start3A_44 = arith.constant 0 : i32
      %dma_start3A_45 = tpu.memref_slice %arg4[%dma_start3A_43, %dma_start3A_44] : memref<1331200x128xf32, #tpu.memory_space<hbm>> -> memref<1331200x128xf32, #tpu.memory_space<hbm>>
      tpu.enqueue_indirect_dma source(%dma_start3A_45 : memref<1331200x128xf32, #tpu.memory_space<hbm>>) target(%dma_start3A_40 : memref<104x128xf32, #tpu.memory_space<vmem>>) offsets(%dma_start3A_42 : memref<104xi32, #tpu.memory_space<vmem>>) semaphore(%arg13 : memref<!tpu.dma_semaphore, #tpu.memory_space<semaphore_mem>>)
      %dma_start3A_46 = arith.constant 312 : i32
      %dma_start3A_47 = arith.constant 0 : i32
      %dma_start3A_48 = tpu.memref_slice %arg10[%dma_start3A_46, %dma_start3A_47] : memref<832x128xf32, #tpu.memory_space<vmem>> -> memref<104x128xf32, #tpu.memory_space<vmem>>
      %dma_start3A_49 = arith.constant 312 : i32
      %dma_start3A_50 = tpu.memref_slice %arg8[%dma_start3A_49] : memref<832xi32, #tpu.memory_space<vmem>> -> memref<104xi32, #tpu.memory_space<vmem>>
      %dma_start3A_51 = arith.constant 0 : i32
      %dma_start3A_52 = arith.constant 0 : i32
      %dma_start3A_53 = tpu.memref_slice %arg4[%dma_start3A_51, %dma_start3A_52] : memref<1331200x128xf32, #tpu.memory_space<hbm>> -> memref<1331200x128xf32, #tpu.memory_space<hbm>>
      tpu.enqueue_indirect_dma source(%dma_start3A_53 : memref<1331200x128xf32, #tpu.memory_space<hbm>>) target(%dma_start3A_48 : memref<104x128xf32, #tpu.memory_space<vmem>>) offsets(%dma_start3A_50 : memref<104xi32, #tpu.memory_space<vmem>>) semaphore(%arg13 : memref<!tpu.dma_semaphore, #tpu.memory_space<semaphore_mem>>)
      %dma_start3A_54 = arith.constant 416 : i32
      %dma_start3A_55 = arith.constant 0 : i32
      %dma_start3A_56 = tpu.memref_slice %arg10[%dma_start3A_54, %dma_start3A_55] : memref<832x128xf32, #tpu.memory_space<vmem>> -> memref<104x128xf32, #tpu.memory_space<vmem>>
      %dma_start3A_57 = arith.constant 416 : i32
      %dma_start3A_58 = tpu.memref_slice %arg8[%dma_start3A_57] : memref<832xi32, #tpu.memory_space<vmem>> -> memref<104xi32, #tpu.memory_space<vmem>>
      %dma_start3A_59 = arith.constant 0 : i32
      %dma_start3A_60 = arith.constant 0 : i32
      %dma_start3A_61 = tpu.memref_slice %arg4[%dma_start3A_59, %dma_start3A_60] : memref<1331200x128xf32, #tpu.memory_space<hbm>> -> memref<1331200x128xf32, #tpu.memory_space<hbm>>
      tpu.enqueue_indirect_dma source(%dma_start3A_61 : memref<1331200x128xf32, #tpu.memory_space<hbm>>) target(%dma_start3A_56 : memref<104x128xf32, #tpu.memory_space<vmem>>) offsets(%dma_start3A_58 : memref<104xi32, #tpu.memory_space<vmem>>) semaphore(%arg13 : memref<!tpu.dma_semaphore, #tpu.memory_space<semaphore_mem>>)
      %dma_start3A_62 = arith.constant 520 : i32
      %dma_start3A_63 = arith.constant 0 : i32
      %dma_start3A_64 = tpu.memref_slice %arg10[%dma_start3A_62, %dma_start3A_63] : memref<832x128xf32, #tpu.memory_space<vmem>> -> memref<104x128xf32, #tpu.memory_space<vmem>>
      %dma_start3A_65 = arith.constant 520 : i32
      %dma_start3A_66 = tpu.memref_slice %arg8[%dma_start3A_65] : memref<832xi32, #tpu.memory_space<vmem>> -> memref<104xi32, #tpu.memory_space<vmem>>
      %dma_start3A_67 = arith.constant 0 : i32
      %dma_start3A_68 = arith.constant 0 : i32
      %dma_start3A_69 = tpu.memref_slice %arg4[%dma_start3A_67, %dma_start3A_68] : memref<1331200x128xf32, #tpu.memory_space<hbm>> -> memref<1331200x128xf32, #tpu.memory_space<hbm>>
      tpu.enqueue_indirect_dma source(%dma_start3A_69 : memref<1331200x128xf32, #tpu.memory_space<hbm>>) target(%dma_start3A_64 : memref<104x128xf32, #tpu.memory_space<vmem>>) offsets(%dma_start3A_66 : memref<104xi32, #tpu.memory_space<vmem>>) semaphore(%arg13 : memref<!tpu.dma_semaphore, #tpu.memory_space<semaphore_mem>>)
      %dma_start3A_70 = arith.constant 624 : i32
      %dma_start3A_71 = arith.constant 0 : i32
      %dma_start3A_72 = tpu.memref_slice %arg10[%dma_start3A_70, %dma_start3A_71] : memref<832x128xf32, #tpu.memory_space<vmem>> -> memref<104x128xf32, #tpu.memory_space<vmem>>
      %dma_start3A_73 = arith.constant 624 : i32
      %dma_start3A_74 = tpu.memref_slice %arg8[%dma_start3A_73] : memref<832xi32, #tpu.memory_space<vmem>> -> memref<104xi32, #tpu.memory_space<vmem>>
      %dma_start3A_75 = arith.constant 0 : i32
      %dma_start3A_76 = arith.constant 0 : i32
      %dma_start3A_77 = tpu.memref_slice %arg4[%dma_start3A_75, %dma_start3A_76] : memref<1331200x128xf32, #tpu.memory_space<hbm>> -> memref<1331200x128xf32, #tpu.memory_space<hbm>>
      tpu.enqueue_indirect_dma source(%dma_start3A_77 : memref<1331200x128xf32, #tpu.memory_space<hbm>>) target(%dma_start3A_72 : memref<104x128xf32, #tpu.memory_space<vmem>>) offsets(%dma_start3A_74 : memref<104xi32, #tpu.memory_space<vmem>>) semaphore(%arg13 : memref<!tpu.dma_semaphore, #tpu.memory_space<semaphore_mem>>)
      %dma_start3A_78 = arith.constant 728 : i32
      %dma_start3A_79 = arith.constant 0 : i32
      %dma_start3A_80 = tpu.memref_slice %arg10[%dma_start3A_78, %dma_start3A_79] : memref<832x128xf32, #tpu.memory_space<vmem>> -> memref<104x128xf32, #tpu.memory_space<vmem>>
      %dma_start3A_81 = arith.constant 728 : i32
      %dma_start3A_82 = tpu.memref_slice %arg8[%dma_start3A_81] : memref<832xi32, #tpu.memory_space<vmem>> -> memref<104xi32, #tpu.memory_space<vmem>>
      %dma_start3A_83 = arith.constant 0 : i32
      %dma_start3A_84 = arith.constant 0 : i32
      %dma_start3A_85 = tpu.memref_slice %arg4[%dma_start3A_83, %dma_start3A_84] : memref<1331200x128xf32, #tpu.memory_space<hbm>> -> memref<1331200x128xf32, #tpu.memory_space<hbm>>
      tpu.enqueue_indirect_dma source(%dma_start3A_85 : memref<1331200x128xf32, #tpu.memory_space<hbm>>) target(%dma_start3A_80 : memref<104x128xf32, #tpu.memory_space<vmem>>) offsets(%dma_start3A_82 : memref<104xi32, #tpu.memory_space<vmem>>) semaphore(%arg13 : memref<!tpu.dma_semaphore, #tpu.memory_space<semaphore_mem>>)
      %scan3A_86 = arith.constant 0 : i32
      %scan3A_87 = arith.constant 0 : i32
      %scan3A_88 = arith.constant 8 : i32
      %scan3A_89 = arith.addi %scan3A_87, %scan3A_88 : i32
      %scan3A_90 = arith.constant 1 : i32
      %scan3A_91 = scf.for %scan3A_94 = %scan3A_87 to %scan3A_89 step %scan3A_90 iter_args(%scan3A_95 = %scan3A_86) -> (i32)  : i32 {
        %mul3A_96 = arith.constant 104 : i32
        %mul3A_97 = arith.muli %scan3A_94, %mul3A_96 : i32
        %mul3A_98 = arith.constant 104 : i32
        %mul3A_99 = arith.muli %scan3A_94, %mul3A_98 : i32
        %dma_wait3A = arith.constant 0 : i32
        %dma_wait3A_100 = tpu.memref_slice %arg10[%mul3A_99, %dma_wait3A] : memref<832x128xf32, #tpu.memory_space<vmem>> -> memref<104x128xf32, #tpu.memory_space<vmem>>
        %dma_wait3A_101 = tpu.memref_slice %arg8[%mul3A_97] : memref<832xi32, #tpu.memory_space<vmem>> -> memref<104xi32, #tpu.memory_space<vmem>>
        %dma_wait3A_102 = arith.constant 0 : i32
        %dma_wait3A_103 = arith.constant 0 : i32
        %dma_wait3A_104 = tpu.memref_slice %arg4[%dma_wait3A_102, %dma_wait3A_103] : memref<1331200x128xf32, #tpu.memory_space<hbm>> -> memref<1331200x128xf32, #tpu.memory_space<hbm>>
        tpu.wait_indirect_dma semaphore(%arg13 : memref<!tpu.dma_semaphore, #tpu.memory_space<semaphore_mem>>) src(%dma_wait3A_104 : memref<1331200x128xf32, #tpu.memory_space<hbm>>) dst(%dma_wait3A_100 : memref<104x128xf32, #tpu.memory_space<vmem>>)
        %mul3A_105 = arith.constant 4 : i32
        %mul3A_106 = arith.muli %scan3A_94, %mul3A_105 : i32
        %add3A_107 = arith.constant 1 : i32
        %add3A_108 = arith.addi %scan3A_94, %add3A_107 : i32
        %mul3A_109 = arith.constant 4 : i32
        %mul3A_110 = arith.muli %add3A_108, %mul3A_109 : i32
        %while3A = arith.constant 0 : i32
        %while3A_111 = arith.subi %mul3A_110, %mul3A_106 : i32
        %while3A_112 = arith.addi %mul3A_106, %while3A_111 : i32
        %while3A_113 = arith.constant 1 : i32
        %while3A_114 = arith.divsi %while3A_111, %while3A_113 : i32
        %while3A_115 = arith.muli %while3A_114, %while3A_113 : i32
        %while3A_116 = arith.addi %mul3A_106, %while3A_115 : i32
        %while3A_117 = arith.constant 1 : i32
        %while3A_118 = scf.for %while3A_122 = %mul3A_106 to %while3A_116 step %while3A_117 iter_args(%while3A_123 = %while3A) -> (i32)  : i32 {
          %mul3A_124 = arith.constant 26 : i32
          %mul3A_125 = arith.muli %while3A_122, %mul3A_124 : i32
          %get3A = arith.index_cast %while3A_122 : i32 to index
          %get3A_126 = arith.constant 0 : index
          %get3A_127 = tpu.vector_load %arg11[%get3A, %get3A_126] {strides = array<i32>} : memref<32x128xf32, #tpu.memory_space<vmem>>, vector<1x16xf32>,
          %get3A_128 = vector.shape_cast %get3A_127 : vector<1x16xf32> to vector<16xf32>
          %get3A_129 = arith.index_cast %while3A_122 : i32 to index
          %get3A_130 = arith.constant 16 : index
          %get3A_131 = tpu.vector_load %arg11[%get3A_129, %get3A_130] {strides = array<i32>} : memref<32x128xf32, #tpu.memory_space<vmem>>, vector<1x16xf32>,
          %get3A_132 = vector.shape_cast %get3A_131 : vector<1x16xf32> to vector<16xf32>
          %get3A_133 = arith.index_cast %while3A_122 : i32 to index
          %get3A_134 = arith.constant 32 : index
          %get3A_135 = tpu.vector_load %arg11[%get3A_133, %get3A_134] {strides = array<i32>} : memref<32x128xf32, #tpu.memory_space<vmem>>, vector<1x16xf32>,
          %get3A_136 = vector.shape_cast %get3A_135 : vector<1x16xf32> to vector<16xf32>
          %get3A_137 = arith.index_cast %while3A_122 : i32 to index
          %get3A_138 = arith.constant 48 : index
          %get3A_139 = tpu.vector_load %arg11[%get3A_137, %get3A_138] {strides = array<i32>} : memref<32x128xf32, #tpu.memory_space<vmem>>, vector<1x16xf32>,
          %get3A_140 = vector.shape_cast %get3A_139 : vector<1x16xf32> to vector<16xf32>
          %add3A_141 = arith.constant 0 : i32
          %add3A_142 = arith.addi %mul3A_125, %add3A_141 : i32
          %get3A_143 = arith.index_cast %add3A_142 : i32 to index
          %get3A_144 = tpu.vector_load %arg7[%get3A_143] {strides = array<i32>} : memref<848xi32, #tpu.memory_space<vmem>>, vector<16xi32>,
          %get3A_145 = vector.shape_cast %get3A_144 : vector<16xi32> to vector<16xi32>
          %slice3A = vector.extract_strided_slice %get3A_145 {offsets = [0], sizes = [1], strides = [1]} : vector<16xi32> to vector<1xi32>
          %squeeze3A = vector.extract %slice3A[0] : i32 from vector<1xi32>
          %ge3A = arith.constant 51200 : i32
          %ge3A_146 = arith.cmpi sge, %squeeze3A, %ge3A : i32
          %jit3A = arith.constant 64 : i32
          %jit3A_147 = arith.constant 0 : i32
          %select_n3A = arith.select %ge3A_146, %jit3A, %jit3A_147 : i32
          %add3A_148 = arith.constant 0 : i32
          %add3A_149 = arith.addi %mul3A_125, %add3A_148 : i32
          %add3A_150 = arith.constant 0 : i32
          %add3A_151 = arith.addi %select_n3A, %add3A_150 : i32
          %get3A_152 = arith.index_cast %add3A_149 : i32 to index
          %get3A_153 = arith.index_cast %add3A_151 : i32 to index
          %get3A_154 = tpu.vector_load %arg10[%get3A_152, %get3A_153] {strides = array<i32>} : memref<832x128xf32, #tpu.memory_space<vmem>>, vector<1x16xf32>,
          %get3A_155 = vector.shape_cast %get3A_154 : vector<1x16xf32> to vector<16xf32>
          %add3A_156 = arith.addf %get3A_128, %get3A_155 : vector<16xf32>
          %add3A_157 = arith.constant 0 : i32
          %add3A_158 = arith.addi %mul3A_125, %add3A_157 : i32
          %add3A_159 = arith.constant 16 : i32
          %add3A_160 = arith.addi %select_n3A, %add3A_159 : i32
          %get3A_161 = arith.index_cast %add3A_158 : i32 to index
          %get3A_162 = arith.index_cast %add3A_160 : i32 to index
          %get3A_163 = tpu.vector_load %arg10[%get3A_161, %get3A_162] {strides = array<i32>} : memref<832x128xf32, #tpu.memory_space<vmem>>, vector<1x16xf32>,
          %get3A_164 = vector.shape_cast %get3A_163 : vector<1x16xf32> to vector<16xf32>
          %add3A_165 = arith.addf %get3A_132, %get3A_164 : vector<16xf32>
          %add3A_166 = arith.constant 0 : i32
          %add3A_167 = arith.addi %mul3A_125, %add3A_166 : i32
          %add3A_168 = arith.constant 32 : i32
          %add3A_169 = arith.addi %select_n3A, %add3A_168 : i32
          %get3A_170 = arith.index_cast %add3A_167 : i32 to index
          %get3A_171 = arith.index_cast %add3A_169 : i32 to index
          %get3A_172 = tpu.vector_load %arg10[%get3A_170, %get3A_171] {strides = array<i32>} : memref<832x128xf32, #tpu.memory_space<vmem>>, vector<1x16xf32>,
          %get3A_173 = vector.shape_cast %get3A_172 : vector<1x16xf32> to vector<16xf32>
          %add3A_174 = arith.addf %get3A_136, %get3A_173 : vector<16xf32>
          %add3A_175 = arith.constant 0 : i32
          %add3A_176 = arith.addi %mul3A_125, %add3A_175 : i32
          %add3A_177 = arith.constant 48 : i32
          %add3A_178 = arith.addi %select_n3A, %add3A_177 : i32
          %get3A_179 = arith.index_cast %add3A_176 : i32 to index
          %get3A_180 = arith.index_cast %add3A_178 : i32 to index
          %get3A_181 = tpu.vector_load %arg10[%get3A_179, %get3A_180] {strides = array<i32>} : memref<832x128xf32, #tpu.memory_space<vmem>>, vector<1x16xf32>,
          %get3A_182 = vector.shape_cast %get3A_181 : vector<1x16xf32> to vector<16xf32>
          %add3A_183 = arith.addf %get3A_140, %get3A_182 : vector<16xf32>
          %add3A_184 = arith.constant 1 : i32
          %add3A_185 = arith.addi %mul3A_125, %add3A_184 : i32
          %get3A_186 = arith.index_cast %add3A_185 : i32 to index
          %get3A_187 = tpu.vector_load %arg7[%get3A_186] {strides = array<i32>} : memref<848xi32, #tpu.memory_space<vmem>>, vector<16xi32>,
          %get3A_188 = vector.shape_cast %get3A_187 : vector<16xi32> to vector<16xi32>
          %slice3A_189 = vector.extract_strided_slice %get3A_188 {offsets = [0], sizes = [1], strides = [1]} : vector<16xi32> to vector<1xi32>
          %squeeze3A_190 = vector.extract %slice3A_189[0] : i32 from vector<1xi32>
          %ge3A_191 = arith.constant 51200 : i32
          %ge3A_192 = arith.cmpi sge, %squeeze3A_190, %ge3A_191 : i32
          %jit3A_193 = arith.constant 64 : i32
          %jit3A_194 = arith.constant 0 : i32
          %select_n3A_195 = arith.select %ge3A_192, %jit3A_193, %jit3A_194 : i32
          %add3A_196 = arith.constant 1 : i32
          %add3A_197 = arith.addi %mul3A_125, %add3A_196 : i32
          %add3A_198 = arith.constant 0 : i32
          %add3A_199 = arith.addi %select_n3A_195, %add3A_198 : i32
          %get3A_200 = arith.index_cast %add3A_197 : i32 to index
          %get3A_201 = arith.index_cast %add3A_199 : i32 to index
          %get3A_202 = tpu.vector_load %arg10[%get3A_200, %get3A_201] {strides = array<i32>} : memref<832x128xf32, #tpu.memory_space<vmem>>, vector<1x16xf32>,
          %get3A_203 = vector.shape_cast %get3A_202 : vector<1x16xf32> to vector<16xf32>
          %add3A_204 = arith.addf %add3A_156, %get3A_203 : vector<16xf32>
          %add3A_205 = arith.constant 1 : i32
          %add3A_206 = arith.addi %mul3A_125, %add3A_205 : i32
          %add3A_207 = arith.constant 16 : i32
          %add3A_208 = arith.addi %select_n3A_195, %add3A_207 : i32
          %get3A_209 = arith.index_cast %add3A_206 : i32 to index
          %get3A_210 = arith.index_cast %add3A_208 : i32 to index
          %get3A_211 = tpu.vector_load %arg10[%get3A_209, %get3A_210] {strides = array<i32>} : memref<832x128xf32, #tpu.memory_space<vmem>>, vector<1x16xf32>,
          %get3A_212 = vector.shape_cast %get3A_211 : vector<1x16xf32> to vector<16xf32>
          %add3A_213 = arith.addf %add3A_165, %get3A_212 : vector<16xf32>
          %add3A_214 = arith.constant 1 : i32
          %add3A_215 = arith.addi %mul3A_125, %add3A_214 : i32
          %add3A_216 = arith.constant 32 : i32
          %add3A_217 = arith.addi %select_n3A_195, %add3A_216 : i32
          %get3A_218 = arith.index_cast %add3A_215 : i32 to index
          %get3A_219 = arith.index_cast %add3A_217 : i32 to index
          %get3A_220 = tpu.vector_load %arg10[%get3A_218, %get3A_219] {strides = array<i32>} : memref<832x128xf32, #tpu.memory_space<vmem>>, vector<1x16xf32>,
          %get3A_221 = vector.shape_cast %get3A_220 : vector<1x16xf32> to vector<16xf32>
          %add3A_222 = arith.addf %add3A_174, %get3A_221 : vector<16xf32>
          %add3A_223 = arith.constant 1 : i32
          %add3A_224 = arith.addi %mul3A_125, %add3A_223 : i32
          %add3A_225 = arith.constant 48 : i32
          %add3A_226 = arith.addi %select_n3A_195, %add3A_225 : i32
          %get3A_227 = arith.index_cast %add3A_224 : i32 to index
          %get3A_228 = arith.index_cast %add3A_226 : i32 to index
          %get3A_229 = tpu.vector_load %arg10[%get3A_227, %get3A_228] {strides = array<i32>} : memref<832x128xf32, #tpu.memory_space<vmem>>, vector<1x16xf32>,
          %get3A_230 = vector.shape_cast %get3A_229 : vector<1x16xf32> to vector<16xf32>
          %add3A_231 = arith.addf %add3A_183, %get3A_230 : vector<16xf32>
          %add3A_232 = arith.constant 2 : i32
          %add3A_233 = arith.addi %mul3A_125, %add3A_232 : i32
          %get3A_234 = arith.index_cast %add3A_233 : i32 to index
          %get3A_235 = tpu.vector_load %arg7[%get3A_234] {strides = array<i32>} : memref<848xi32, #tpu.memory_space<vmem>>, vector<16xi32>,
          %get3A_236 = vector.shape_cast %get3A_235 : vector<16xi32> to vector<16xi32>
          %slice3A_237 = vector.extract_strided_slice %get3A_236 {offsets = [0], sizes = [1], strides = [1]} : vector<16xi32> to vector<1xi32>
          %squeeze3A_238 = vector.extract %slice3A_237[0] : i32 from vector<1xi32>
          %ge3A_239 = arith.constant 51200 : i32
          %ge3A_240 = arith.cmpi sge, %squeeze3A_238, %ge3A_239 : i32
          %jit3A_241 = arith.constant 64 : i32
          %jit3A_242 = arith.constant 0 : i32
          %select_n3A_243 = arith.select %ge3A_240, %jit3A_241, %jit3A_242 : i32
          %add3A_244 = arith.constant 2 : i32
          %add3A_245 = arith.addi %mul3A_125, %add3A_244 : i32
          %add3A_246 = arith.constant 0 : i32
          %add3A_247 = arith.addi %select_n3A_243, %add3A_246 : i32
          %get3A_248 = arith.index_cast %add3A_245 : i32 to index
          %get3A_249 = arith.index_cast %add3A_247 : i32 to index
          %get3A_250 = tpu.vector_load %arg10[%get3A_248, %get3A_249] {strides = array<i32>} : memref<832x128xf32, #tpu.memory_space<vmem>>, vector<1x16xf32>,
          %get3A_251 = vector.shape_cast %get3A_250 : vector<1x16xf32> to vector<16xf32>
          %add3A_252 = arith.addf %add3A_204, %get3A_251 : vector<16xf32>
          %add3A_253 = arith.constant 2 : i32
          %add3A_254 = arith.addi %mul3A_125, %add3A_253 : i32
          %add3A_255 = arith.constant 16 : i32
          %add3A_256 = arith.addi %select_n3A_243, %add3A_255 : i32
          %get3A_257 = arith.index_cast %add3A_254 : i32 to index
          %get3A_258 = arith.index_cast %add3A_256 : i32 to index
          %get3A_259 = tpu.vector_load %arg10[%get3A_257, %get3A_258] {strides = array<i32>} : memref<832x128xf32, #tpu.memory_space<vmem>>, vector<1x16xf32>,
          %get3A_260 = vector.shape_cast %get3A_259 : vector<1x16xf32> to vector<16xf32>
          %add3A_261 = arith.addf %add3A_213, %get3A_260 : vector<16xf32>
          %add3A_262 = arith.constant 2 : i32
          %add3A_263 = arith.addi %mul3A_125, %add3A_262 : i32
          %add3A_264 = arith.constant 32 : i32
          %add3A_265 = arith.addi %select_n3A_243, %add3A_264 : i32
          %get3A_266 = arith.index_cast %add3A_263 : i32 to index
          %get3A_267 = arith.index_cast %add3A_265 : i32 to index
          %get3A_268 = tpu.vector_load %arg10[%get3A_266, %get3A_267] {strides = array<i32>} : memref<832x128xf32, #tpu.memory_space<vmem>>, vector<1x16xf32>,
          %get3A_269 = vector.shape_cast %get3A_268 : vector<1x16xf32> to vector<16xf32>
          %add3A_270 = arith.addf %add3A_222, %get3A_269 : vector<16xf32>
          %add3A_271 = arith.constant 2 : i32
          %add3A_272 = arith.addi %mul3A_125, %add3A_271 : i32
          %add3A_273 = arith.constant 48 : i32
          %add3A_274 = arith.addi %select_n3A_243, %add3A_273 : i32
          %get3A_275 = arith.index_cast %add3A_272 : i32 to index
          %get3A_276 = arith.index_cast %add3A_274 : i32 to index
          %get3A_277 = tpu.vector_load %arg10[%get3A_275, %get3A_276] {strides = array<i32>} : memref<832x128xf32, #tpu.memory_space<vmem>>, vector<1x16xf32>,
          %get3A_278 = vector.shape_cast %get3A_277 : vector<1x16xf32> to vector<16xf32>
          %add3A_279 = arith.addf %add3A_231, %get3A_278 : vector<16xf32>
          %add3A_280 = arith.constant 3 : i32
          %add3A_281 = arith.addi %mul3A_125, %add3A_280 : i32
          %get3A_282 = arith.index_cast %add3A_281 : i32 to index
          %get3A_283 = tpu.vector_load %arg7[%get3A_282] {strides = array<i32>} : memref<848xi32, #tpu.memory_space<vmem>>, vector<16xi32>,
          %get3A_284 = vector.shape_cast %get3A_283 : vector<16xi32> to vector<16xi32>
          %slice3A_285 = vector.extract_strided_slice %get3A_284 {offsets = [0], sizes = [1], strides = [1]} : vector<16xi32> to vector<1xi32>
          %squeeze3A_286 = vector.extract %slice3A_285[0] : i32 from vector<1xi32>
          %ge3A_287 = arith.constant 51200 : i32
          %ge3A_288 = arith.cmpi sge, %squeeze3A_286, %ge3A_287 : i32
          %jit3A_289 = arith.constant 64 : i32
          %jit3A_290 = arith.constant 0 : i32
          %select_n3A_291 = arith.select %ge3A_288, %jit3A_289, %jit3A_290 : i32
          %add3A_292 = arith.constant 3 : i32
          %add3A_293 = arith.addi %mul3A_125, %add3A_292 : i32
          %add3A_294 = arith.constant 0 : i32
          %add3A_295 = arith.addi %select_n3A_291, %add3A_294 : i32
          %get3A_296 = arith.index_cast %add3A_293 : i32 to index
          %get3A_297 = arith.index_cast %add3A_295 : i32 to index
          %get3A_298 = tpu.vector_load %arg10[%get3A_296, %get3A_297] {strides = array<i32>} : memref<832x128xf32, #tpu.memory_space<vmem>>, vector<1x16xf32>,
          %get3A_299 = vector.shape_cast %get3A_298 : vector<1x16xf32> to vector<16xf32>
          %add3A_300 = arith.addf %add3A_252, %get3A_299 : vector<16xf32>
          %add3A_301 = arith.constant 3 : i32
          %add3A_302 = arith.addi %mul3A_125, %add3A_301 : i32
          %add3A_303 = arith.constant 16 : i32
          %add3A_304 = arith.addi %select_n3A_291, %add3A_303 : i32
          %get3A_305 = arith.index_cast %add3A_302 : i32 to index
          %get3A_306 = arith.index_cast %add3A_304 : i32 to index
          %get3A_307 = tpu.vector_load %arg10[%get3A_305, %get3A_306] {strides = array<i32>} : memref<832x128xf32, #tpu.memory_space<vmem>>, vector<1x16xf32>,
          %get3A_308 = vector.shape_cast %get3A_307 : vector<1x16xf32> to vector<16xf32>
          %add3A_309 = arith.addf %add3A_261, %get3A_308 : vector<16xf32>
          %add3A_310 = arith.constant 3 : i32
          %add3A_311 = arith.addi %mul3A_125, %add3A_310 : i32
          %add3A_312 = arith.constant 32 : i32
          %add3A_313 = arith.addi %select_n3A_291, %add3A_312 : i32
          %get3A_314 = arith.index_cast %add3A_311 : i32 to index
          %get3A_315 = arith.index_cast %add3A_313 : i32 to index
          %get3A_316 = tpu.vector_load %arg10[%get3A_314, %get3A_315] {strides = array<i32>} : memref<832x128xf32, #tpu.memory_space<vmem>>, vector<1x16xf32>,
          %get3A_317 = vector.shape_cast %get3A_316 : vector<1x16xf32> to vector<16xf32>
          %add3A_318 = arith.addf %add3A_270, %get3A_317 : vector<16xf32>
          %add3A_319 = arith.constant 3 : i32
          %add3A_320 = arith.addi %mul3A_125, %add3A_319 : i32
          %add3A_321 = arith.constant 48 : i32
          %add3A_322 = arith.addi %select_n3A_291, %add3A_321 : i32
          %get3A_323 = arith.index_cast %add3A_320 : i32 to index
          %get3A_324 = arith.index_cast %add3A_322 : i32 to index
          %get3A_325 = tpu.vector_load %arg10[%get3A_323, %get3A_324] {strides = array<i32>} : memref<832x128xf32, #tpu.memory_space<vmem>>, vector<1x16xf32>,
          %get3A_326 = vector.shape_cast %get3A_325 : vector<1x16xf32> to vector<16xf32>
          %add3A_327 = arith.addf %add3A_279, %get3A_326 : vector<16xf32>
          %add3A_328 = arith.constant 4 : i32
          %add3A_329 = arith.addi %mul3A_125, %add3A_328 : i32
          %get3A_330 = arith.index_cast %add3A_329 : i32 to index
          %get3A_331 = tpu.vector_load %arg7[%get3A_330] {strides = array<i32>} : memref<848xi32, #tpu.memory_space<vmem>>, vector<16xi32>,
          %get3A_332 = vector.shape_cast %get3A_331 : vector<16xi32> to vector<16xi32>
          %slice3A_333 = vector.extract_strided_slice %get3A_332 {offsets = [0], sizes = [1], strides = [1]} : vector<16xi32> to vector<1xi32>
          %squeeze3A_334 = vector.extract %slice3A_333[0] : i32 from vector<1xi32>
          %ge3A_335 = arith.constant 51200 : i32
          %ge3A_336 = arith.cmpi sge, %squeeze3A_334, %ge3A_335 : i32
          %jit3A_337 = arith.constant 64 : i32
          %jit3A_338 = arith.constant 0 : i32
          %select_n3A_339 = arith.select %ge3A_336, %jit3A_337, %jit3A_338 : i32
          %add3A_340 = arith.constant 4 : i32
          %add3A_341 = arith.addi %mul3A_125, %add3A_340 : i32
          %add3A_342 = arith.constant 0 : i32
          %add3A_343 = arith.addi %select_n3A_339, %add3A_342 : i32
          %get3A_344 = arith.index_cast %add3A_341 : i32 to index
          %get3A_345 = arith.index_cast %add3A_343 : i32 to index
          %get3A_346 = tpu.vector_load %arg10[%get3A_344, %get3A_345] {strides = array<i32>} : memref<832x128xf32, #tpu.memory_space<vmem>>, vector<1x16xf32>,
          %get3A_347 = vector.shape_cast %get3A_346 : vector<1x16xf32> to vector<16xf32>
          %add3A_348 = arith.addf %add3A_300, %get3A_347 : vector<16xf32>
          %add3A_349 = arith.constant 4 : i32
          %add3A_350 = arith.addi %mul3A_125, %add3A_349 : i32
          %add3A_351 = arith.constant 16 : i32
          %add3A_352 = arith.addi %select_n3A_339, %add3A_351 : i32
          %get3A_353 = arith.index_cast %add3A_350 : i32 to index
          %get3A_354 = arith.index_cast %add3A_352 : i32 to index
          %get3A_355 = tpu.vector_load %arg10[%get3A_353, %get3A_354] {strides = array<i32>} : memref<832x128xf32, #tpu.memory_space<vmem>>, vector<1x16xf32>,
          %get3A_356 = vector.shape_cast %get3A_355 : vector<1x16xf32> to vector<16xf32>
          %add3A_357 = arith.addf %add3A_309, %get3A_356 : vector<16xf32>
          %add3A_358 = arith.constant 4 : i32
          %add3A_359 = arith.addi %mul3A_125, %add3A_358 : i32
          %add3A_360 = arith.constant 32 : i32
          %add3A_361 = arith.addi %select_n3A_339, %add3A_360 : i32
          %get3A_362 = arith.index_cast %add3A_359 : i32 to index
          %get3A_363 = arith.index_cast %add3A_361 : i32 to index
          %get3A_364 = tpu.vector_load %arg10[%get3A_362, %get3A_363] {strides = array<i32>} : memref<832x128xf32, #tpu.memory_space<vmem>>, vector<1x16xf32>,
          %get3A_365 = vector.shape_cast %get3A_364 : vector<1x16xf32> to vector<16xf32>
          %add3A_366 = arith.addf %add3A_318, %get3A_365 : vector<16xf32>
          %add3A_367 = arith.constant 4 : i32
          %add3A_368 = arith.addi %mul3A_125, %add3A_367 : i32
          %add3A_369 = arith.constant 48 : i32
          %add3A_370 = arith.addi %select_n3A_339, %add3A_369 : i32
          %get3A_371 = arith.index_cast %add3A_368 : i32 to index
          %get3A_372 = arith.index_cast %add3A_370 : i32 to index
          %get3A_373 = tpu.vector_load %arg10[%get3A_371, %get3A_372] {strides = array<i32>} : memref<832x128xf32, #tpu.memory_space<vmem>>, vector<1x16xf32>,
          %get3A_374 = vector.shape_cast %get3A_373 : vector<1x16xf32> to vector<16xf32>
          %add3A_375 = arith.addf %add3A_327, %get3A_374 : vector<16xf32>
          %add3A_376 = arith.constant 5 : i32
          %add3A_377 = arith.addi %mul3A_125, %add3A_376 : i32
          %get3A_378 = arith.index_cast %add3A_377 : i32 to index
          %get3A_379 = tpu.vector_load %arg7[%get3A_378] {strides = array<i32>} : memref<848xi32, #tpu.memory_space<vmem>>, vector<16xi32>,
          %get3A_380 = vector.shape_cast %get3A_379 : vector<16xi32> to vector<16xi32>
          %slice3A_381 = vector.extract_strided_slice %get3A_380 {offsets = [0], sizes = [1], strides = [1]} : vector<16xi32> to vector<1xi32>
          %squeeze3A_382 = vector.extract %slice3A_381[0] : i32 from vector<1xi32>
          %ge3A_383 = arith.constant 51200 : i32
          %ge3A_384 = arith.cmpi sge, %squeeze3A_382, %ge3A_383 : i32
          %jit3A_385 = arith.constant 64 : i32
          %jit3A_386 = arith.constant 0 : i32
          %select_n3A_387 = arith.select %ge3A_384, %jit3A_385, %jit3A_386 : i32
          %add3A_388 = arith.constant 5 : i32
          %add3A_389 = arith.addi %mul3A_125, %add3A_388 : i32
          %add3A_390 = arith.constant 0 : i32
          %add3A_391 = arith.addi %select_n3A_387, %add3A_390 : i32
          %get3A_392 = arith.index_cast %add3A_389 : i32 to index
          %get3A_393 = arith.index_cast %add3A_391 : i32 to index
          %get3A_394 = tpu.vector_load %arg10[%get3A_392, %get3A_393] {strides = array<i32>} : memref<832x128xf32, #tpu.memory_space<vmem>>, vector<1x16xf32>,
          %get3A_395 = vector.shape_cast %get3A_394 : vector<1x16xf32> to vector<16xf32>
          %add3A_396 = arith.addf %add3A_348, %get3A_395 : vector<16xf32>
          %add3A_397 = arith.constant 5 : i32
          %add3A_398 = arith.addi %mul3A_125, %add3A_397 : i32
          %add3A_399 = arith.constant 16 : i32
          %add3A_400 = arith.addi %select_n3A_387, %add3A_399 : i32
          %get3A_401 = arith.index_cast %add3A_398 : i32 to index
          %get3A_402 = arith.index_cast %add3A_400 : i32 to index
          %get3A_403 = tpu.vector_load %arg10[%get3A_401, %get3A_402] {strides = array<i32>} : memref<832x128xf32, #tpu.memory_space<vmem>>, vector<1x16xf32>,
          %get3A_404 = vector.shape_cast %get3A_403 : vector<1x16xf32> to vector<16xf32>
          %add3A_405 = arith.addf %add3A_357, %get3A_404 : vector<16xf32>
          %add3A_406 = arith.constant 5 : i32
          %add3A_407 = arith.addi %mul3A_125, %add3A_406 : i32
          %add3A_408 = arith.constant 32 : i32
          %add3A_409 = arith.addi %select_n3A_387, %add3A_408 : i32
          %get3A_410 = arith.index_cast %add3A_407 : i32 to index
          %get3A_411 = arith.index_cast %add3A_409 : i32 to index
          %get3A_412 = tpu.vector_load %arg10[%get3A_410, %get3A_411] {strides = array<i32>} : memref<832x128xf32, #tpu.memory_space<vmem>>, vector<1x16xf32>,
          %get3A_413 = vector.shape_cast %get3A_412 : vector<1x16xf32> to vector<16xf32>
          %add3A_414 = arith.addf %add3A_366, %get3A_413 : vector<16xf32>
          %add3A_415 = arith.constant 5 : i32
          %add3A_416 = arith.addi %mul3A_125, %add3A_415 : i32
          %add3A_417 = arith.constant 48 : i32
          %add3A_418 = arith.addi %select_n3A_387, %add3A_417 : i32
          %get3A_419 = arith.index_cast %add3A_416 : i32 to index
          %get3A_420 = arith.index_cast %add3A_418 : i32 to index
          %get3A_421 = tpu.vector_load %arg10[%get3A_419, %get3A_420] {strides = array<i32>} : memref<832x128xf32, #tpu.memory_space<vmem>>, vector<1x16xf32>,
          %get3A_422 = vector.shape_cast %get3A_421 : vector<1x16xf32> to vector<16xf32>
          %add3A_423 = arith.addf %add3A_375, %get3A_422 : vector<16xf32>
          %add3A_424 = arith.constant 6 : i32
          %add3A_425 = arith.addi %mul3A_125, %add3A_424 : i32
          %get3A_426 = arith.index_cast %add3A_425 : i32 to index
          %get3A_427 = tpu.vector_load %arg7[%get3A_426] {strides = array<i32>} : memref<848xi32, #tpu.memory_space<vmem>>, vector<16xi32>,
          %get3A_428 = vector.shape_cast %get3A_427 : vector<16xi32> to vector<16xi32>
          %slice3A_429 = vector.extract_strided_slice %get3A_428 {offsets = [0], sizes = [1], strides = [1]} : vector<16xi32> to vector<1xi32>
          %squeeze3A_430 = vector.extract %slice3A_429[0] : i32 from vector<1xi32>
          %ge3A_431 = arith.constant 51200 : i32
          %ge3A_432 = arith.cmpi sge, %squeeze3A_430, %ge3A_431 : i32
          %jit3A_433 = arith.constant 64 : i32
          %jit3A_434 = arith.constant 0 : i32
          %select_n3A_435 = arith.select %ge3A_432, %jit3A_433, %jit3A_434 : i32
          %add3A_436 = arith.constant 6 : i32
          %add3A_437 = arith.addi %mul3A_125, %add3A_436 : i32
          %add3A_438 = arith.constant 0 : i32
          %add3A_439 = arith.addi %select_n3A_435, %add3A_438 : i32
          %get3A_440 = arith.index_cast %add3A_437 : i32 to index
          %get3A_441 = arith.index_cast %add3A_439 : i32 to index
          %get3A_442 = tpu.vector_load %arg10[%get3A_440, %get3A_441] {strides = array<i32>} : memref<832x128xf32, #tpu.memory_space<vmem>>, vector<1x16xf32>,
          %get3A_443 = vector.shape_cast %get3A_442 : vector<1x16xf32> to vector<16xf32>
          %add3A_444 = arith.addf %add3A_396, %get3A_443 : vector<16xf32>
          %add3A_445 = arith.constant 6 : i32
          %add3A_446 = arith.addi %mul3A_125, %add3A_445 : i32
          %add3A_447 = arith.constant 16 : i32
          %add3A_448 = arith.addi %select_n3A_435, %add3A_447 : i32
          %get3A_449 = arith.index_cast %add3A_446 : i32 to index
          %get3A_450 = arith.index_cast %add3A_448 : i32 to index
          %get3A_451 = tpu.vector_load %arg10[%get3A_449, %get3A_450] {strides = array<i32>} : memref<832x128xf32, #tpu.memory_space<vmem>>, vector<1x16xf32>,
          %get3A_452 = vector.shape_cast %get3A_451 : vector<1x16xf32> to vector<16xf32>
          %add3A_453 = arith.addf %add3A_405, %get3A_452 : vector<16xf32>
          %add3A_454 = arith.constant 6 : i32
          %add3A_455 = arith.addi %mul3A_125, %add3A_454 : i32
          %add3A_456 = arith.constant 32 : i32
          %add3A_457 = arith.addi %select_n3A_435, %add3A_456 : i32
          %get3A_458 = arith.index_cast %add3A_455 : i32 to index
          %get3A_459 = arith.index_cast %add3A_457 : i32 to index
          %get3A_460 = tpu.vector_load %arg10[%get3A_458, %get3A_459] {strides = array<i32>} : memref<832x128xf32, #tpu.memory_space<vmem>>, vector<1x16xf32>,
          %get3A_461 = vector.shape_cast %get3A_460 : vector<1x16xf32> to vector<16xf32>
          %add3A_462 = arith.addf %add3A_414, %get3A_461 : vector<16xf32>
          %add3A_463 = arith.constant 6 : i32
          %add3A_464 = arith.addi %mul3A_125, %add3A_463 : i32
          %add3A_465 = arith.constant 48 : i32
          %add3A_466 = arith.addi %select_n3A_435, %add3A_465 : i32
          %get3A_467 = arith.index_cast %add3A_464 : i32 to index
          %get3A_468 = arith.index_cast %add3A_466 : i32 to index
          %get3A_469 = tpu.vector_load %arg10[%get3A_467, %get3A_468] {strides = array<i32>} : memref<832x128xf32, #tpu.memory_space<vmem>>, vector<1x16xf32>,
          %get3A_470 = vector.shape_cast %get3A_469 : vector<1x16xf32> to vector<16xf32>
          %add3A_471 = arith.addf %add3A_423, %get3A_470 : vector<16xf32>
          %add3A_472 = arith.constant 7 : i32
          %add3A_473 = arith.addi %mul3A_125, %add3A_472 : i32
          %get3A_474 = arith.index_cast %add3A_473 : i32 to index
          %get3A_475 = tpu.vector_load %arg7[%get3A_474] {strides = array<i32>} : memref<848xi32, #tpu.memory_space<vmem>>, vector<16xi32>,
          %get3A_476 = vector.shape_cast %get3A_475 : vector<16xi32> to vector<16xi32>
          %slice3A_477 = vector.extract_strided_slice %get3A_476 {offsets = [0], sizes = [1], strides = [1]} : vector<16xi32> to vector<1xi32>
          %squeeze3A_478 = vector.extract %slice3A_477[0] : i32 from vector<1xi32>
          %ge3A_479 = arith.constant 51200 : i32
          %ge3A_480 = arith.cmpi sge, %squeeze3A_478, %ge3A_479 : i32
          %jit3A_481 = arith.constant 64 : i32
          %jit3A_482 = arith.constant 0 : i32
          %select_n3A_483 = arith.select %ge3A_480, %jit3A_481, %jit3A_482 : i32
          %add3A_484 = arith.constant 7 : i32
          %add3A_485 = arith.addi %mul3A_125, %add3A_484 : i32
          %add3A_486 = arith.constant 0 : i32
          %add3A_487 = arith.addi %select_n3A_483, %add3A_486 : i32
          %get3A_488 = arith.index_cast %add3A_485 : i32 to index
          %get3A_489 = arith.index_cast %add3A_487 : i32 to index
          %get3A_490 = tpu.vector_load %arg10[%get3A_488, %get3A_489] {strides = array<i32>} : memref<832x128xf32, #tpu.memory_space<vmem>>, vector<1x16xf32>,
          %get3A_491 = vector.shape_cast %get3A_490 : vector<1x16xf32> to vector<16xf32>
          %add3A_492 = arith.addf %add3A_444, %get3A_491 : vector<16xf32>
          %add3A_493 = arith.constant 7 : i32
          %add3A_494 = arith.addi %mul3A_125, %add3A_493 : i32
          %add3A_495 = arith.constant 16 : i32
          %add3A_496 = arith.addi %select_n3A_483, %add3A_495 : i32
          %get3A_497 = arith.index_cast %add3A_494 : i32 to index
          %get3A_498 = arith.index_cast %add3A_496 : i32 to index
          %get3A_499 = tpu.vector_load %arg10[%get3A_497, %get3A_498] {strides = array<i32>} : memref<832x128xf32, #tpu.memory_space<vmem>>, vector<1x16xf32>,
          %get3A_500 = vector.shape_cast %get3A_499 : vector<1x16xf32> to vector<16xf32>
          %add3A_501 = arith.addf %add3A_453, %get3A_500 : vector<16xf32>
          %add3A_502 = arith.constant 7 : i32
          %add3A_503 = arith.addi %mul3A_125, %add3A_502 : i32
          %add3A_504 = arith.constant 32 : i32
          %add3A_505 = arith.addi %select_n3A_483, %add3A_504 : i32
          %get3A_506 = arith.index_cast %add3A_503 : i32 to index
          %get3A_507 = arith.index_cast %add3A_505 : i32 to index
          %get3A_508 = tpu.vector_load %arg10[%get3A_506, %get3A_507] {strides = array<i32>} : memref<832x128xf32, #tpu.memory_space<vmem>>, vector<1x16xf32>,
          %get3A_509 = vector.shape_cast %get3A_508 : vector<1x16xf32> to vector<16xf32>
          %add3A_510 = arith.addf %add3A_462, %get3A_509 : vector<16xf32>
          %add3A_511 = arith.constant 7 : i32
          %add3A_512 = arith.addi %mul3A_125, %add3A_511 : i32
          %add3A_513 = arith.constant 48 : i32
          %add3A_514 = arith.addi %select_n3A_483, %add3A_513 : i32
          %get3A_515 = arith.index_cast %add3A_512 : i32 to index
          %get3A_516 = arith.index_cast %add3A_514 : i32 to index
          %get3A_517 = tpu.vector_load %arg10[%get3A_515, %get3A_516] {strides = array<i32>} : memref<832x128xf32, #tpu.memory_space<vmem>>, vector<1x16xf32>,
          %get3A_518 = vector.shape_cast %get3A_517 : vector<1x16xf32> to vector<16xf32>
          %add3A_519 = arith.addf %add3A_471, %get3A_518 : vector<16xf32>
          %add3A_520 = arith.constant 8 : i32
          %add3A_521 = arith.addi %mul3A_125, %add3A_520 : i32
          %get3A_522 = arith.index_cast %add3A_521 : i32 to index
          %get3A_523 = tpu.vector_load %arg7[%get3A_522] {strides = array<i32>} : memref<848xi32, #tpu.memory_space<vmem>>, vector<16xi32>,
          %get3A_524 = vector.shape_cast %get3A_523 : vector<16xi32> to vector<16xi32>
          %slice3A_525 = vector.extract_strided_slice %get3A_524 {offsets = [0], sizes = [1], strides = [1]} : vector<16xi32> to vector<1xi32>
          %squeeze3A_526 = vector.extract %slice3A_525[0] : i32 from vector<1xi32>
          %ge3A_527 = arith.constant 51200 : i32
          %ge3A_528 = arith.cmpi sge, %squeeze3A_526, %ge3A_527 : i32
          %jit3A_529 = arith.constant 64 : i32
          %jit3A_530 = arith.constant 0 : i32
          %select_n3A_531 = arith.select %ge3A_528, %jit3A_529, %jit3A_530 : i32
          %add3A_532 = arith.constant 8 : i32
          %add3A_533 = arith.addi %mul3A_125, %add3A_532 : i32
          %add3A_534 = arith.constant 0 : i32
          %add3A_535 = arith.addi %select_n3A_531, %add3A_534 : i32
          %get3A_536 = arith.index_cast %add3A_533 : i32 to index
          %get3A_537 = arith.index_cast %add3A_535 : i32 to index
          %get3A_538 = tpu.vector_load %arg10[%get3A_536, %get3A_537] {strides = array<i32>} : memref<832x128xf32, #tpu.memory_space<vmem>>, vector<1x16xf32>,
          %get3A_539 = vector.shape_cast %get3A_538 : vector<1x16xf32> to vector<16xf32>
          %add3A_540 = arith.addf %add3A_492, %get3A_539 : vector<16xf32>
          %add3A_541 = arith.constant 8 : i32
          %add3A_542 = arith.addi %mul3A_125, %add3A_541 : i32
          %add3A_543 = arith.constant 16 : i32
          %add3A_544 = arith.addi %select_n3A_531, %add3A_543 : i32
          %get3A_545 = arith.index_cast %add3A_542 : i32 to index
          %get3A_546 = arith.index_cast %add3A_544 : i32 to index
          %get3A_547 = tpu.vector_load %arg10[%get3A_545, %get3A_546] {strides = array<i32>} : memref<832x128xf32, #tpu.memory_space<vmem>>, vector<1x16xf32>,
          %get3A_548 = vector.shape_cast %get3A_547 : vector<1x16xf32> to vector<16xf32>
          %add3A_549 = arith.addf %add3A_501, %get3A_548 : vector<16xf32>
          %add3A_550 = arith.constant 8 : i32
          %add3A_551 = arith.addi %mul3A_125, %add3A_550 : i32
          %add3A_552 = arith.constant 32 : i32
          %add3A_553 = arith.addi %select_n3A_531, %add3A_552 : i32
          %get3A_554 = arith.index_cast %add3A_551 : i32 to index
          %get3A_555 = arith.index_cast %add3A_553 : i32 to index
          %get3A_556 = tpu.vector_load %arg10[%get3A_554, %get3A_555] {strides = array<i32>} : memref<832x128xf32, #tpu.memory_space<vmem>>, vector<1x16xf32>,
          %get3A_557 = vector.shape_cast %get3A_556 : vector<1x16xf32> to vector<16xf32>
          %add3A_558 = arith.addf %add3A_510, %get3A_557 : vector<16xf32>
          %add3A_559 = arith.constant 8 : i32
          %add3A_560 = arith.addi %mul3A_125, %add3A_559 : i32
          %add3A_561 = arith.constant 48 : i32
          %add3A_562 = arith.addi %select_n3A_531, %add3A_561 : i32
          %get3A_563 = arith.index_cast %add3A_560 : i32 to index
          %get3A_564 = arith.index_cast %add3A_562 : i32 to index
          %get3A_565 = tpu.vector_load %arg10[%get3A_563, %get3A_564] {strides = array<i32>} : memref<832x128xf32, #tpu.memory_space<vmem>>, vector<1x16xf32>,
          %get3A_566 = vector.shape_cast %get3A_565 : vector<1x16xf32> to vector<16xf32>
          %add3A_567 = arith.addf %add3A_519, %get3A_566 : vector<16xf32>
          %add3A_568 = arith.constant 9 : i32
          %add3A_569 = arith.addi %mul3A_125, %add3A_568 : i32
          %get3A_570 = arith.index_cast %add3A_569 : i32 to index
          %get3A_571 = tpu.vector_load %arg7[%get3A_570] {strides = array<i32>} : memref<848xi32, #tpu.memory_space<vmem>>, vector<16xi32>,
          %get3A_572 = vector.shape_cast %get3A_571 : vector<16xi32> to vector<16xi32>
          %slice3A_573 = vector.extract_strided_slice %get3A_572 {offsets = [0], sizes = [1], strides = [1]} : vector<16xi32> to vector<1xi32>
          %squeeze3A_574 = vector.extract %slice3A_573[0] : i32 from vector<1xi32>
          %ge3A_575 = arith.constant 51200 : i32
          %ge3A_576 = arith.cmpi sge, %squeeze3A_574, %ge3A_575 : i32
          %jit3A_577 = arith.constant 64 : i32
          %jit3A_578 = arith.constant 0 : i32
          %select_n3A_579 = arith.select %ge3A_576, %jit3A_577, %jit3A_578 : i32
          %add3A_580 = arith.constant 9 : i32
          %add3A_581 = arith.addi %mul3A_125, %add3A_580 : i32
          %add3A_582 = arith.constant 0 : i32
          %add3A_583 = arith.addi %select_n3A_579, %add3A_582 : i32
          %get3A_584 = arith.index_cast %add3A_581 : i32 to index
          %get3A_585 = arith.index_cast %add3A_583 : i32 to index
          %get3A_586 = tpu.vector_load %arg10[%get3A_584, %get3A_585] {strides = array<i32>} : memref<832x128xf32, #tpu.memory_space<vmem>>, vector<1x16xf32>,
          %get3A_587 = vector.shape_cast %get3A_586 : vector<1x16xf32> to vector<16xf32>
          %add3A_588 = arith.addf %add3A_540, %get3A_587 : vector<16xf32>
          %add3A_589 = arith.constant 9 : i32
          %add3A_590 = arith.addi %mul3A_125, %add3A_589 : i32
          %add3A_591 = arith.constant 16 : i32
          %add3A_592 = arith.addi %select_n3A_579, %add3A_591 : i32
          %get3A_593 = arith.index_cast %add3A_590 : i32 to index
          %get3A_594 = arith.index_cast %add3A_592 : i32 to index
          %get3A_595 = tpu.vector_load %arg10[%get3A_593, %get3A_594] {strides = array<i32>} : memref<832x128xf32, #tpu.memory_space<vmem>>, vector<1x16xf32>,
          %get3A_596 = vector.shape_cast %get3A_595 : vector<1x16xf32> to vector<16xf32>
          %add3A_597 = arith.addf %add3A_549, %get3A_596 : vector<16xf32>
          %add3A_598 = arith.constant 9 : i32
          %add3A_599 = arith.addi %mul3A_125, %add3A_598 : i32
          %add3A_600 = arith.constant 32 : i32
          %add3A_601 = arith.addi %select_n3A_579, %add3A_600 : i32
          %get3A_602 = arith.index_cast %add3A_599 : i32 to index
          %get3A_603 = arith.index_cast %add3A_601 : i32 to index
          %get3A_604 = tpu.vector_load %arg10[%get3A_602, %get3A_603] {strides = array<i32>} : memref<832x128xf32, #tpu.memory_space<vmem>>, vector<1x16xf32>,
          %get3A_605 = vector.shape_cast %get3A_604 : vector<1x16xf32> to vector<16xf32>
          %add3A_606 = arith.addf %add3A_558, %get3A_605 : vector<16xf32>
          %add3A_607 = arith.constant 9 : i32
          %add3A_608 = arith.addi %mul3A_125, %add3A_607 : i32
          %add3A_609 = arith.constant 48 : i32
          %add3A_610 = arith.addi %select_n3A_579, %add3A_609 : i32
          %get3A_611 = arith.index_cast %add3A_608 : i32 to index
          %get3A_612 = arith.index_cast %add3A_610 : i32 to index
          %get3A_613 = tpu.vector_load %arg10[%get3A_611, %get3A_612] {strides = array<i32>} : memref<832x128xf32, #tpu.memory_space<vmem>>, vector<1x16xf32>,
          %get3A_614 = vector.shape_cast %get3A_613 : vector<1x16xf32> to vector<16xf32>
          %add3A_615 = arith.addf %add3A_567, %get3A_614 : vector<16xf32>
          %add3A_616 = arith.constant 10 : i32
          %add3A_617 = arith.addi %mul3A_125, %add3A_616 : i32
          %get3A_618 = arith.index_cast %add3A_617 : i32 to index
          %get3A_619 = tpu.vector_load %arg7[%get3A_618] {strides = array<i32>} : memref<848xi32, #tpu.memory_space<vmem>>, vector<16xi32>,
          %get3A_620 = vector.shape_cast %get3A_619 : vector<16xi32> to vector<16xi32>
          %slice3A_621 = vector.extract_strided_slice %get3A_620 {offsets = [0], sizes = [1], strides = [1]} : vector<16xi32> to vector<1xi32>
          %squeeze3A_622 = vector.extract %slice3A_621[0] : i32 from vector<1xi32>
          %ge3A_623 = arith.constant 51200 : i32
          %ge3A_624 = arith.cmpi sge, %squeeze3A_622, %ge3A_623 : i32
          %jit3A_625 = arith.constant 64 : i32
          %jit3A_626 = arith.constant 0 : i32
          %select_n3A_627 = arith.select %ge3A_624, %jit3A_625, %jit3A_626 : i32
          %add3A_628 = arith.constant 10 : i32
          %add3A_629 = arith.addi %mul3A_125, %add3A_628 : i32
          %add3A_630 = arith.constant 0 : i32
          %add3A_631 = arith.addi %select_n3A_627, %add3A_630 : i32
          %get3A_632 = arith.index_cast %add3A_629 : i32 to index
          %get3A_633 = arith.index_cast %add3A_631 : i32 to index
          %get3A_634 = tpu.vector_load %arg10[%get3A_632, %get3A_633] {strides = array<i32>} : memref<832x128xf32, #tpu.memory_space<vmem>>, vector<1x16xf32>,
          %get3A_635 = vector.shape_cast %get3A_634 : vector<1x16xf32> to vector<16xf32>
          %add3A_636 = arith.addf %add3A_588, %get3A_635 : vector<16xf32>
          %add3A_637 = arith.constant 10 : i32
          %add3A_638 = arith.addi %mul3A_125, %add3A_637 : i32
          %add3A_639 = arith.constant 16 : i32
          %add3A_640 = arith.addi %select_n3A_627, %add3A_639 : i32
          %get3A_641 = arith.index_cast %add3A_638 : i32 to index
          %get3A_642 = arith.index_cast %add3A_640 : i32 to index
          %get3A_643 = tpu.vector_load %arg10[%get3A_641, %get3A_642] {strides = array<i32>} : memref<832x128xf32, #tpu.memory_space<vmem>>, vector<1x16xf32>,
          %get3A_644 = vector.shape_cast %get3A_643 : vector<1x16xf32> to vector<16xf32>
          %add3A_645 = arith.addf %add3A_597, %get3A_644 : vector<16xf32>
          %add3A_646 = arith.constant 10 : i32
          %add3A_647 = arith.addi %mul3A_125, %add3A_646 : i32
          %add3A_648 = arith.constant 32 : i32
          %add3A_649 = arith.addi %select_n3A_627, %add3A_648 : i32
          %get3A_650 = arith.index_cast %add3A_647 : i32 to index
          %get3A_651 = arith.index_cast %add3A_649 : i32 to index
          %get3A_652 = tpu.vector_load %arg10[%get3A_650, %get3A_651] {strides = array<i32>} : memref<832x128xf32, #tpu.memory_space<vmem>>, vector<1x16xf32>,
          %get3A_653 = vector.shape_cast %get3A_652 : vector<1x16xf32> to vector<16xf32>
          %add3A_654 = arith.addf %add3A_606, %get3A_653 : vector<16xf32>
          %add3A_655 = arith.constant 10 : i32
          %add3A_656 = arith.addi %mul3A_125, %add3A_655 : i32
          %add3A_657 = arith.constant 48 : i32
          %add3A_658 = arith.addi %select_n3A_627, %add3A_657 : i32
          %get3A_659 = arith.index_cast %add3A_656 : i32 to index
          %get3A_660 = arith.index_cast %add3A_658 : i32 to index
          %get3A_661 = tpu.vector_load %arg10[%get3A_659, %get3A_660] {strides = array<i32>} : memref<832x128xf32, #tpu.memory_space<vmem>>, vector<1x16xf32>,
          %get3A_662 = vector.shape_cast %get3A_661 : vector<1x16xf32> to vector<16xf32>
          %add3A_663 = arith.addf %add3A_615, %get3A_662 : vector<16xf32>
          %add3A_664 = arith.constant 11 : i32
          %add3A_665 = arith.addi %mul3A_125, %add3A_664 : i32
          %get3A_666 = arith.index_cast %add3A_665 : i32 to index
          %get3A_667 = tpu.vector_load %arg7[%get3A_666] {strides = array<i32>} : memref<848xi32, #tpu.memory_space<vmem>>, vector<16xi32>,
          %get3A_668 = vector.shape_cast %get3A_667 : vector<16xi32> to vector<16xi32>
          %slice3A_669 = vector.extract_strided_slice %get3A_668 {offsets = [0], sizes = [1], strides = [1]} : vector<16xi32> to vector<1xi32>
          %squeeze3A_670 = vector.extract %slice3A_669[0] : i32 from vector<1xi32>
          %ge3A_671 = arith.constant 51200 : i32
          %ge3A_672 = arith.cmpi sge, %squeeze3A_670, %ge3A_671 : i32
          %jit3A_673 = arith.constant 64 : i32
          %jit3A_674 = arith.constant 0 : i32
          %select_n3A_675 = arith.select %ge3A_672, %jit3A_673, %jit3A_674 : i32
          %add3A_676 = arith.constant 11 : i32
          %add3A_677 = arith.addi %mul3A_125, %add3A_676 : i32
          %add3A_678 = arith.constant 0 : i32
          %add3A_679 = arith.addi %select_n3A_675, %add3A_678 : i32
          %get3A_680 = arith.index_cast %add3A_677 : i32 to index
          %get3A_681 = arith.index_cast %add3A_679 : i32 to index
          %get3A_682 = tpu.vector_load %arg10[%get3A_680, %get3A_681] {strides = array<i32>} : memref<832x128xf32, #tpu.memory_space<vmem>>, vector<1x16xf32>,
          %get3A_683 = vector.shape_cast %get3A_682 : vector<1x16xf32> to vector<16xf32>
          %add3A_684 = arith.addf %add3A_636, %get3A_683 : vector<16xf32>
          %add3A_685 = arith.constant 11 : i32
          %add3A_686 = arith.addi %mul3A_125, %add3A_685 : i32
          %add3A_687 = arith.constant 16 : i32
          %add3A_688 = arith.addi %select_n3A_675, %add3A_687 : i32
          %get3A_689 = arith.index_cast %add3A_686 : i32 to index
          %get3A_690 = arith.index_cast %add3A_688 : i32 to index
          %get3A_691 = tpu.vector_load %arg10[%get3A_689, %get3A_690] {strides = array<i32>} : memref<832x128xf32, #tpu.memory_space<vmem>>, vector<1x16xf32>,
          %get3A_692 = vector.shape_cast %get3A_691 : vector<1x16xf32> to vector<16xf32>
          %add3A_693 = arith.addf %add3A_645, %get3A_692 : vector<16xf32>
          %add3A_694 = arith.constant 11 : i32
          %add3A_695 = arith.addi %mul3A_125, %add3A_694 : i32
          %add3A_696 = arith.constant 32 : i32
          %add3A_697 = arith.addi %select_n3A_675, %add3A_696 : i32
          %get3A_698 = arith.index_cast %add3A_695 : i32 to index
          %get3A_699 = arith.index_cast %add3A_697 : i32 to index
          %get3A_700 = tpu.vector_load %arg10[%get3A_698, %get3A_699] {strides = array<i32>} : memref<832x128xf32, #tpu.memory_space<vmem>>, vector<1x16xf32>,
          %get3A_701 = vector.shape_cast %get3A_700 : vector<1x16xf32> to vector<16xf32>
          %add3A_702 = arith.addf %add3A_654, %get3A_701 : vector<16xf32>
          %add3A_703 = arith.constant 11 : i32
          %add3A_704 = arith.addi %mul3A_125, %add3A_703 : i32
          %add3A_705 = arith.constant 48 : i32
          %add3A_706 = arith.addi %select_n3A_675, %add3A_705 : i32
          %get3A_707 = arith.index_cast %add3A_704 : i32 to index
          %get3A_708 = arith.index_cast %add3A_706 : i32 to index
          %get3A_709 = tpu.vector_load %arg10[%get3A_707, %get3A_708] {strides = array<i32>} : memref<832x128xf32, #tpu.memory_space<vmem>>, vector<1x16xf32>,
          %get3A_710 = vector.shape_cast %get3A_709 : vector<1x16xf32> to vector<16xf32>
          %add3A_711 = arith.addf %add3A_663, %get3A_710 : vector<16xf32>
          %add3A_712 = arith.constant 12 : i32
          %add3A_713 = arith.addi %mul3A_125, %add3A_712 : i32
          %get3A_714 = arith.index_cast %add3A_713 : i32 to index
          %get3A_715 = tpu.vector_load %arg7[%get3A_714] {strides = array<i32>} : memref<848xi32, #tpu.memory_space<vmem>>, vector<16xi32>,
          %get3A_716 = vector.shape_cast %get3A_715 : vector<16xi32> to vector<16xi32>
          %slice3A_717 = vector.extract_strided_slice %get3A_716 {offsets = [0], sizes = [1], strides = [1]} : vector<16xi32> to vector<1xi32>
          %squeeze3A_718 = vector.extract %slice3A_717[0] : i32 from vector<1xi32>
          %ge3A_719 = arith.constant 51200 : i32
          %ge3A_720 = arith.cmpi sge, %squeeze3A_718, %ge3A_719 : i32
          %jit3A_721 = arith.constant 64 : i32
          %jit3A_722 = arith.constant 0 : i32
          %select_n3A_723 = arith.select %ge3A_720, %jit3A_721, %jit3A_722 : i32
          %add3A_724 = arith.constant 12 : i32
          %add3A_725 = arith.addi %mul3A_125, %add3A_724 : i32
          %add3A_726 = arith.constant 0 : i32
          %add3A_727 = arith.addi %select_n3A_723, %add3A_726 : i32
          %get3A_728 = arith.index_cast %add3A_725 : i32 to index
          %get3A_729 = arith.index_cast %add3A_727 : i32 to index
          %get3A_730 = tpu.vector_load %arg10[%get3A_728, %get3A_729] {strides = array<i32>} : memref<832x128xf32, #tpu.memory_space<vmem>>, vector<1x16xf32>,
          %get3A_731 = vector.shape_cast %get3A_730 : vector<1x16xf32> to vector<16xf32>
          %add3A_732 = arith.addf %add3A_684, %get3A_731 : vector<16xf32>
          %add3A_733 = arith.constant 12 : i32
          %add3A_734 = arith.addi %mul3A_125, %add3A_733 : i32
          %add3A_735 = arith.constant 16 : i32
          %add3A_736 = arith.addi %select_n3A_723, %add3A_735 : i32
          %get3A_737 = arith.index_cast %add3A_734 : i32 to index
          %get3A_738 = arith.index_cast %add3A_736 : i32 to index
          %get3A_739 = tpu.vector_load %arg10[%get3A_737, %get3A_738] {strides = array<i32>} : memref<832x128xf32, #tpu.memory_space<vmem>>, vector<1x16xf32>,
          %get3A_740 = vector.shape_cast %get3A_739 : vector<1x16xf32> to vector<16xf32>
          %add3A_741 = arith.addf %add3A_693, %get3A_740 : vector<16xf32>
          %add3A_742 = arith.constant 12 : i32
          %add3A_743 = arith.addi %mul3A_125, %add3A_742 : i32
          %add3A_744 = arith.constant 32 : i32
          %add3A_745 = arith.addi %select_n3A_723, %add3A_744 : i32
          %get3A_746 = arith.index_cast %add3A_743 : i32 to index
          %get3A_747 = arith.index_cast %add3A_745 : i32 to index
          %get3A_748 = tpu.vector_load %arg10[%get3A_746, %get3A_747] {strides = array<i32>} : memref<832x128xf32, #tpu.memory_space<vmem>>, vector<1x16xf32>,
          %get3A_749 = vector.shape_cast %get3A_748 : vector<1x16xf32> to vector<16xf32>
          %add3A_750 = arith.addf %add3A_702, %get3A_749 : vector<16xf32>
          %add3A_751 = arith.constant 12 : i32
          %add3A_752 = arith.addi %mul3A_125, %add3A_751 : i32
          %add3A_753 = arith.constant 48 : i32
          %add3A_754 = arith.addi %select_n3A_723, %add3A_753 : i32
          %get3A_755 = arith.index_cast %add3A_752 : i32 to index
          %get3A_756 = arith.index_cast %add3A_754 : i32 to index
          %get3A_757 = tpu.vector_load %arg10[%get3A_755, %get3A_756] {strides = array<i32>} : memref<832x128xf32, #tpu.memory_space<vmem>>, vector<1x16xf32>,
          %get3A_758 = vector.shape_cast %get3A_757 : vector<1x16xf32> to vector<16xf32>
          %add3A_759 = arith.addf %add3A_711, %get3A_758 : vector<16xf32>
          %add3A_760 = arith.constant 13 : i32
          %add3A_761 = arith.addi %mul3A_125, %add3A_760 : i32
          %get3A_762 = arith.index_cast %add3A_761 : i32 to index
          %get3A_763 = tpu.vector_load %arg7[%get3A_762] {strides = array<i32>} : memref<848xi32, #tpu.memory_space<vmem>>, vector<16xi32>,
          %get3A_764 = vector.shape_cast %get3A_763 : vector<16xi32> to vector<16xi32>
          %slice3A_765 = vector.extract_strided_slice %get3A_764 {offsets = [0], sizes = [1], strides = [1]} : vector<16xi32> to vector<1xi32>
          %squeeze3A_766 = vector.extract %slice3A_765[0] : i32 from vector<1xi32>
          %ge3A_767 = arith.constant 51200 : i32
          %ge3A_768 = arith.cmpi sge, %squeeze3A_766, %ge3A_767 : i32
          %jit3A_769 = arith.constant 64 : i32
          %jit3A_770 = arith.constant 0 : i32
          %select_n3A_771 = arith.select %ge3A_768, %jit3A_769, %jit3A_770 : i32
          %add3A_772 = arith.constant 13 : i32
          %add3A_773 = arith.addi %mul3A_125, %add3A_772 : i32
          %add3A_774 = arith.constant 0 : i32
          %add3A_775 = arith.addi %select_n3A_771, %add3A_774 : i32
          %get3A_776 = arith.index_cast %add3A_773 : i32 to index
          %get3A_777 = arith.index_cast %add3A_775 : i32 to index
          %get3A_778 = tpu.vector_load %arg10[%get3A_776, %get3A_777] {strides = array<i32>} : memref<832x128xf32, #tpu.memory_space<vmem>>, vector<1x16xf32>,
          %get3A_779 = vector.shape_cast %get3A_778 : vector<1x16xf32> to vector<16xf32>
          %add3A_780 = arith.addf %add3A_732, %get3A_779 : vector<16xf32>
          %add3A_781 = arith.constant 13 : i32
          %add3A_782 = arith.addi %mul3A_125, %add3A_781 : i32
          %add3A_783 = arith.constant 16 : i32
          %add3A_784 = arith.addi %select_n3A_771, %add3A_783 : i32
          %get3A_785 = arith.index_cast %add3A_782 : i32 to index
          %get3A_786 = arith.index_cast %add3A_784 : i32 to index
          %get3A_787 = tpu.vector_load %arg10[%get3A_785, %get3A_786] {strides = array<i32>} : memref<832x128xf32, #tpu.memory_space<vmem>>, vector<1x16xf32>,
          %get3A_788 = vector.shape_cast %get3A_787 : vector<1x16xf32> to vector<16xf32>
          %add3A_789 = arith.addf %add3A_741, %get3A_788 : vector<16xf32>
          %add3A_790 = arith.constant 13 : i32
          %add3A_791 = arith.addi %mul3A_125, %add3A_790 : i32
          %add3A_792 = arith.constant 32 : i32
          %add3A_793 = arith.addi %select_n3A_771, %add3A_792 : i32
          %get3A_794 = arith.index_cast %add3A_791 : i32 to index
          %get3A_795 = arith.index_cast %add3A_793 : i32 to index
          %get3A_796 = tpu.vector_load %arg10[%get3A_794, %get3A_795] {strides = array<i32>} : memref<832x128xf32, #tpu.memory_space<vmem>>, vector<1x16xf32>,
          %get3A_797 = vector.shape_cast %get3A_796 : vector<1x16xf32> to vector<16xf32>
          %add3A_798 = arith.addf %add3A_750, %get3A_797 : vector<16xf32>
          %add3A_799 = arith.constant 13 : i32
          %add3A_800 = arith.addi %mul3A_125, %add3A_799 : i32
          %add3A_801 = arith.constant 48 : i32
          %add3A_802 = arith.addi %select_n3A_771, %add3A_801 : i32
          %get3A_803 = arith.index_cast %add3A_800 : i32 to index
          %get3A_804 = arith.index_cast %add3A_802 : i32 to index
          %get3A_805 = tpu.vector_load %arg10[%get3A_803, %get3A_804] {strides = array<i32>} : memref<832x128xf32, #tpu.memory_space<vmem>>, vector<1x16xf32>,
          %get3A_806 = vector.shape_cast %get3A_805 : vector<1x16xf32> to vector<16xf32>
          %add3A_807 = arith.addf %add3A_759, %get3A_806 : vector<16xf32>
          %add3A_808 = arith.constant 14 : i32
          %add3A_809 = arith.addi %mul3A_125, %add3A_808 : i32
          %get3A_810 = arith.index_cast %add3A_809 : i32 to index
          %get3A_811 = tpu.vector_load %arg7[%get3A_810] {strides = array<i32>} : memref<848xi32, #tpu.memory_space<vmem>>, vector<16xi32>,
          %get3A_812 = vector.shape_cast %get3A_811 : vector<16xi32> to vector<16xi32>
          %slice3A_813 = vector.extract_strided_slice %get3A_812 {offsets = [0], sizes = [1], strides = [1]} : vector<16xi32> to vector<1xi32>
          %squeeze3A_814 = vector.extract %slice3A_813[0] : i32 from vector<1xi32>
          %ge3A_815 = arith.constant 51200 : i32
          %ge3A_816 = arith.cmpi sge, %squeeze3A_814, %ge3A_815 : i32
          %jit3A_817 = arith.constant 64 : i32
          %jit3A_818 = arith.constant 0 : i32
          %select_n3A_819 = arith.select %ge3A_816, %jit3A_817, %jit3A_818 : i32
          %add3A_820 = arith.constant 14 : i32
          %add3A_821 = arith.addi %mul3A_125, %add3A_820 : i32
          %add3A_822 = arith.constant 0 : i32
          %add3A_823 = arith.addi %select_n3A_819, %add3A_822 : i32
          %get3A_824 = arith.index_cast %add3A_821 : i32 to index
          %get3A_825 = arith.index_cast %add3A_823 : i32 to index
          %get3A_826 = tpu.vector_load %arg10[%get3A_824, %get3A_825] {strides = array<i32>} : memref<832x128xf32, #tpu.memory_space<vmem>>, vector<1x16xf32>,
          %get3A_827 = vector.shape_cast %get3A_826 : vector<1x16xf32> to vector<16xf32>
          %add3A_828 = arith.addf %add3A_780, %get3A_827 : vector<16xf32>
          %add3A_829 = arith.constant 14 : i32
          %add3A_830 = arith.addi %mul3A_125, %add3A_829 : i32
          %add3A_831 = arith.constant 16 : i32
          %add3A_832 = arith.addi %select_n3A_819, %add3A_831 : i32
          %get3A_833 = arith.index_cast %add3A_830 : i32 to index
          %get3A_834 = arith.index_cast %add3A_832 : i32 to index
          %get3A_835 = tpu.vector_load %arg10[%get3A_833, %get3A_834] {strides = array<i32>} : memref<832x128xf32, #tpu.memory_space<vmem>>, vector<1x16xf32>,
          %get3A_836 = vector.shape_cast %get3A_835 : vector<1x16xf32> to vector<16xf32>
          %add3A_837 = arith.addf %add3A_789, %get3A_836 : vector<16xf32>
          %add3A_838 = arith.constant 14 : i32
          %add3A_839 = arith.addi %mul3A_125, %add3A_838 : i32
          %add3A_840 = arith.constant 32 : i32
          %add3A_841 = arith.addi %select_n3A_819, %add3A_840 : i32
          %get3A_842 = arith.index_cast %add3A_839 : i32 to index
          %get3A_843 = arith.index_cast %add3A_841 : i32 to index
          %get3A_844 = tpu.vector_load %arg10[%get3A_842, %get3A_843] {strides = array<i32>} : memref<832x128xf32, #tpu.memory_space<vmem>>, vector<1x16xf32>,
          %get3A_845 = vector.shape_cast %get3A_844 : vector<1x16xf32> to vector<16xf32>
          %add3A_846 = arith.addf %add3A_798, %get3A_845 : vector<16xf32>
          %add3A_847 = arith.constant 14 : i32
          %add3A_848 = arith.addi %mul3A_125, %add3A_847 : i32
          %add3A_849 = arith.constant 48 : i32
          %add3A_850 = arith.addi %select_n3A_819, %add3A_849 : i32
          %get3A_851 = arith.index_cast %add3A_848 : i32 to index
          %get3A_852 = arith.index_cast %add3A_850 : i32 to index
          %get3A_853 = tpu.vector_load %arg10[%get3A_851, %get3A_852] {strides = array<i32>} : memref<832x128xf32, #tpu.memory_space<vmem>>, vector<1x16xf32>,
          %get3A_854 = vector.shape_cast %get3A_853 : vector<1x16xf32> to vector<16xf32>
          %add3A_855 = arith.addf %add3A_807, %get3A_854 : vector<16xf32>
          %add3A_856 = arith.constant 15 : i32
          %add3A_857 = arith.addi %mul3A_125, %add3A_856 : i32
          %get3A_858 = arith.index_cast %add3A_857 : i32 to index
          %get3A_859 = tpu.vector_load %arg7[%get3A_858] {strides = array<i32>} : memref<848xi32, #tpu.memory_space<vmem>>, vector<16xi32>,
          %get3A_860 = vector.shape_cast %get3A_859 : vector<16xi32> to vector<16xi32>
          %slice3A_861 = vector.extract_strided_slice %get3A_860 {offsets = [0], sizes = [1], strides = [1]} : vector<16xi32> to vector<1xi32>
          %squeeze3A_862 = vector.extract %slice3A_861[0] : i32 from vector<1xi32>
          %ge3A_863 = arith.constant 51200 : i32
          %ge3A_864 = arith.cmpi sge, %squeeze3A_862, %ge3A_863 : i32
          %jit3A_865 = arith.constant 64 : i32
          %jit3A_866 = arith.constant 0 : i32
          %select_n3A_867 = arith.select %ge3A_864, %jit3A_865, %jit3A_866 : i32
          %add3A_868 = arith.constant 15 : i32
          %add3A_869 = arith.addi %mul3A_125, %add3A_868 : i32
          %add3A_870 = arith.constant 0 : i32
          %add3A_871 = arith.addi %select_n3A_867, %add3A_870 : i32
          %get3A_872 = arith.index_cast %add3A_869 : i32 to index
          %get3A_873 = arith.index_cast %add3A_871 : i32 to index
          %get3A_874 = tpu.vector_load %arg10[%get3A_872, %get3A_873] {strides = array<i32>} : memref<832x128xf32, #tpu.memory_space<vmem>>, vector<1x16xf32>,
          %get3A_875 = vector.shape_cast %get3A_874 : vector<1x16xf32> to vector<16xf32>
          %add3A_876 = arith.addf %add3A_828, %get3A_875 : vector<16xf32>
          %add3A_877 = arith.constant 15 : i32
          %add3A_878 = arith.addi %mul3A_125, %add3A_877 : i32
          %add3A_879 = arith.constant 16 : i32
          %add3A_880 = arith.addi %select_n3A_867, %add3A_879 : i32
          %get3A_881 = arith.index_cast %add3A_878 : i32 to index
          %get3A_882 = arith.index_cast %add3A_880 : i32 to index
          %get3A_883 = tpu.vector_load %arg10[%get3A_881, %get3A_882] {strides = array<i32>} : memref<832x128xf32, #tpu.memory_space<vmem>>, vector<1x16xf32>,
          %get3A_884 = vector.shape_cast %get3A_883 : vector<1x16xf32> to vector<16xf32>
          %add3A_885 = arith.addf %add3A_837, %get3A_884 : vector<16xf32>
          %add3A_886 = arith.constant 15 : i32
          %add3A_887 = arith.addi %mul3A_125, %add3A_886 : i32
          %add3A_888 = arith.constant 32 : i32
          %add3A_889 = arith.addi %select_n3A_867, %add3A_888 : i32
          %get3A_890 = arith.index_cast %add3A_887 : i32 to index
          %get3A_891 = arith.index_cast %add3A_889 : i32 to index
          %get3A_892 = tpu.vector_load %arg10[%get3A_890, %get3A_891] {strides = array<i32>} : memref<832x128xf32, #tpu.memory_space<vmem>>, vector<1x16xf32>,
          %get3A_893 = vector.shape_cast %get3A_892 : vector<1x16xf32> to vector<16xf32>
          %add3A_894 = arith.addf %add3A_846, %get3A_893 : vector<16xf32>
          %add3A_895 = arith.constant 15 : i32
          %add3A_896 = arith.addi %mul3A_125, %add3A_895 : i32
          %add3A_897 = arith.constant 48 : i32
          %add3A_898 = arith.addi %select_n3A_867, %add3A_897 : i32
          %get3A_899 = arith.index_cast %add3A_896 : i32 to index
          %get3A_900 = arith.index_cast %add3A_898 : i32 to index
          %get3A_901 = tpu.vector_load %arg10[%get3A_899, %get3A_900] {strides = array<i32>} : memref<832x128xf32, #tpu.memory_space<vmem>>, vector<1x16xf32>,
          %get3A_902 = vector.shape_cast %get3A_901 : vector<1x16xf32> to vector<16xf32>
          %add3A_903 = arith.addf %add3A_855, %get3A_902 : vector<16xf32>
          %add3A_904 = arith.constant 16 : i32
          %add3A_905 = arith.addi %mul3A_125, %add3A_904 : i32
          %get3A_906 = arith.index_cast %add3A_905 : i32 to index
          %get3A_907 = tpu.vector_load %arg7[%get3A_906] {strides = array<i32>} : memref<848xi32, #tpu.memory_space<vmem>>, vector<16xi32>,
          %get3A_908 = vector.shape_cast %get3A_907 : vector<16xi32> to vector<16xi32>
          %slice3A_909 = vector.extract_strided_slice %get3A_908 {offsets = [0], sizes = [1], strides = [1]} : vector<16xi32> to vector<1xi32>
          %squeeze3A_910 = vector.extract %slice3A_909[0] : i32 from vector<1xi32>
          %ge3A_911 = arith.constant 51200 : i32
          %ge3A_912 = arith.cmpi sge, %squeeze3A_910, %ge3A_911 : i32
          %jit3A_913 = arith.constant 64 : i32
          %jit3A_914 = arith.constant 0 : i32
          %select_n3A_915 = arith.select %ge3A_912, %jit3A_913, %jit3A_914 : i32
          %add3A_916 = arith.constant 16 : i32
          %add3A_917 = arith.addi %mul3A_125, %add3A_916 : i32
          %add3A_918 = arith.constant 0 : i32
          %add3A_919 = arith.addi %select_n3A_915, %add3A_918 : i32
          %get3A_920 = arith.index_cast %add3A_917 : i32 to index
          %get3A_921 = arith.index_cast %add3A_919 : i32 to index
          %get3A_922 = tpu.vector_load %arg10[%get3A_920, %get3A_921] {strides = array<i32>} : memref<832x128xf32, #tpu.memory_space<vmem>>, vector<1x16xf32>,
          %get3A_923 = vector.shape_cast %get3A_922 : vector<1x16xf32> to vector<16xf32>
          %add3A_924 = arith.addf %add3A_876, %get3A_923 : vector<16xf32>
          %add3A_925 = arith.constant 16 : i32
          %add3A_926 = arith.addi %mul3A_125, %add3A_925 : i32
          %add3A_927 = arith.constant 16 : i32
          %add3A_928 = arith.addi %select_n3A_915, %add3A_927 : i32
          %get3A_929 = arith.index_cast %add3A_926 : i32 to index
          %get3A_930 = arith.index_cast %add3A_928 : i32 to index
          %get3A_931 = tpu.vector_load %arg10[%get3A_929, %get3A_930] {strides = array<i32>} : memref<832x128xf32, #tpu.memory_space<vmem>>, vector<1x16xf32>,
          %get3A_932 = vector.shape_cast %get3A_931 : vector<1x16xf32> to vector<16xf32>
          %add3A_933 = arith.addf %add3A_885, %get3A_932 : vector<16xf32>
          %add3A_934 = arith.constant 16 : i32
          %add3A_935 = arith.addi %mul3A_125, %add3A_934 : i32
          %add3A_936 = arith.constant 32 : i32
          %add3A_937 = arith.addi %select_n3A_915, %add3A_936 : i32
          %get3A_938 = arith.index_cast %add3A_935 : i32 to index
          %get3A_939 = arith.index_cast %add3A_937 : i32 to index
          %get3A_940 = tpu.vector_load %arg10[%get3A_938, %get3A_939] {strides = array<i32>} : memref<832x128xf32, #tpu.memory_space<vmem>>, vector<1x16xf32>,
          %get3A_941 = vector.shape_cast %get3A_940 : vector<1x16xf32> to vector<16xf32>
          %add3A_942 = arith.addf %add3A_894, %get3A_941 : vector<16xf32>
          %add3A_943 = arith.constant 16 : i32
          %add3A_944 = arith.addi %mul3A_125, %add3A_943 : i32
          %add3A_945 = arith.constant 48 : i32
          %add3A_946 = arith.addi %select_n3A_915, %add3A_945 : i32
          %get3A_947 = arith.index_cast %add3A_944 : i32 to index
          %get3A_948 = arith.index_cast %add3A_946 : i32 to index
          %get3A_949 = tpu.vector_load %arg10[%get3A_947, %get3A_948] {strides = array<i32>} : memref<832x128xf32, #tpu.memory_space<vmem>>, vector<1x16xf32>,
          %get3A_950 = vector.shape_cast %get3A_949 : vector<1x16xf32> to vector<16xf32>
          %add3A_951 = arith.addf %add3A_903, %get3A_950 : vector<16xf32>
          %add3A_952 = arith.constant 17 : i32
          %add3A_953 = arith.addi %mul3A_125, %add3A_952 : i32
          %get3A_954 = arith.index_cast %add3A_953 : i32 to index
          %get3A_955 = tpu.vector_load %arg7[%get3A_954] {strides = array<i32>} : memref<848xi32, #tpu.memory_space<vmem>>, vector<16xi32>,
          %get3A_956 = vector.shape_cast %get3A_955 : vector<16xi32> to vector<16xi32>
          %slice3A_957 = vector.extract_strided_slice %get3A_956 {offsets = [0], sizes = [1], strides = [1]} : vector<16xi32> to vector<1xi32>
          %squeeze3A_958 = vector.extract %slice3A_957[0] : i32 from vector<1xi32>
          %ge3A_959 = arith.constant 51200 : i32
          %ge3A_960 = arith.cmpi sge, %squeeze3A_958, %ge3A_959 : i32
          %jit3A_961 = arith.constant 64 : i32
          %jit3A_962 = arith.constant 0 : i32
          %select_n3A_963 = arith.select %ge3A_960, %jit3A_961, %jit3A_962 : i32
          %add3A_964 = arith.constant 17 : i32
          %add3A_965 = arith.addi %mul3A_125, %add3A_964 : i32
          %add3A_966 = arith.constant 0 : i32
          %add3A_967 = arith.addi %select_n3A_963, %add3A_966 : i32
          %get3A_968 = arith.index_cast %add3A_965 : i32 to index
          %get3A_969 = arith.index_cast %add3A_967 : i32 to index
          %get3A_970 = tpu.vector_load %arg10[%get3A_968, %get3A_969] {strides = array<i32>} : memref<832x128xf32, #tpu.memory_space<vmem>>, vector<1x16xf32>,
          %get3A_971 = vector.shape_cast %get3A_970 : vector<1x16xf32> to vector<16xf32>
          %add3A_972 = arith.addf %add3A_924, %get3A_971 : vector<16xf32>
          %add3A_973 = arith.constant 17 : i32
          %add3A_974 = arith.addi %mul3A_125, %add3A_973 : i32
          %add3A_975 = arith.constant 16 : i32
          %add3A_976 = arith.addi %select_n3A_963, %add3A_975 : i32
          %get3A_977 = arith.index_cast %add3A_974 : i32 to index
          %get3A_978 = arith.index_cast %add3A_976 : i32 to index
          %get3A_979 = tpu.vector_load %arg10[%get3A_977, %get3A_978] {strides = array<i32>} : memref<832x128xf32, #tpu.memory_space<vmem>>, vector<1x16xf32>,
          %get3A_980 = vector.shape_cast %get3A_979 : vector<1x16xf32> to vector<16xf32>
          %add3A_981 = arith.addf %add3A_933, %get3A_980 : vector<16xf32>
          %add3A_982 = arith.constant 17 : i32
          %add3A_983 = arith.addi %mul3A_125, %add3A_982 : i32
          %add3A_984 = arith.constant 32 : i32
          %add3A_985 = arith.addi %select_n3A_963, %add3A_984 : i32
          %get3A_986 = arith.index_cast %add3A_983 : i32 to index
          %get3A_987 = arith.index_cast %add3A_985 : i32 to index
          %get3A_988 = tpu.vector_load %arg10[%get3A_986, %get3A_987] {strides = array<i32>} : memref<832x128xf32, #tpu.memory_space<vmem>>, vector<1x16xf32>,
          %get3A_989 = vector.shape_cast %get3A_988 : vector<1x16xf32> to vector<16xf32>
          %add3A_990 = arith.addf %add3A_942, %get3A_989 : vector<16xf32>
          %add3A_991 = arith.constant 17 : i32
          %add3A_992 = arith.addi %mul3A_125, %add3A_991 : i32
          %add3A_993 = arith.constant 48 : i32
          %add3A_994 = arith.addi %select_n3A_963, %add3A_993 : i32
          %get3A_995 = arith.index_cast %add3A_992 : i32 to index
          %get3A_996 = arith.index_cast %add3A_994 : i32 to index
          %get3A_997 = tpu.vector_load %arg10[%get3A_995, %get3A_996] {strides = array<i32>} : memref<832x128xf32, #tpu.memory_space<vmem>>, vector<1x16xf32>,
          %get3A_998 = vector.shape_cast %get3A_997 : vector<1x16xf32> to vector<16xf32>
          %add3A_999 = arith.addf %add3A_951, %get3A_998 : vector<16xf32>
          %add3A_1000 = arith.constant 18 : i32
          %add3A_1001 = arith.addi %mul3A_125, %add3A_1000 : i32
          %get3A_1002 = arith.index_cast %add3A_1001 : i32 to index
          %get3A_1003 = tpu.vector_load %arg7[%get3A_1002] {strides = array<i32>} : memref<848xi32, #tpu.memory_space<vmem>>, vector<16xi32>,
          %get3A_1004 = vector.shape_cast %get3A_1003 : vector<16xi32> to vector<16xi32>
          %slice3A_1005 = vector.extract_strided_slice %get3A_1004 {offsets = [0], sizes = [1], strides = [1]} : vector<16xi32> to vector<1xi32>
          %squeeze3A_1006 = vector.extract %slice3A_1005[0] : i32 from vector<1xi32>
          %ge3A_1007 = arith.constant 51200 : i32
          %ge3A_1008 = arith.cmpi sge, %squeeze3A_1006, %ge3A_1007 : i32
          %jit3A_1009 = arith.constant 64 : i32
          %jit3A_1010 = arith.constant 0 : i32
          %select_n3A_1011 = arith.select %ge3A_1008, %jit3A_1009, %jit3A_1010 : i32
          %add3A_1012 = arith.constant 18 : i32
          %add3A_1013 = arith.addi %mul3A_125, %add3A_1012 : i32
          %add3A_1014 = arith.constant 0 : i32
          %add3A_1015 = arith.addi %select_n3A_1011, %add3A_1014 : i32
          %get3A_1016 = arith.index_cast %add3A_1013 : i32 to index
          %get3A_1017 = arith.index_cast %add3A_1015 : i32 to index
          %get3A_1018 = tpu.vector_load %arg10[%get3A_1016, %get3A_1017] {strides = array<i32>} : memref<832x128xf32, #tpu.memory_space<vmem>>, vector<1x16xf32>,
          %get3A_1019 = vector.shape_cast %get3A_1018 : vector<1x16xf32> to vector<16xf32>
          %add3A_1020 = arith.addf %add3A_972, %get3A_1019 : vector<16xf32>
          %add3A_1021 = arith.constant 18 : i32
          %add3A_1022 = arith.addi %mul3A_125, %add3A_1021 : i32
          %add3A_1023 = arith.constant 16 : i32
          %add3A_1024 = arith.addi %select_n3A_1011, %add3A_1023 : i32
          %get3A_1025 = arith.index_cast %add3A_1022 : i32 to index
          %get3A_1026 = arith.index_cast %add3A_1024 : i32 to index
          %get3A_1027 = tpu.vector_load %arg10[%get3A_1025, %get3A_1026] {strides = array<i32>} : memref<832x128xf32, #tpu.memory_space<vmem>>, vector<1x16xf32>,
          %get3A_1028 = vector.shape_cast %get3A_1027 : vector<1x16xf32> to vector<16xf32>
          %add3A_1029 = arith.addf %add3A_981, %get3A_1028 : vector<16xf32>
          %add3A_1030 = arith.constant 18 : i32
          %add3A_1031 = arith.addi %mul3A_125, %add3A_1030 : i32
          %add3A_1032 = arith.constant 32 : i32
          %add3A_1033 = arith.addi %select_n3A_1011, %add3A_1032 : i32
          %get3A_1034 = arith.index_cast %add3A_1031 : i32 to index
          %get3A_1035 = arith.index_cast %add3A_1033 : i32 to index
          %get3A_1036 = tpu.vector_load %arg10[%get3A_1034, %get3A_1035] {strides = array<i32>} : memref<832x128xf32, #tpu.memory_space<vmem>>, vector<1x16xf32>,
          %get3A_1037 = vector.shape_cast %get3A_1036 : vector<1x16xf32> to vector<16xf32>
          %add3A_1038 = arith.addf %add3A_990, %get3A_1037 : vector<16xf32>
          %add3A_1039 = arith.constant 18 : i32
          %add3A_1040 = arith.addi %mul3A_125, %add3A_1039 : i32
          %add3A_1041 = arith.constant 48 : i32
          %add3A_1042 = arith.addi %select_n3A_1011, %add3A_1041 : i32
          %get3A_1043 = arith.index_cast %add3A_1040 : i32 to index
          %get3A_1044 = arith.index_cast %add3A_1042 : i32 to index
          %get3A_1045 = tpu.vector_load %arg10[%get3A_1043, %get3A_1044] {strides = array<i32>} : memref<832x128xf32, #tpu.memory_space<vmem>>, vector<1x16xf32>,
          %get3A_1046 = vector.shape_cast %get3A_1045 : vector<1x16xf32> to vector<16xf32>
          %add3A_1047 = arith.addf %add3A_999, %get3A_1046 : vector<16xf32>
          %add3A_1048 = arith.constant 19 : i32
          %add3A_1049 = arith.addi %mul3A_125, %add3A_1048 : i32
          %get3A_1050 = arith.index_cast %add3A_1049 : i32 to index
          %get3A_1051 = tpu.vector_load %arg7[%get3A_1050] {strides = array<i32>} : memref<848xi32, #tpu.memory_space<vmem>>, vector<16xi32>,
          %get3A_1052 = vector.shape_cast %get3A_1051 : vector<16xi32> to vector<16xi32>
          %slice3A_1053 = vector.extract_strided_slice %get3A_1052 {offsets = [0], sizes = [1], strides = [1]} : vector<16xi32> to vector<1xi32>
          %squeeze3A_1054 = vector.extract %slice3A_1053[0] : i32 from vector<1xi32>
          %ge3A_1055 = arith.constant 51200 : i32
          %ge3A_1056 = arith.cmpi sge, %squeeze3A_1054, %ge3A_1055 : i32
          %jit3A_1057 = arith.constant 64 : i32
          %jit3A_1058 = arith.constant 0 : i32
          %select_n3A_1059 = arith.select %ge3A_1056, %jit3A_1057, %jit3A_1058 : i32
          %add3A_1060 = arith.constant 19 : i32
          %add3A_1061 = arith.addi %mul3A_125, %add3A_1060 : i32
          %add3A_1062 = arith.constant 0 : i32
          %add3A_1063 = arith.addi %select_n3A_1059, %add3A_1062 : i32
          %get3A_1064 = arith.index_cast %add3A_1061 : i32 to index
          %get3A_1065 = arith.index_cast %add3A_1063 : i32 to index
          %get3A_1066 = tpu.vector_load %arg10[%get3A_1064, %get3A_1065] {strides = array<i32>} : memref<832x128xf32, #tpu.memory_space<vmem>>, vector<1x16xf32>,
          %get3A_1067 = vector.shape_cast %get3A_1066 : vector<1x16xf32> to vector<16xf32>
          %add3A_1068 = arith.addf %add3A_1020, %get3A_1067 : vector<16xf32>
          %add3A_1069 = arith.constant 19 : i32
          %add3A_1070 = arith.addi %mul3A_125, %add3A_1069 : i32
          %add3A_1071 = arith.constant 16 : i32
          %add3A_1072 = arith.addi %select_n3A_1059, %add3A_1071 : i32
          %get3A_1073 = arith.index_cast %add3A_1070 : i32 to index
          %get3A_1074 = arith.index_cast %add3A_1072 : i32 to index
          %get3A_1075 = tpu.vector_load %arg10[%get3A_1073, %get3A_1074] {strides = array<i32>} : memref<832x128xf32, #tpu.memory_space<vmem>>, vector<1x16xf32>,
          %get3A_1076 = vector.shape_cast %get3A_1075 : vector<1x16xf32> to vector<16xf32>
          %add3A_1077 = arith.addf %add3A_1029, %get3A_1076 : vector<16xf32>
          %add3A_1078 = arith.constant 19 : i32
          %add3A_1079 = arith.addi %mul3A_125, %add3A_1078 : i32
          %add3A_1080 = arith.constant 32 : i32
          %add3A_1081 = arith.addi %select_n3A_1059, %add3A_1080 : i32
          %get3A_1082 = arith.index_cast %add3A_1079 : i32 to index
          %get3A_1083 = arith.index_cast %add3A_1081 : i32 to index
          %get3A_1084 = tpu.vector_load %arg10[%get3A_1082, %get3A_1083] {strides = array<i32>} : memref<832x128xf32, #tpu.memory_space<vmem>>, vector<1x16xf32>,
          %get3A_1085 = vector.shape_cast %get3A_1084 : vector<1x16xf32> to vector<16xf32>
          %add3A_1086 = arith.addf %add3A_1038, %get3A_1085 : vector<16xf32>
          %add3A_1087 = arith.constant 19 : i32
          %add3A_1088 = arith.addi %mul3A_125, %add3A_1087 : i32
          %add3A_1089 = arith.constant 48 : i32
          %add3A_1090 = arith.addi %select_n3A_1059, %add3A_1089 : i32
          %get3A_1091 = arith.index_cast %add3A_1088 : i32 to index
          %get3A_1092 = arith.index_cast %add3A_1090 : i32 to index
          %get3A_1093 = tpu.vector_load %arg10[%get3A_1091, %get3A_1092] {strides = array<i32>} : memref<832x128xf32, #tpu.memory_space<vmem>>, vector<1x16xf32>,
          %get3A_1094 = vector.shape_cast %get3A_1093 : vector<1x16xf32> to vector<16xf32>
          %add3A_1095 = arith.addf %add3A_1047, %get3A_1094 : vector<16xf32>
          %add3A_1096 = arith.constant 20 : i32
          %add3A_1097 = arith.addi %mul3A_125, %add3A_1096 : i32
          %get3A_1098 = arith.index_cast %add3A_1097 : i32 to index
          %get3A_1099 = tpu.vector_load %arg7[%get3A_1098] {strides = array<i32>} : memref<848xi32, #tpu.memory_space<vmem>>, vector<16xi32>,
          %get3A_1100 = vector.shape_cast %get3A_1099 : vector<16xi32> to vector<16xi32>
          %slice3A_1101 = vector.extract_strided_slice %get3A_1100 {offsets = [0], sizes = [1], strides = [1]} : vector<16xi32> to vector<1xi32>
          %squeeze3A_1102 = vector.extract %slice3A_1101[0] : i32 from vector<1xi32>
          %ge3A_1103 = arith.constant 51200 : i32
          %ge3A_1104 = arith.cmpi sge, %squeeze3A_1102, %ge3A_1103 : i32
          %jit3A_1105 = arith.constant 64 : i32
          %jit3A_1106 = arith.constant 0 : i32
          %select_n3A_1107 = arith.select %ge3A_1104, %jit3A_1105, %jit3A_1106 : i32
          %add3A_1108 = arith.constant 20 : i32
          %add3A_1109 = arith.addi %mul3A_125, %add3A_1108 : i32
          %add3A_1110 = arith.constant 0 : i32
          %add3A_1111 = arith.addi %select_n3A_1107, %add3A_1110 : i32
          %get3A_1112 = arith.index_cast %add3A_1109 : i32 to index
          %get3A_1113 = arith.index_cast %add3A_1111 : i32 to index
          %get3A_1114 = tpu.vector_load %arg10[%get3A_1112, %get3A_1113] {strides = array<i32>} : memref<832x128xf32, #tpu.memory_space<vmem>>, vector<1x16xf32>,
          %get3A_1115 = vector.shape_cast %get3A_1114 : vector<1x16xf32> to vector<16xf32>
          %add3A_1116 = arith.addf %add3A_1068, %get3A_1115 : vector<16xf32>
          %add3A_1117 = arith.constant 20 : i32
          %add3A_1118 = arith.addi %mul3A_125, %add3A_1117 : i32
          %add3A_1119 = arith.constant 16 : i32
          %add3A_1120 = arith.addi %select_n3A_1107, %add3A_1119 : i32
          %get3A_1121 = arith.index_cast %add3A_1118 : i32 to index
          %get3A_1122 = arith.index_cast %add3A_1120 : i32 to index
          %get3A_1123 = tpu.vector_load %arg10[%get3A_1121, %get3A_1122] {strides = array<i32>} : memref<832x128xf32, #tpu.memory_space<vmem>>, vector<1x16xf32>,
          %get3A_1124 = vector.shape_cast %get3A_1123 : vector<1x16xf32> to vector<16xf32>
          %add3A_1125 = arith.addf %add3A_1077, %get3A_1124 : vector<16xf32>
          %add3A_1126 = arith.constant 20 : i32
          %add3A_1127 = arith.addi %mul3A_125, %add3A_1126 : i32
          %add3A_1128 = arith.constant 32 : i32
          %add3A_1129 = arith.addi %select_n3A_1107, %add3A_1128 : i32
          %get3A_1130 = arith.index_cast %add3A_1127 : i32 to index
          %get3A_1131 = arith.index_cast %add3A_1129 : i32 to index
          %get3A_1132 = tpu.vector_load %arg10[%get3A_1130, %get3A_1131] {strides = array<i32>} : memref<832x128xf32, #tpu.memory_space<vmem>>, vector<1x16xf32>,
          %get3A_1133 = vector.shape_cast %get3A_1132 : vector<1x16xf32> to vector<16xf32>
          %add3A_1134 = arith.addf %add3A_1086, %get3A_1133 : vector<16xf32>
          %add3A_1135 = arith.constant 20 : i32
          %add3A_1136 = arith.addi %mul3A_125, %add3A_1135 : i32
          %add3A_1137 = arith.constant 48 : i32
          %add3A_1138 = arith.addi %select_n3A_1107, %add3A_1137 : i32
          %get3A_1139 = arith.index_cast %add3A_1136 : i32 to index
          %get3A_1140 = arith.index_cast %add3A_1138 : i32 to index
          %get3A_1141 = tpu.vector_load %arg10[%get3A_1139, %get3A_1140] {strides = array<i32>} : memref<832x128xf32, #tpu.memory_space<vmem>>, vector<1x16xf32>,
          %get3A_1142 = vector.shape_cast %get3A_1141 : vector<1x16xf32> to vector<16xf32>
          %add3A_1143 = arith.addf %add3A_1095, %get3A_1142 : vector<16xf32>
          %add3A_1144 = arith.constant 21 : i32
          %add3A_1145 = arith.addi %mul3A_125, %add3A_1144 : i32
          %get3A_1146 = arith.index_cast %add3A_1145 : i32 to index
          %get3A_1147 = tpu.vector_load %arg7[%get3A_1146] {strides = array<i32>} : memref<848xi32, #tpu.memory_space<vmem>>, vector<16xi32>,
          %get3A_1148 = vector.shape_cast %get3A_1147 : vector<16xi32> to vector<16xi32>
          %slice3A_1149 = vector.extract_strided_slice %get3A_1148 {offsets = [0], sizes = [1], strides = [1]} : vector<16xi32> to vector<1xi32>
          %squeeze3A_1150 = vector.extract %slice3A_1149[0] : i32 from vector<1xi32>
          %ge3A_1151 = arith.constant 51200 : i32
          %ge3A_1152 = arith.cmpi sge, %squeeze3A_1150, %ge3A_1151 : i32
          %jit3A_1153 = arith.constant 64 : i32
          %jit3A_1154 = arith.constant 0 : i32
          %select_n3A_1155 = arith.select %ge3A_1152, %jit3A_1153, %jit3A_1154 : i32
          %add3A_1156 = arith.constant 21 : i32
          %add3A_1157 = arith.addi %mul3A_125, %add3A_1156 : i32
          %add3A_1158 = arith.constant 0 : i32
          %add3A_1159 = arith.addi %select_n3A_1155, %add3A_1158 : i32
          %get3A_1160 = arith.index_cast %add3A_1157 : i32 to index
          %get3A_1161 = arith.index_cast %add3A_1159 : i32 to index
          %get3A_1162 = tpu.vector_load %arg10[%get3A_1160, %get3A_1161] {strides = array<i32>} : memref<832x128xf32, #tpu.memory_space<vmem>>, vector<1x16xf32>,
          %get3A_1163 = vector.shape_cast %get3A_1162 : vector<1x16xf32> to vector<16xf32>
          %add3A_1164 = arith.addf %add3A_1116, %get3A_1163 : vector<16xf32>
          %add3A_1165 = arith.constant 21 : i32
          %add3A_1166 = arith.addi %mul3A_125, %add3A_1165 : i32
          %add3A_1167 = arith.constant 16 : i32
          %add3A_1168 = arith.addi %select_n3A_1155, %add3A_1167 : i32
          %get3A_1169 = arith.index_cast %add3A_1166 : i32 to index
          %get3A_1170 = arith.index_cast %add3A_1168 : i32 to index
          %get3A_1171 = tpu.vector_load %arg10[%get3A_1169, %get3A_1170] {strides = array<i32>} : memref<832x128xf32, #tpu.memory_space<vmem>>, vector<1x16xf32>,
          %get3A_1172 = vector.shape_cast %get3A_1171 : vector<1x16xf32> to vector<16xf32>
          %add3A_1173 = arith.addf %add3A_1125, %get3A_1172 : vector<16xf32>
          %add3A_1174 = arith.constant 21 : i32
          %add3A_1175 = arith.addi %mul3A_125, %add3A_1174 : i32
          %add3A_1176 = arith.constant 32 : i32
          %add3A_1177 = arith.addi %select_n3A_1155, %add3A_1176 : i32
          %get3A_1178 = arith.index_cast %add3A_1175 : i32 to index
          %get3A_1179 = arith.index_cast %add3A_1177 : i32 to index
          %get3A_1180 = tpu.vector_load %arg10[%get3A_1178, %get3A_1179] {strides = array<i32>} : memref<832x128xf32, #tpu.memory_space<vmem>>, vector<1x16xf32>,
          %get3A_1181 = vector.shape_cast %get3A_1180 : vector<1x16xf32> to vector<16xf32>
          %add3A_1182 = arith.addf %add3A_1134, %get3A_1181 : vector<16xf32>
          %add3A_1183 = arith.constant 21 : i32
          %add3A_1184 = arith.addi %mul3A_125, %add3A_1183 : i32
          %add3A_1185 = arith.constant 48 : i32
          %add3A_1186 = arith.addi %select_n3A_1155, %add3A_1185 : i32
          %get3A_1187 = arith.index_cast %add3A_1184 : i32 to index
          %get3A_1188 = arith.index_cast %add3A_1186 : i32 to index
          %get3A_1189 = tpu.vector_load %arg10[%get3A_1187, %get3A_1188] {strides = array<i32>} : memref<832x128xf32, #tpu.memory_space<vmem>>, vector<1x16xf32>,
          %get3A_1190 = vector.shape_cast %get3A_1189 : vector<1x16xf32> to vector<16xf32>
          %add3A_1191 = arith.addf %add3A_1143, %get3A_1190 : vector<16xf32>
          %add3A_1192 = arith.constant 22 : i32
          %add3A_1193 = arith.addi %mul3A_125, %add3A_1192 : i32
          %get3A_1194 = arith.index_cast %add3A_1193 : i32 to index
          %get3A_1195 = tpu.vector_load %arg7[%get3A_1194] {strides = array<i32>} : memref<848xi32, #tpu.memory_space<vmem>>, vector<16xi32>,
          %get3A_1196 = vector.shape_cast %get3A_1195 : vector<16xi32> to vector<16xi32>
          %slice3A_1197 = vector.extract_strided_slice %get3A_1196 {offsets = [0], sizes = [1], strides = [1]} : vector<16xi32> to vector<1xi32>
          %squeeze3A_1198 = vector.extract %slice3A_1197[0] : i32 from vector<1xi32>
          %ge3A_1199 = arith.constant 51200 : i32
          %ge3A_1200 = arith.cmpi sge, %squeeze3A_1198, %ge3A_1199 : i32
          %jit3A_1201 = arith.constant 64 : i32
          %jit3A_1202 = arith.constant 0 : i32
          %select_n3A_1203 = arith.select %ge3A_1200, %jit3A_1201, %jit3A_1202 : i32
          %add3A_1204 = arith.constant 22 : i32
          %add3A_1205 = arith.addi %mul3A_125, %add3A_1204 : i32
          %add3A_1206 = arith.constant 0 : i32
          %add3A_1207 = arith.addi %select_n3A_1203, %add3A_1206 : i32
          %get3A_1208 = arith.index_cast %add3A_1205 : i32 to index
          %get3A_1209 = arith.index_cast %add3A_1207 : i32 to index
          %get3A_1210 = tpu.vector_load %arg10[%get3A_1208, %get3A_1209] {strides = array<i32>} : memref<832x128xf32, #tpu.memory_space<vmem>>, vector<1x16xf32>,
          %get3A_1211 = vector.shape_cast %get3A_1210 : vector<1x16xf32> to vector<16xf32>
          %add3A_1212 = arith.addf %add3A_1164, %get3A_1211 : vector<16xf32>
          %add3A_1213 = arith.constant 22 : i32
          %add3A_1214 = arith.addi %mul3A_125, %add3A_1213 : i32
          %add3A_1215 = arith.constant 16 : i32
          %add3A_1216 = arith.addi %select_n3A_1203, %add3A_1215 : i32
          %get3A_1217 = arith.index_cast %add3A_1214 : i32 to index
          %get3A_1218 = arith.index_cast %add3A_1216 : i32 to index
          %get3A_1219 = tpu.vector_load %arg10[%get3A_1217, %get3A_1218] {strides = array<i32>} : memref<832x128xf32, #tpu.memory_space<vmem>>, vector<1x16xf32>,
          %get3A_1220 = vector.shape_cast %get3A_1219 : vector<1x16xf32> to vector<16xf32>
          %add3A_1221 = arith.addf %add3A_1173, %get3A_1220 : vector<16xf32>
          %add3A_1222 = arith.constant 22 : i32
          %add3A_1223 = arith.addi %mul3A_125, %add3A_1222 : i32
          %add3A_1224 = arith.constant 32 : i32
          %add3A_1225 = arith.addi %select_n3A_1203, %add3A_1224 : i32
          %get3A_1226 = arith.index_cast %add3A_1223 : i32 to index
          %get3A_1227 = arith.index_cast %add3A_1225 : i32 to index
          %get3A_1228 = tpu.vector_load %arg10[%get3A_1226, %get3A_1227] {strides = array<i32>} : memref<832x128xf32, #tpu.memory_space<vmem>>, vector<1x16xf32>,
          %get3A_1229 = vector.shape_cast %get3A_1228 : vector<1x16xf32> to vector<16xf32>
          %add3A_1230 = arith.addf %add3A_1182, %get3A_1229 : vector<16xf32>
          %add3A_1231 = arith.constant 22 : i32
          %add3A_1232 = arith.addi %mul3A_125, %add3A_1231 : i32
          %add3A_1233 = arith.constant 48 : i32
          %add3A_1234 = arith.addi %select_n3A_1203, %add3A_1233 : i32
          %get3A_1235 = arith.index_cast %add3A_1232 : i32 to index
          %get3A_1236 = arith.index_cast %add3A_1234 : i32 to index
          %get3A_1237 = tpu.vector_load %arg10[%get3A_1235, %get3A_1236] {strides = array<i32>} : memref<832x128xf32, #tpu.memory_space<vmem>>, vector<1x16xf32>,
          %get3A_1238 = vector.shape_cast %get3A_1237 : vector<1x16xf32> to vector<16xf32>
          %add3A_1239 = arith.addf %add3A_1191, %get3A_1238 : vector<16xf32>
          %add3A_1240 = arith.constant 23 : i32
          %add3A_1241 = arith.addi %mul3A_125, %add3A_1240 : i32
          %get3A_1242 = arith.index_cast %add3A_1241 : i32 to index
          %get3A_1243 = tpu.vector_load %arg7[%get3A_1242] {strides = array<i32>} : memref<848xi32, #tpu.memory_space<vmem>>, vector<16xi32>,
          %get3A_1244 = vector.shape_cast %get3A_1243 : vector<16xi32> to vector<16xi32>
          %slice3A_1245 = vector.extract_strided_slice %get3A_1244 {offsets = [0], sizes = [1], strides = [1]} : vector<16xi32> to vector<1xi32>
          %squeeze3A_1246 = vector.extract %slice3A_1245[0] : i32 from vector<1xi32>
          %ge3A_1247 = arith.constant 51200 : i32
          %ge3A_1248 = arith.cmpi sge, %squeeze3A_1246, %ge3A_1247 : i32
          %jit3A_1249 = arith.constant 64 : i32
          %jit3A_1250 = arith.constant 0 : i32
          %select_n3A_1251 = arith.select %ge3A_1248, %jit3A_1249, %jit3A_1250 : i32
          %add3A_1252 = arith.constant 23 : i32
          %add3A_1253 = arith.addi %mul3A_125, %add3A_1252 : i32
          %add3A_1254 = arith.constant 0 : i32
          %add3A_1255 = arith.addi %select_n3A_1251, %add3A_1254 : i32
          %get3A_1256 = arith.index_cast %add3A_1253 : i32 to index
          %get3A_1257 = arith.index_cast %add3A_1255 : i32 to index
          %get3A_1258 = tpu.vector_load %arg10[%get3A_1256, %get3A_1257] {strides = array<i32>} : memref<832x128xf32, #tpu.memory_space<vmem>>, vector<1x16xf32>,
          %get3A_1259 = vector.shape_cast %get3A_1258 : vector<1x16xf32> to vector<16xf32>
          %add3A_1260 = arith.addf %add3A_1212, %get3A_1259 : vector<16xf32>
          %add3A_1261 = arith.constant 23 : i32
          %add3A_1262 = arith.addi %mul3A_125, %add3A_1261 : i32
          %add3A_1263 = arith.constant 16 : i32
          %add3A_1264 = arith.addi %select_n3A_1251, %add3A_1263 : i32
          %get3A_1265 = arith.index_cast %add3A_1262 : i32 to index
          %get3A_1266 = arith.index_cast %add3A_1264 : i32 to index
          %get3A_1267 = tpu.vector_load %arg10[%get3A_1265, %get3A_1266] {strides = array<i32>} : memref<832x128xf32, #tpu.memory_space<vmem>>, vector<1x16xf32>,
          %get3A_1268 = vector.shape_cast %get3A_1267 : vector<1x16xf32> to vector<16xf32>
          %add3A_1269 = arith.addf %add3A_1221, %get3A_1268 : vector<16xf32>
          %add3A_1270 = arith.constant 23 : i32
          %add3A_1271 = arith.addi %mul3A_125, %add3A_1270 : i32
          %add3A_1272 = arith.constant 32 : i32
          %add3A_1273 = arith.addi %select_n3A_1251, %add3A_1272 : i32
          %get3A_1274 = arith.index_cast %add3A_1271 : i32 to index
          %get3A_1275 = arith.index_cast %add3A_1273 : i32 to index
          %get3A_1276 = tpu.vector_load %arg10[%get3A_1274, %get3A_1275] {strides = array<i32>} : memref<832x128xf32, #tpu.memory_space<vmem>>, vector<1x16xf32>,
          %get3A_1277 = vector.shape_cast %get3A_1276 : vector<1x16xf32> to vector<16xf32>
          %add3A_1278 = arith.addf %add3A_1230, %get3A_1277 : vector<16xf32>
          %add3A_1279 = arith.constant 23 : i32
          %add3A_1280 = arith.addi %mul3A_125, %add3A_1279 : i32
          %add3A_1281 = arith.constant 48 : i32
          %add3A_1282 = arith.addi %select_n3A_1251, %add3A_1281 : i32
          %get3A_1283 = arith.index_cast %add3A_1280 : i32 to index
          %get3A_1284 = arith.index_cast %add3A_1282 : i32 to index
          %get3A_1285 = tpu.vector_load %arg10[%get3A_1283, %get3A_1284] {strides = array<i32>} : memref<832x128xf32, #tpu.memory_space<vmem>>, vector<1x16xf32>,
          %get3A_1286 = vector.shape_cast %get3A_1285 : vector<1x16xf32> to vector<16xf32>
          %add3A_1287 = arith.addf %add3A_1239, %get3A_1286 : vector<16xf32>
          %add3A_1288 = arith.constant 24 : i32
          %add3A_1289 = arith.addi %mul3A_125, %add3A_1288 : i32
          %get3A_1290 = arith.index_cast %add3A_1289 : i32 to index
          %get3A_1291 = tpu.vector_load %arg7[%get3A_1290] {strides = array<i32>} : memref<848xi32, #tpu.memory_space<vmem>>, vector<16xi32>,
          %get3A_1292 = vector.shape_cast %get3A_1291 : vector<16xi32> to vector<16xi32>
          %slice3A_1293 = vector.extract_strided_slice %get3A_1292 {offsets = [0], sizes = [1], strides = [1]} : vector<16xi32> to vector<1xi32>
          %squeeze3A_1294 = vector.extract %slice3A_1293[0] : i32 from vector<1xi32>
          %ge3A_1295 = arith.constant 51200 : i32
          %ge3A_1296 = arith.cmpi sge, %squeeze3A_1294, %ge3A_1295 : i32
          %jit3A_1297 = arith.constant 64 : i32
          %jit3A_1298 = arith.constant 0 : i32
          %select_n3A_1299 = arith.select %ge3A_1296, %jit3A_1297, %jit3A_1298 : i32
          %add3A_1300 = arith.constant 24 : i32
          %add3A_1301 = arith.addi %mul3A_125, %add3A_1300 : i32
          %add3A_1302 = arith.constant 0 : i32
          %add3A_1303 = arith.addi %select_n3A_1299, %add3A_1302 : i32
          %get3A_1304 = arith.index_cast %add3A_1301 : i32 to index
          %get3A_1305 = arith.index_cast %add3A_1303 : i32 to index
          %get3A_1306 = tpu.vector_load %arg10[%get3A_1304, %get3A_1305] {strides = array<i32>} : memref<832x128xf32, #tpu.memory_space<vmem>>, vector<1x16xf32>,
          %get3A_1307 = vector.shape_cast %get3A_1306 : vector<1x16xf32> to vector<16xf32>
          %add3A_1308 = arith.addf %add3A_1260, %get3A_1307 : vector<16xf32>
          %add3A_1309 = arith.constant 24 : i32
          %add3A_1310 = arith.addi %mul3A_125, %add3A_1309 : i32
          %add3A_1311 = arith.constant 16 : i32
          %add3A_1312 = arith.addi %select_n3A_1299, %add3A_1311 : i32
          %get3A_1313 = arith.index_cast %add3A_1310 : i32 to index
          %get3A_1314 = arith.index_cast %add3A_1312 : i32 to index
          %get3A_1315 = tpu.vector_load %arg10[%get3A_1313, %get3A_1314] {strides = array<i32>} : memref<832x128xf32, #tpu.memory_space<vmem>>, vector<1x16xf32>,
          %get3A_1316 = vector.shape_cast %get3A_1315 : vector<1x16xf32> to vector<16xf32>
          %add3A_1317 = arith.addf %add3A_1269, %get3A_1316 : vector<16xf32>
          %add3A_1318 = arith.constant 24 : i32
          %add3A_1319 = arith.addi %mul3A_125, %add3A_1318 : i32
          %add3A_1320 = arith.constant 32 : i32
          %add3A_1321 = arith.addi %select_n3A_1299, %add3A_1320 : i32
          %get3A_1322 = arith.index_cast %add3A_1319 : i32 to index
          %get3A_1323 = arith.index_cast %add3A_1321 : i32 to index
          %get3A_1324 = tpu.vector_load %arg10[%get3A_1322, %get3A_1323] {strides = array<i32>} : memref<832x128xf32, #tpu.memory_space<vmem>>, vector<1x16xf32>,
          %get3A_1325 = vector.shape_cast %get3A_1324 : vector<1x16xf32> to vector<16xf32>
          %add3A_1326 = arith.addf %add3A_1278, %get3A_1325 : vector<16xf32>
          %add3A_1327 = arith.constant 24 : i32
          %add3A_1328 = arith.addi %mul3A_125, %add3A_1327 : i32
          %add3A_1329 = arith.constant 48 : i32
          %add3A_1330 = arith.addi %select_n3A_1299, %add3A_1329 : i32
          %get3A_1331 = arith.index_cast %add3A_1328 : i32 to index
          %get3A_1332 = arith.index_cast %add3A_1330 : i32 to index
          %get3A_1333 = tpu.vector_load %arg10[%get3A_1331, %get3A_1332] {strides = array<i32>} : memref<832x128xf32, #tpu.memory_space<vmem>>, vector<1x16xf32>,
          %get3A_1334 = vector.shape_cast %get3A_1333 : vector<1x16xf32> to vector<16xf32>
          %add3A_1335 = arith.addf %add3A_1287, %get3A_1334 : vector<16xf32>
          %add3A_1336 = arith.constant 25 : i32
          %add3A_1337 = arith.addi %mul3A_125, %add3A_1336 : i32
          %get3A_1338 = arith.index_cast %add3A_1337 : i32 to index
          %get3A_1339 = tpu.vector_load %arg7[%get3A_1338] {strides = array<i32>} : memref<848xi32, #tpu.memory_space<vmem>>, vector<16xi32>,
          %get3A_1340 = vector.shape_cast %get3A_1339 : vector<16xi32> to vector<16xi32>
          %slice3A_1341 = vector.extract_strided_slice %get3A_1340 {offsets = [0], sizes = [1], strides = [1]} : vector<16xi32> to vector<1xi32>
          %squeeze3A_1342 = vector.extract %slice3A_1341[0] : i32 from vector<1xi32>
          %ge3A_1343 = arith.constant 51200 : i32
          %ge3A_1344 = arith.cmpi sge, %squeeze3A_1342, %ge3A_1343 : i32
          %jit3A_1345 = arith.constant 64 : i32
          %jit3A_1346 = arith.constant 0 : i32
          %select_n3A_1347 = arith.select %ge3A_1344, %jit3A_1345, %jit3A_1346 : i32
          %add3A_1348 = arith.constant 25 : i32
          %add3A_1349 = arith.addi %mul3A_125, %add3A_1348 : i32
          %add3A_1350 = arith.constant 0 : i32
          %add3A_1351 = arith.addi %select_n3A_1347, %add3A_1350 : i32
          %get3A_1352 = arith.index_cast %add3A_1349 : i32 to index
          %get3A_1353 = arith.index_cast %add3A_1351 : i32 to index
          %get3A_1354 = tpu.vector_load %arg10[%get3A_1352, %get3A_1353] {strides = array<i32>} : memref<832x128xf32, #tpu.memory_space<vmem>>, vector<1x16xf32>,
          %get3A_1355 = vector.shape_cast %get3A_1354 : vector<1x16xf32> to vector<16xf32>
          %add3A_1356 = arith.addf %add3A_1308, %get3A_1355 : vector<16xf32>
          %add3A_1357 = arith.constant 25 : i32
          %add3A_1358 = arith.addi %mul3A_125, %add3A_1357 : i32
          %add3A_1359 = arith.constant 16 : i32
          %add3A_1360 = arith.addi %select_n3A_1347, %add3A_1359 : i32
          %get3A_1361 = arith.index_cast %add3A_1358 : i32 to index
          %get3A_1362 = arith.index_cast %add3A_1360 : i32 to index
          %get3A_1363 = tpu.vector_load %arg10[%get3A_1361, %get3A_1362] {strides = array<i32>} : memref<832x128xf32, #tpu.memory_space<vmem>>, vector<1x16xf32>,
          %get3A_1364 = vector.shape_cast %get3A_1363 : vector<1x16xf32> to vector<16xf32>
          %add3A_1365 = arith.addf %add3A_1317, %get3A_1364 : vector<16xf32>
          %add3A_1366 = arith.constant 25 : i32
          %add3A_1367 = arith.addi %mul3A_125, %add3A_1366 : i32
          %add3A_1368 = arith.constant 32 : i32
          %add3A_1369 = arith.addi %select_n3A_1347, %add3A_1368 : i32
          %get3A_1370 = arith.index_cast %add3A_1367 : i32 to index
          %get3A_1371 = arith.index_cast %add3A_1369 : i32 to index
          %get3A_1372 = tpu.vector_load %arg10[%get3A_1370, %get3A_1371] {strides = array<i32>} : memref<832x128xf32, #tpu.memory_space<vmem>>, vector<1x16xf32>,
          %get3A_1373 = vector.shape_cast %get3A_1372 : vector<1x16xf32> to vector<16xf32>
          %add3A_1374 = arith.addf %add3A_1326, %get3A_1373 : vector<16xf32>
          %add3A_1375 = arith.constant 25 : i32
          %add3A_1376 = arith.addi %mul3A_125, %add3A_1375 : i32
          %add3A_1377 = arith.constant 48 : i32
          %add3A_1378 = arith.addi %select_n3A_1347, %add3A_1377 : i32
          %get3A_1379 = arith.index_cast %add3A_1376 : i32 to index
          %get3A_1380 = arith.index_cast %add3A_1378 : i32 to index
          %get3A_1381 = tpu.vector_load %arg10[%get3A_1379, %get3A_1380] {strides = array<i32>} : memref<832x128xf32, #tpu.memory_space<vmem>>, vector<1x16xf32>,
          %get3A_1382 = vector.shape_cast %get3A_1381 : vector<1x16xf32> to vector<16xf32>
          %add3A_1383 = arith.addf %add3A_1335, %get3A_1382 : vector<16xf32>
          %swap3A = arith.index_cast %while3A_122 : i32 to index
          %swap3A_1384 = arith.constant 0 : index
          %swap3A_1385 = tpu.vector_load %arg12[%swap3A, %swap3A_1384] {strides = array<i32>} : memref<32x128xf32, #tpu.memory_space<vmem>>, vector<1x16xf32>,
          %swap3A_1386 = vector.shape_cast %swap3A_1385 : vector<1x16xf32> to vector<16xf32>
          %swap3A_1387 = vector.shape_cast %add3A_1356 : vector<16xf32> to vector<1x16xf32>
          tpu.vector_store %arg12[%swap3A, %swap3A_1384], %swap3A_1387 {strides = array<i32>} : memref<32x128xf32, #tpu.memory_space<vmem>>, vector<1x16xf32>,
          %swap3A_1388 = arith.index_cast %while3A_122 : i32 to index
          %swap3A_1389 = arith.constant 16 : index
          %swap3A_1390 = tpu.vector_load %arg12[%swap3A_1388, %swap3A_1389] {strides = array<i32>} : memref<32x128xf32, #tpu.memory_space<vmem>>, vector<1x16xf32>,
          %swap3A_1391 = vector.shape_cast %swap3A_1390 : vector<1x16xf32> to vector<16xf32>
          %swap3A_1392 = vector.shape_cast %add3A_1365 : vector<16xf32> to vector<1x16xf32>
          tpu.vector_store %arg12[%swap3A_1388, %swap3A_1389], %swap3A_1392 {strides = array<i32>} : memref<32x128xf32, #tpu.memory_space<vmem>>, vector<1x16xf32>,
          %swap3A_1393 = arith.index_cast %while3A_122 : i32 to index
          %swap3A_1394 = arith.constant 32 : index
          %swap3A_1395 = tpu.vector_load %arg12[%swap3A_1393, %swap3A_1394] {strides = array<i32>} : memref<32x128xf32, #tpu.memory_space<vmem>>, vector<1x16xf32>,
          %swap3A_1396 = vector.shape_cast %swap3A_1395 : vector<1x16xf32> to vector<16xf32>
          %swap3A_1397 = vector.shape_cast %add3A_1374 : vector<16xf32> to vector<1x16xf32>
          tpu.vector_store %arg12[%swap3A_1393, %swap3A_1394], %swap3A_1397 {strides = array<i32>} : memref<32x128xf32, #tpu.memory_space<vmem>>, vector<1x16xf32>,
          %swap3A_1398 = arith.index_cast %while3A_122 : i32 to index
          %swap3A_1399 = arith.constant 48 : index
          %swap3A_1400 = tpu.vector_load %arg12[%swap3A_1398, %swap3A_1399] {strides = array<i32>} : memref<32x128xf32, #tpu.memory_space<vmem>>, vector<1x16xf32>,
          %swap3A_1401 = vector.shape_cast %swap3A_1400 : vector<1x16xf32> to vector<16xf32>
          %swap3A_1402 = vector.shape_cast %add3A_1383 : vector<16xf32> to vector<1x16xf32>
          tpu.vector_store %arg12[%swap3A_1398, %swap3A_1399], %swap3A_1402 {strides = array<i32>} : memref<32x128xf32, #tpu.memory_space<vmem>>, vector<1x16xf32>,
          %while3A_1403 = arith.constant 0 : i32
          scf.yield %while3A_1403 : i32
        }
        %while3A_119 = arith.constant 1 : i32
        %while3A_120 = scf.for %while3A_122 = %while3A_116 to %while3A_112 step %while3A_119 iter_args(%while3A_123 = %while3A_118) -> (i32)  : i32 {
          %mul3A_124 = arith.constant 26 : i32
          %mul3A_125 = arith.muli %while3A_122, %mul3A_124 : i32
          %get3A = arith.index_cast %while3A_122 : i32 to index
          %get3A_126 = arith.constant 0 : index
          %get3A_127 = tpu.vector_load %arg11[%get3A, %get3A_126] {strides = array<i32>} : memref<32x128xf32, #tpu.memory_space<vmem>>, vector<1x16xf32>,
          %get3A_128 = vector.shape_cast %get3A_127 : vector<1x16xf32> to vector<16xf32>
          %get3A_129 = arith.index_cast %while3A_122 : i32 to index
          %get3A_130 = arith.constant 16 : index
          %get3A_131 = tpu.vector_load %arg11[%get3A_129, %get3A_130] {strides = array<i32>} : memref<32x128xf32, #tpu.memory_space<vmem>>, vector<1x16xf32>,
          %get3A_132 = vector.shape_cast %get3A_131 : vector<1x16xf32> to vector<16xf32>
          %get3A_133 = arith.index_cast %while3A_122 : i32 to index
          %get3A_134 = arith.constant 32 : index
          %get3A_135 = tpu.vector_load %arg11[%get3A_133, %get3A_134] {strides = array<i32>} : memref<32x128xf32, #tpu.memory_space<vmem>>, vector<1x16xf32>,
          %get3A_136 = vector.shape_cast %get3A_135 : vector<1x16xf32> to vector<16xf32>
          %get3A_137 = arith.index_cast %while3A_122 : i32 to index
          %get3A_138 = arith.constant 48 : index
          %get3A_139 = tpu.vector_load %arg11[%get3A_137, %get3A_138] {strides = array<i32>} : memref<32x128xf32, #tpu.memory_space<vmem>>, vector<1x16xf32>,
          %get3A_140 = vector.shape_cast %get3A_139 : vector<1x16xf32> to vector<16xf32>
          %add3A_141 = arith.constant 0 : i32
          %add3A_142 = arith.addi %mul3A_125, %add3A_141 : i32
          %get3A_143 = arith.index_cast %add3A_142 : i32 to index
          %get3A_144 = tpu.vector_load %arg7[%get3A_143] {strides = array<i32>} : memref<848xi32, #tpu.memory_space<vmem>>, vector<16xi32>,
          %get3A_145 = vector.shape_cast %get3A_144 : vector<16xi32> to vector<16xi32>
          %slice3A = vector.extract_strided_slice %get3A_145 {offsets = [0], sizes = [1], strides = [1]} : vector<16xi32> to vector<1xi32>
          %squeeze3A = vector.extract %slice3A[0] : i32 from vector<1xi32>
          %ge3A = arith.constant 51200 : i32
          %ge3A_146 = arith.cmpi sge, %squeeze3A, %ge3A : i32
          %jit3A = arith.constant 64 : i32
          %jit3A_147 = arith.constant 0 : i32
          %select_n3A = arith.select %ge3A_146, %jit3A, %jit3A_147 : i32
          %add3A_148 = arith.constant 0 : i32
          %add3A_149 = arith.addi %mul3A_125, %add3A_148 : i32
          %add3A_150 = arith.constant 0 : i32
          %add3A_151 = arith.addi %select_n3A, %add3A_150 : i32
          %get3A_152 = arith.index_cast %add3A_149 : i32 to index
          %get3A_153 = arith.index_cast %add3A_151 : i32 to index
          %get3A_154 = tpu.vector_load %arg10[%get3A_152, %get3A_153] {strides = array<i32>} : memref<832x128xf32, #tpu.memory_space<vmem>>, vector<1x16xf32>,
          %get3A_155 = vector.shape_cast %get3A_154 : vector<1x16xf32> to vector<16xf32>
          %add3A_156 = arith.addf %get3A_128, %get3A_155 : vector<16xf32>
          %add3A_157 = arith.constant 0 : i32
          %add3A_158 = arith.addi %mul3A_125, %add3A_157 : i32
          %add3A_159 = arith.constant 16 : i32
          %add3A_160 = arith.addi %select_n3A, %add3A_159 : i32
          %get3A_161 = arith.index_cast %add3A_158 : i32 to index
          %get3A_162 = arith.index_cast %add3A_160 : i32 to index
          %get3A_163 = tpu.vector_load %arg10[%get3A_161, %get3A_162] {strides = array<i32>} : memref<832x128xf32, #tpu.memory_space<vmem>>, vector<1x16xf32>,
          %get3A_164 = vector.shape_cast %get3A_163 : vector<1x16xf32> to vector<16xf32>
          %add3A_165 = arith.addf %get3A_132, %get3A_164 : vector<16xf32>
          %add3A_166 = arith.constant 0 : i32
          %add3A_167 = arith.addi %mul3A_125, %add3A_166 : i32
          %add3A_168 = arith.constant 32 : i32
          %add3A_169 = arith.addi %select_n3A, %add3A_168 : i32
          %get3A_170 = arith.index_cast %add3A_167 : i32 to index
          %get3A_171 = arith.index_cast %add3A_169 : i32 to index
          %get3A_172 = tpu.vector_load %arg10[%get3A_170, %get3A_171] {strides = array<i32>} : memref<832x128xf32, #tpu.memory_space<vmem>>, vector<1x16xf32>,
          %get3A_173 = vector.shape_cast %get3A_172 : vector<1x16xf32> to vector<16xf32>
          %add3A_174 = arith.addf %get3A_136, %get3A_173 : vector<16xf32>
          %add3A_175 = arith.constant 0 : i32
          %add3A_176 = arith.addi %mul3A_125, %add3A_175 : i32
          %add3A_177 = arith.constant 48 : i32
          %add3A_178 = arith.addi %select_n3A, %add3A_177 : i32
          %get3A_179 = arith.index_cast %add3A_176 : i32 to index
          %get3A_180 = arith.index_cast %add3A_178 : i32 to index
          %get3A_181 = tpu.vector_load %arg10[%get3A_179, %get3A_180] {strides = array<i32>} : memref<832x128xf32, #tpu.memory_space<vmem>>, vector<1x16xf32>,
          %get3A_182 = vector.shape_cast %get3A_181 : vector<1x16xf32> to vector<16xf32>
          %add3A_183 = arith.addf %get3A_140, %get3A_182 : vector<16xf32>
          %add3A_184 = arith.constant 1 : i32
          %add3A_185 = arith.addi %mul3A_125, %add3A_184 : i32
          %get3A_186 = arith.index_cast %add3A_185 : i32 to index
          %get3A_187 = tpu.vector_load %arg7[%get3A_186] {strides = array<i32>} : memref<848xi32, #tpu.memory_space<vmem>>, vector<16xi32>,
          %get3A_188 = vector.shape_cast %get3A_187 : vector<16xi32> to vector<16xi32>
          %slice3A_189 = vector.extract_strided_slice %get3A_188 {offsets = [0], sizes = [1], strides = [1]} : vector<16xi32> to vector<1xi32>
          %squeeze3A_190 = vector.extract %slice3A_189[0] : i32 from vector<1xi32>
          %ge3A_191 = arith.constant 51200 : i32
          %ge3A_192 = arith.cmpi sge, %squeeze3A_190, %ge3A_191 : i32
          %jit3A_193 = arith.constant 64 : i32
          %jit3A_194 = arith.constant 0 : i32
          %select_n3A_195 = arith.select %ge3A_192, %jit3A_193, %jit3A_194 : i32
          %add3A_196 = arith.constant 1 : i32
          %add3A_197 = arith.addi %mul3A_125, %add3A_196 : i32
          %add3A_198 = arith.constant 0 : i32
          %add3A_199 = arith.addi %select_n3A_195, %add3A_198 : i32
          %get3A_200 = arith.index_cast %add3A_197 : i32 to index
          %get3A_201 = arith.index_cast %add3A_199 : i32 to index
          %get3A_202 = tpu.vector_load %arg10[%get3A_200, %get3A_201] {strides = array<i32>} : memref<832x128xf32, #tpu.memory_space<vmem>>, vector<1x16xf32>,
          %get3A_203 = vector.shape_cast %get3A_202 : vector<1x16xf32> to vector<16xf32>
          %add3A_204 = arith.addf %add3A_156, %get3A_203 : vector<16xf32>
          %add3A_205 = arith.constant 1 : i32
          %add3A_206 = arith.addi %mul3A_125, %add3A_205 : i32
          %add3A_207 = arith.constant 16 : i32
          %add3A_208 = arith.addi %select_n3A_195, %add3A_207 : i32
          %get3A_209 = arith.index_cast %add3A_206 : i32 to index
          %get3A_210 = arith.index_cast %add3A_208 : i32 to index
          %get3A_211 = tpu.vector_load %arg10[%get3A_209, %get3A_210] {strides = array<i32>} : memref<832x128xf32, #tpu.memory_space<vmem>>, vector<1x16xf32>,
          %get3A_212 = vector.shape_cast %get3A_211 : vector<1x16xf32> to vector<16xf32>
          %add3A_213 = arith.addf %add3A_165, %get3A_212 : vector<16xf32>
          %add3A_214 = arith.constant 1 : i32
          %add3A_215 = arith.addi %mul3A_125, %add3A_214 : i32
          %add3A_216 = arith.constant 32 : i32
          %add3A_217 = arith.addi %select_n3A_195, %add3A_216 : i32
          %get3A_218 = arith.index_cast %add3A_215 : i32 to index
          %get3A_219 = arith.index_cast %add3A_217 : i32 to index
          %get3A_220 = tpu.vector_load %arg10[%get3A_218, %get3A_219] {strides = array<i32>} : memref<832x128xf32, #tpu.memory_space<vmem>>, vector<1x16xf32>,
          %get3A_221 = vector.shape_cast %get3A_220 : vector<1x16xf32> to vector<16xf32>
          %add3A_222 = arith.addf %add3A_174, %get3A_221 : vector<16xf32>
          %add3A_223 = arith.constant 1 : i32
          %add3A_224 = arith.addi %mul3A_125, %add3A_223 : i32
          %add3A_225 = arith.constant 48 : i32
          %add3A_226 = arith.addi %select_n3A_195, %add3A_225 : i32
          %get3A_227 = arith.index_cast %add3A_224 : i32 to index
          %get3A_228 = arith.index_cast %add3A_226 : i32 to index
          %get3A_229 = tpu.vector_load %arg10[%get3A_227, %get3A_228] {strides = array<i32>} : memref<832x128xf32, #tpu.memory_space<vmem>>, vector<1x16xf32>,
          %get3A_230 = vector.shape_cast %get3A_229 : vector<1x16xf32> to vector<16xf32>
          %add3A_231 = arith.addf %add3A_183, %get3A_230 : vector<16xf32>
          %add3A_232 = arith.constant 2 : i32
          %add3A_233 = arith.addi %mul3A_125, %add3A_232 : i32
          %get3A_234 = arith.index_cast %add3A_233 : i32 to index
          %get3A_235 = tpu.vector_load %arg7[%get3A_234] {strides = array<i32>} : memref<848xi32, #tpu.memory_space<vmem>>, vector<16xi32>,
          %get3A_236 = vector.shape_cast %get3A_235 : vector<16xi32> to vector<16xi32>
          %slice3A_237 = vector.extract_strided_slice %get3A_236 {offsets = [0], sizes = [1], strides = [1]} : vector<16xi32> to vector<1xi32>
          %squeeze3A_238 = vector.extract %slice3A_237[0] : i32 from vector<1xi32>
          %ge3A_239 = arith.constant 51200 : i32
          %ge3A_240 = arith.cmpi sge, %squeeze3A_238, %ge3A_239 : i32
          %jit3A_241 = arith.constant 64 : i32
          %jit3A_242 = arith.constant 0 : i32
          %select_n3A_243 = arith.select %ge3A_240, %jit3A_241, %jit3A_242 : i32
          %add3A_244 = arith.constant 2 : i32
          %add3A_245 = arith.addi %mul3A_125, %add3A_244 : i32
          %add3A_246 = arith.constant 0 : i32
          %add3A_247 = arith.addi %select_n3A_243, %add3A_246 : i32
          %get3A_248 = arith.index_cast %add3A_245 : i32 to index
          %get3A_249 = arith.index_cast %add3A_247 : i32 to index
          %get3A_250 = tpu.vector_load %arg10[%get3A_248, %get3A_249] {strides = array<i32>} : memref<832x128xf32, #tpu.memory_space<vmem>>, vector<1x16xf32>,
          %get3A_251 = vector.shape_cast %get3A_250 : vector<1x16xf32> to vector<16xf32>
          %add3A_252 = arith.addf %add3A_204, %get3A_251 : vector<16xf32>
          %add3A_253 = arith.constant 2 : i32
          %add3A_254 = arith.addi %mul3A_125, %add3A_253 : i32
          %add3A_255 = arith.constant 16 : i32
          %add3A_256 = arith.addi %select_n3A_243, %add3A_255 : i32
          %get3A_257 = arith.index_cast %add3A_254 : i32 to index
          %get3A_258 = arith.index_cast %add3A_256 : i32 to index
          %get3A_259 = tpu.vector_load %arg10[%get3A_257, %get3A_258] {strides = array<i32>} : memref<832x128xf32, #tpu.memory_space<vmem>>, vector<1x16xf32>,
          %get3A_260 = vector.shape_cast %get3A_259 : vector<1x16xf32> to vector<16xf32>
          %add3A_261 = arith.addf %add3A_213, %get3A_260 : vector<16xf32>
          %add3A_262 = arith.constant 2 : i32
          %add3A_263 = arith.addi %mul3A_125, %add3A_262 : i32
          %add3A_264 = arith.constant 32 : i32
          %add3A_265 = arith.addi %select_n3A_243, %add3A_264 : i32
          %get3A_266 = arith.index_cast %add3A_263 : i32 to index
          %get3A_267 = arith.index_cast %add3A_265 : i32 to index
          %get3A_268 = tpu.vector_load %arg10[%get3A_266, %get3A_267] {strides = array<i32>} : memref<832x128xf32, #tpu.memory_space<vmem>>, vector<1x16xf32>,
          %get3A_269 = vector.shape_cast %get3A_268 : vector<1x16xf32> to vector<16xf32>
          %add3A_270 = arith.addf %add3A_222, %get3A_269 : vector<16xf32>
          %add3A_271 = arith.constant 2 : i32
          %add3A_272 = arith.addi %mul3A_125, %add3A_271 : i32
          %add3A_273 = arith.constant 48 : i32
          %add3A_274 = arith.addi %select_n3A_243, %add3A_273 : i32
          %get3A_275 = arith.index_cast %add3A_272 : i32 to index
          %get3A_276 = arith.index_cast %add3A_274 : i32 to index
          %get3A_277 = tpu.vector_load %arg10[%get3A_275, %get3A_276] {strides = array<i32>} : memref<832x128xf32, #tpu.memory_space<vmem>>, vector<1x16xf32>,
          %get3A_278 = vector.shape_cast %get3A_277 : vector<1x16xf32> to vector<16xf32>
          %add3A_279 = arith.addf %add3A_231, %get3A_278 : vector<16xf32>
          %add3A_280 = arith.constant 3 : i32
          %add3A_281 = arith.addi %mul3A_125, %add3A_280 : i32
          %get3A_282 = arith.index_cast %add3A_281 : i32 to index
          %get3A_283 = tpu.vector_load %arg7[%get3A_282] {strides = array<i32>} : memref<848xi32, #tpu.memory_space<vmem>>, vector<16xi32>,
          %get3A_284 = vector.shape_cast %get3A_283 : vector<16xi32> to vector<16xi32>
          %slice3A_285 = vector.extract_strided_slice %get3A_284 {offsets = [0], sizes = [1], strides = [1]} : vector<16xi32> to vector<1xi32>
          %squeeze3A_286 = vector.extract %slice3A_285[0] : i32 from vector<1xi32>
          %ge3A_287 = arith.constant 51200 : i32
          %ge3A_288 = arith.cmpi sge, %squeeze3A_286, %ge3A_287 : i32
          %jit3A_289 = arith.constant 64 : i32
          %jit3A_290 = arith.constant 0 : i32
          %select_n3A_291 = arith.select %ge3A_288, %jit3A_289, %jit3A_290 : i32
          %add3A_292 = arith.constant 3 : i32
          %add3A_293 = arith.addi %mul3A_125, %add3A_292 : i32
          %add3A_294 = arith.constant 0 : i32
          %add3A_295 = arith.addi %select_n3A_291, %add3A_294 : i32
          %get3A_296 = arith.index_cast %add3A_293 : i32 to index
          %get3A_297 = arith.index_cast %add3A_295 : i32 to index
          %get3A_298 = tpu.vector_load %arg10[%get3A_296, %get3A_297] {strides = array<i32>} : memref<832x128xf32, #tpu.memory_space<vmem>>, vector<1x16xf32>,
          %get3A_299 = vector.shape_cast %get3A_298 : vector<1x16xf32> to vector<16xf32>
          %add3A_300 = arith.addf %add3A_252, %get3A_299 : vector<16xf32>
          %add3A_301 = arith.constant 3 : i32
          %add3A_302 = arith.addi %mul3A_125, %add3A_301 : i32
          %add3A_303 = arith.constant 16 : i32
          %add3A_304 = arith.addi %select_n3A_291, %add3A_303 : i32
          %get3A_305 = arith.index_cast %add3A_302 : i32 to index
          %get3A_306 = arith.index_cast %add3A_304 : i32 to index
          %get3A_307 = tpu.vector_load %arg10[%get3A_305, %get3A_306] {strides = array<i32>} : memref<832x128xf32, #tpu.memory_space<vmem>>, vector<1x16xf32>,
          %get3A_308 = vector.shape_cast %get3A_307 : vector<1x16xf32> to vector<16xf32>
          %add3A_309 = arith.addf %add3A_261, %get3A_308 : vector<16xf32>
          %add3A_310 = arith.constant 3 : i32
          %add3A_311 = arith.addi %mul3A_125, %add3A_310 : i32
          %add3A_312 = arith.constant 32 : i32
          %add3A_313 = arith.addi %select_n3A_291, %add3A_312 : i32
          %get3A_314 = arith.index_cast %add3A_311 : i32 to index
          %get3A_315 = arith.index_cast %add3A_313 : i32 to index
          %get3A_316 = tpu.vector_load %arg10[%get3A_314, %get3A_315] {strides = array<i32>} : memref<832x128xf32, #tpu.memory_space<vmem>>, vector<1x16xf32>,
          %get3A_317 = vector.shape_cast %get3A_316 : vector<1x16xf32> to vector<16xf32>
          %add3A_318 = arith.addf %add3A_270, %get3A_317 : vector<16xf32>
          %add3A_319 = arith.constant 3 : i32
          %add3A_320 = arith.addi %mul3A_125, %add3A_319 : i32
          %add3A_321 = arith.constant 48 : i32
          %add3A_322 = arith.addi %select_n3A_291, %add3A_321 : i32
          %get3A_323 = arith.index_cast %add3A_320 : i32 to index
          %get3A_324 = arith.index_cast %add3A_322 : i32 to index
          %get3A_325 = tpu.vector_load %arg10[%get3A_323, %get3A_324] {strides = array<i32>} : memref<832x128xf32, #tpu.memory_space<vmem>>, vector<1x16xf32>,
          %get3A_326 = vector.shape_cast %get3A_325 : vector<1x16xf32> to vector<16xf32>
          %add3A_327 = arith.addf %add3A_279, %get3A_326 : vector<16xf32>
          %add3A_328 = arith.constant 4 : i32
          %add3A_329 = arith.addi %mul3A_125, %add3A_328 : i32
          %get3A_330 = arith.index_cast %add3A_329 : i32 to index
          %get3A_331 = tpu.vector_load %arg7[%get3A_330] {strides = array<i32>} : memref<848xi32, #tpu.memory_space<vmem>>, vector<16xi32>,
          %get3A_332 = vector.shape_cast %get3A_331 : vector<16xi32> to vector<16xi32>
          %slice3A_333 = vector.extract_strided_slice %get3A_332 {offsets = [0], sizes = [1], strides = [1]} : vector<16xi32> to vector<1xi32>
          %squeeze3A_334 = vector.extract %slice3A_333[0] : i32 from vector<1xi32>
          %ge3A_335 = arith.constant 51200 : i32
          %ge3A_336 = arith.cmpi sge, %squeeze3A_334, %ge3A_335 : i32
          %jit3A_337 = arith.constant 64 : i32
          %jit3A_338 = arith.constant 0 : i32
          %select_n3A_339 = arith.select %ge3A_336, %jit3A_337, %jit3A_338 : i32
          %add3A_340 = arith.constant 4 : i32
          %add3A_341 = arith.addi %mul3A_125, %add3A_340 : i32
          %add3A_342 = arith.constant 0 : i32
          %add3A_343 = arith.addi %select_n3A_339, %add3A_342 : i32
          %get3A_344 = arith.index_cast %add3A_341 : i32 to index
          %get3A_345 = arith.index_cast %add3A_343 : i32 to index
          %get3A_346 = tpu.vector_load %arg10[%get3A_344, %get3A_345] {strides = array<i32>} : memref<832x128xf32, #tpu.memory_space<vmem>>, vector<1x16xf32>,
          %get3A_347 = vector.shape_cast %get3A_346 : vector<1x16xf32> to vector<16xf32>
          %add3A_348 = arith.addf %add3A_300, %get3A_347 : vector<16xf32>
          %add3A_349 = arith.constant 4 : i32
          %add3A_350 = arith.addi %mul3A_125, %add3A_349 : i32
          %add3A_351 = arith.constant 16 : i32
          %add3A_352 = arith.addi %select_n3A_339, %add3A_351 : i32
          %get3A_353 = arith.index_cast %add3A_350 : i32 to index
          %get3A_354 = arith.index_cast %add3A_352 : i32 to index
          %get3A_355 = tpu.vector_load %arg10[%get3A_353, %get3A_354] {strides = array<i32>} : memref<832x128xf32, #tpu.memory_space<vmem>>, vector<1x16xf32>,
          %get3A_356 = vector.shape_cast %get3A_355 : vector<1x16xf32> to vector<16xf32>
          %add3A_357 = arith.addf %add3A_309, %get3A_356 : vector<16xf32>
          %add3A_358 = arith.constant 4 : i32
          %add3A_359 = arith.addi %mul3A_125, %add3A_358 : i32
          %add3A_360 = arith.constant 32 : i32
          %add3A_361 = arith.addi %select_n3A_339, %add3A_360 : i32
          %get3A_362 = arith.index_cast %add3A_359 : i32 to index
          %get3A_363 = arith.index_cast %add3A_361 : i32 to index
          %get3A_364 = tpu.vector_load %arg10[%get3A_362, %get3A_363] {strides = array<i32>} : memref<832x128xf32, #tpu.memory_space<vmem>>, vector<1x16xf32>,
          %get3A_365 = vector.shape_cast %get3A_364 : vector<1x16xf32> to vector<16xf32>
          %add3A_366 = arith.addf %add3A_318, %get3A_365 : vector<16xf32>
          %add3A_367 = arith.constant 4 : i32
          %add3A_368 = arith.addi %mul3A_125, %add3A_367 : i32
          %add3A_369 = arith.constant 48 : i32
          %add3A_370 = arith.addi %select_n3A_339, %add3A_369 : i32
          %get3A_371 = arith.index_cast %add3A_368 : i32 to index
          %get3A_372 = arith.index_cast %add3A_370 : i32 to index
          %get3A_373 = tpu.vector_load %arg10[%get3A_371, %get3A_372] {strides = array<i32>} : memref<832x128xf32, #tpu.memory_space<vmem>>, vector<1x16xf32>,
          %get3A_374 = vector.shape_cast %get3A_373 : vector<1x16xf32> to vector<16xf32>
          %add3A_375 = arith.addf %add3A_327, %get3A_374 : vector<16xf32>
          %add3A_376 = arith.constant 5 : i32
          %add3A_377 = arith.addi %mul3A_125, %add3A_376 : i32
          %get3A_378 = arith.index_cast %add3A_377 : i32 to index
          %get3A_379 = tpu.vector_load %arg7[%get3A_378] {strides = array<i32>} : memref<848xi32, #tpu.memory_space<vmem>>, vector<16xi32>,
          %get3A_380 = vector.shape_cast %get3A_379 : vector<16xi32> to vector<16xi32>
          %slice3A_381 = vector.extract_strided_slice %get3A_380 {offsets = [0], sizes = [1], strides = [1]} : vector<16xi32> to vector<1xi32>
          %squeeze3A_382 = vector.extract %slice3A_381[0] : i32 from vector<1xi32>
          %ge3A_383 = arith.constant 51200 : i32
          %ge3A_384 = arith.cmpi sge, %squeeze3A_382, %ge3A_383 : i32
          %jit3A_385 = arith.constant 64 : i32
          %jit3A_386 = arith.constant 0 : i32
          %select_n3A_387 = arith.select %ge3A_384, %jit3A_385, %jit3A_386 : i32
          %add3A_388 = arith.constant 5 : i32
          %add3A_389 = arith.addi %mul3A_125, %add3A_388 : i32
          %add3A_390 = arith.constant 0 : i32
          %add3A_391 = arith.addi %select_n3A_387, %add3A_390 : i32
          %get3A_392 = arith.index_cast %add3A_389 : i32 to index
          %get3A_393 = arith.index_cast %add3A_391 : i32 to index
          %get3A_394 = tpu.vector_load %arg10[%get3A_392, %get3A_393] {strides = array<i32>} : memref<832x128xf32, #tpu.memory_space<vmem>>, vector<1x16xf32>,
          %get3A_395 = vector.shape_cast %get3A_394 : vector<1x16xf32> to vector<16xf32>
          %add3A_396 = arith.addf %add3A_348, %get3A_395 : vector<16xf32>
          %add3A_397 = arith.constant 5 : i32
          %add3A_398 = arith.addi %mul3A_125, %add3A_397 : i32
          %add3A_399 = arith.constant 16 : i32
          %add3A_400 = arith.addi %select_n3A_387, %add3A_399 : i32
          %get3A_401 = arith.index_cast %add3A_398 : i32 to index
          %get3A_402 = arith.index_cast %add3A_400 : i32 to index
          %get3A_403 = tpu.vector_load %arg10[%get3A_401, %get3A_402] {strides = array<i32>} : memref<832x128xf32, #tpu.memory_space<vmem>>, vector<1x16xf32>,
          %get3A_404 = vector.shape_cast %get3A_403 : vector<1x16xf32> to vector<16xf32>
          %add3A_405 = arith.addf %add3A_357, %get3A_404 : vector<16xf32>
          %add3A_406 = arith.constant 5 : i32
          %add3A_407 = arith.addi %mul3A_125, %add3A_406 : i32
          %add3A_408 = arith.constant 32 : i32
          %add3A_409 = arith.addi %select_n3A_387, %add3A_408 : i32
          %get3A_410 = arith.index_cast %add3A_407 : i32 to index
          %get3A_411 = arith.index_cast %add3A_409 : i32 to index
          %get3A_412 = tpu.vector_load %arg10[%get3A_410, %get3A_411] {strides = array<i32>} : memref<832x128xf32, #tpu.memory_space<vmem>>, vector<1x16xf32>,
          %get3A_413 = vector.shape_cast %get3A_412 : vector<1x16xf32> to vector<16xf32>
          %add3A_414 = arith.addf %add3A_366, %get3A_413 : vector<16xf32>
          %add3A_415 = arith.constant 5 : i32
          %add3A_416 = arith.addi %mul3A_125, %add3A_415 : i32
          %add3A_417 = arith.constant 48 : i32
          %add3A_418 = arith.addi %select_n3A_387, %add3A_417 : i32
          %get3A_419 = arith.index_cast %add3A_416 : i32 to index
          %get3A_420 = arith.index_cast %add3A_418 : i32 to index
          %get3A_421 = tpu.vector_load %arg10[%get3A_419, %get3A_420] {strides = array<i32>} : memref<832x128xf32, #tpu.memory_space<vmem>>, vector<1x16xf32>,
          %get3A_422 = vector.shape_cast %get3A_421 : vector<1x16xf32> to vector<16xf32>
          %add3A_423 = arith.addf %add3A_375, %get3A_422 : vector<16xf32>
          %add3A_424 = arith.constant 6 : i32
          %add3A_425 = arith.addi %mul3A_125, %add3A_424 : i32
          %get3A_426 = arith.index_cast %add3A_425 : i32 to index
          %get3A_427 = tpu.vector_load %arg7[%get3A_426] {strides = array<i32>} : memref<848xi32, #tpu.memory_space<vmem>>, vector<16xi32>,
          %get3A_428 = vector.shape_cast %get3A_427 : vector<16xi32> to vector<16xi32>
          %slice3A_429 = vector.extract_strided_slice %get3A_428 {offsets = [0], sizes = [1], strides = [1]} : vector<16xi32> to vector<1xi32>
          %squeeze3A_430 = vector.extract %slice3A_429[0] : i32 from vector<1xi32>
          %ge3A_431 = arith.constant 51200 : i32
          %ge3A_432 = arith.cmpi sge, %squeeze3A_430, %ge3A_431 : i32
          %jit3A_433 = arith.constant 64 : i32
          %jit3A_434 = arith.constant 0 : i32
          %select_n3A_435 = arith.select %ge3A_432, %jit3A_433, %jit3A_434 : i32
          %add3A_436 = arith.constant 6 : i32
          %add3A_437 = arith.addi %mul3A_125, %add3A_436 : i32
          %add3A_438 = arith.constant 0 : i32
          %add3A_439 = arith.addi %select_n3A_435, %add3A_438 : i32
          %get3A_440 = arith.index_cast %add3A_437 : i32 to index
          %get3A_441 = arith.index_cast %add3A_439 : i32 to index
          %get3A_442 = tpu.vector_load %arg10[%get3A_440, %get3A_441] {strides = array<i32>} : memref<832x128xf32, #tpu.memory_space<vmem>>, vector<1x16xf32>,
          %get3A_443 = vector.shape_cast %get3A_442 : vector<1x16xf32> to vector<16xf32>
          %add3A_444 = arith.addf %add3A_396, %get3A_443 : vector<16xf32>
          %add3A_445 = arith.constant 6 : i32
          %add3A_446 = arith.addi %mul3A_125, %add3A_445 : i32
          %add3A_447 = arith.constant 16 : i32
          %add3A_448 = arith.addi %select_n3A_435, %add3A_447 : i32
          %get3A_449 = arith.index_cast %add3A_446 : i32 to index
          %get3A_450 = arith.index_cast %add3A_448 : i32 to index
          %get3A_451 = tpu.vector_load %arg10[%get3A_449, %get3A_450] {strides = array<i32>} : memref<832x128xf32, #tpu.memory_space<vmem>>, vector<1x16xf32>,
          %get3A_452 = vector.shape_cast %get3A_451 : vector<1x16xf32> to vector<16xf32>
          %add3A_453 = arith.addf %add3A_405, %get3A_452 : vector<16xf32>
          %add3A_454 = arith.constant 6 : i32
          %add3A_455 = arith.addi %mul3A_125, %add3A_454 : i32
          %add3A_456 = arith.constant 32 : i32
          %add3A_457 = arith.addi %select_n3A_435, %add3A_456 : i32
          %get3A_458 = arith.index_cast %add3A_455 : i32 to index
          %get3A_459 = arith.index_cast %add3A_457 : i32 to index
          %get3A_460 = tpu.vector_load %arg10[%get3A_458, %get3A_459] {strides = array<i32>} : memref<832x128xf32, #tpu.memory_space<vmem>>, vector<1x16xf32>,
          %get3A_461 = vector.shape_cast %get3A_460 : vector<1x16xf32> to vector<16xf32>
          %add3A_462 = arith.addf %add3A_414, %get3A_461 : vector<16xf32>
          %add3A_463 = arith.constant 6 : i32
          %add3A_464 = arith.addi %mul3A_125, %add3A_463 : i32
          %add3A_465 = arith.constant 48 : i32
          %add3A_466 = arith.addi %select_n3A_435, %add3A_465 : i32
          %get3A_467 = arith.index_cast %add3A_464 : i32 to index
          %get3A_468 = arith.index_cast %add3A_466 : i32 to index
          %get3A_469 = tpu.vector_load %arg10[%get3A_467, %get3A_468] {strides = array<i32>} : memref<832x128xf32, #tpu.memory_space<vmem>>, vector<1x16xf32>,
          %get3A_470 = vector.shape_cast %get3A_469 : vector<1x16xf32> to vector<16xf32>
          %add3A_471 = arith.addf %add3A_423, %get3A_470 : vector<16xf32>
          %add3A_472 = arith.constant 7 : i32
          %add3A_473 = arith.addi %mul3A_125, %add3A_472 : i32
          %get3A_474 = arith.index_cast %add3A_473 : i32 to index
          %get3A_475 = tpu.vector_load %arg7[%get3A_474] {strides = array<i32>} : memref<848xi32, #tpu.memory_space<vmem>>, vector<16xi32>,
          %get3A_476 = vector.shape_cast %get3A_475 : vector<16xi32> to vector<16xi32>
          %slice3A_477 = vector.extract_strided_slice %get3A_476 {offsets = [0], sizes = [1], strides = [1]} : vector<16xi32> to vector<1xi32>
          %squeeze3A_478 = vector.extract %slice3A_477[0] : i32 from vector<1xi32>
          %ge3A_479 = arith.constant 51200 : i32
          %ge3A_480 = arith.cmpi sge, %squeeze3A_478, %ge3A_479 : i32
          %jit3A_481 = arith.constant 64 : i32
          %jit3A_482 = arith.constant 0 : i32
          %select_n3A_483 = arith.select %ge3A_480, %jit3A_481, %jit3A_482 : i32
          %add3A_484 = arith.constant 7 : i32
          %add3A_485 = arith.addi %mul3A_125, %add3A_484 : i32
          %add3A_486 = arith.constant 0 : i32
          %add3A_487 = arith.addi %select_n3A_483, %add3A_486 : i32
          %get3A_488 = arith.index_cast %add3A_485 : i32 to index
          %get3A_489 = arith.index_cast %add3A_487 : i32 to index
          %get3A_490 = tpu.vector_load %arg10[%get3A_488, %get3A_489] {strides = array<i32>} : memref<832x128xf32, #tpu.memory_space<vmem>>, vector<1x16xf32>,
          %get3A_491 = vector.shape_cast %get3A_490 : vector<1x16xf32> to vector<16xf32>
          %add3A_492 = arith.addf %add3A_444, %get3A_491 : vector<16xf32>
          %add3A_493 = arith.constant 7 : i32
          %add3A_494 = arith.addi %mul3A_125, %add3A_493 : i32
          %add3A_495 = arith.constant 16 : i32
          %add3A_496 = arith.addi %select_n3A_483, %add3A_495 : i32
          %get3A_497 = arith.index_cast %add3A_494 : i32 to index
          %get3A_498 = arith.index_cast %add3A_496 : i32 to index
          %get3A_499 = tpu.vector_load %arg10[%get3A_497, %get3A_498] {strides = array<i32>} : memref<832x128xf32, #tpu.memory_space<vmem>>, vector<1x16xf32>,
          %get3A_500 = vector.shape_cast %get3A_499 : vector<1x16xf32> to vector<16xf32>
          %add3A_501 = arith.addf %add3A_453, %get3A_500 : vector<16xf32>
          %add3A_502 = arith.constant 7 : i32
          %add3A_503 = arith.addi %mul3A_125, %add3A_502 : i32
          %add3A_504 = arith.constant 32 : i32
          %add3A_505 = arith.addi %select_n3A_483, %add3A_504 : i32
          %get3A_506 = arith.index_cast %add3A_503 : i32 to index
          %get3A_507 = arith.index_cast %add3A_505 : i32 to index
          %get3A_508 = tpu.vector_load %arg10[%get3A_506, %get3A_507] {strides = array<i32>} : memref<832x128xf32, #tpu.memory_space<vmem>>, vector<1x16xf32>,
          %get3A_509 = vector.shape_cast %get3A_508 : vector<1x16xf32> to vector<16xf32>
          %add3A_510 = arith.addf %add3A_462, %get3A_509 : vector<16xf32>
          %add3A_511 = arith.constant 7 : i32
          %add3A_512 = arith.addi %mul3A_125, %add3A_511 : i32
          %add3A_513 = arith.constant 48 : i32
          %add3A_514 = arith.addi %select_n3A_483, %add3A_513 : i32
          %get3A_515 = arith.index_cast %add3A_512 : i32 to index
          %get3A_516 = arith.index_cast %add3A_514 : i32 to index
          %get3A_517 = tpu.vector_load %arg10[%get3A_515, %get3A_516] {strides = array<i32>} : memref<832x128xf32, #tpu.memory_space<vmem>>, vector<1x16xf32>,
          %get3A_518 = vector.shape_cast %get3A_517 : vector<1x16xf32> to vector<16xf32>
          %add3A_519 = arith.addf %add3A_471, %get3A_518 : vector<16xf32>
          %add3A_520 = arith.constant 8 : i32
          %add3A_521 = arith.addi %mul3A_125, %add3A_520 : i32
          %get3A_522 = arith.index_cast %add3A_521 : i32 to index
          %get3A_523 = tpu.vector_load %arg7[%get3A_522] {strides = array<i32>} : memref<848xi32, #tpu.memory_space<vmem>>, vector<16xi32>,
          %get3A_524 = vector.shape_cast %get3A_523 : vector<16xi32> to vector<16xi32>
          %slice3A_525 = vector.extract_strided_slice %get3A_524 {offsets = [0], sizes = [1], strides = [1]} : vector<16xi32> to vector<1xi32>
          %squeeze3A_526 = vector.extract %slice3A_525[0] : i32 from vector<1xi32>
          %ge3A_527 = arith.constant 51200 : i32
          %ge3A_528 = arith.cmpi sge, %squeeze3A_526, %ge3A_527 : i32
          %jit3A_529 = arith.constant 64 : i32
          %jit3A_530 = arith.constant 0 : i32
          %select_n3A_531 = arith.select %ge3A_528, %jit3A_529, %jit3A_530 : i32
          %add3A_532 = arith.constant 8 : i32
          %add3A_533 = arith.addi %mul3A_125, %add3A_532 : i32
          %add3A_534 = arith.constant 0 : i32
          %add3A_535 = arith.addi %select_n3A_531, %add3A_534 : i32
          %get3A_536 = arith.index_cast %add3A_533 : i32 to index
          %get3A_537 = arith.index_cast %add3A_535 : i32 to index
          %get3A_538 = tpu.vector_load %arg10[%get3A_536, %get3A_537] {strides = array<i32>} : memref<832x128xf32, #tpu.memory_space<vmem>>, vector<1x16xf32>,
          %get3A_539 = vector.shape_cast %get3A_538 : vector<1x16xf32> to vector<16xf32>
          %add3A_540 = arith.addf %add3A_492, %get3A_539 : vector<16xf32>
          %add3A_541 = arith.constant 8 : i32
          %add3A_542 = arith.addi %mul3A_125, %add3A_541 : i32
          %add3A_543 = arith.constant 16 : i32
          %add3A_544 = arith.addi %select_n3A_531, %add3A_543 : i32
          %get3A_545 = arith.index_cast %add3A_542 : i32 to index
          %get3A_546 = arith.index_cast %add3A_544 : i32 to index
          %get3A_547 = tpu.vector_load %arg10[%get3A_545, %get3A_546] {strides = array<i32>} : memref<832x128xf32, #tpu.memory_space<vmem>>, vector<1x16xf32>,
          %get3A_548 = vector.shape_cast %get3A_547 : vector<1x16xf32> to vector<16xf32>
          %add3A_549 = arith.addf %add3A_501, %get3A_548 : vector<16xf32>
          %add3A_550 = arith.constant 8 : i32
          %add3A_551 = arith.addi %mul3A_125, %add3A_550 : i32
          %add3A_552 = arith.constant 32 : i32
          %add3A_553 = arith.addi %select_n3A_531, %add3A_552 : i32
          %get3A_554 = arith.index_cast %add3A_551 : i32 to index
          %get3A_555 = arith.index_cast %add3A_553 : i32 to index
          %get3A_556 = tpu.vector_load %arg10[%get3A_554, %get3A_555] {strides = array<i32>} : memref<832x128xf32, #tpu.memory_space<vmem>>, vector<1x16xf32>,
          %get3A_557 = vector.shape_cast %get3A_556 : vector<1x16xf32> to vector<16xf32>
          %add3A_558 = arith.addf %add3A_510, %get3A_557 : vector<16xf32>
          %add3A_559 = arith.constant 8 : i32
          %add3A_560 = arith.addi %mul3A_125, %add3A_559 : i32
          %add3A_561 = arith.constant 48 : i32
          %add3A_562 = arith.addi %select_n3A_531, %add3A_561 : i32
          %get3A_563 = arith.index_cast %add3A_560 : i32 to index
          %get3A_564 = arith.index_cast %add3A_562 : i32 to index
          %get3A_565 = tpu.vector_load %arg10[%get3A_563, %get3A_564] {strides = array<i32>} : memref<832x128xf32, #tpu.memory_space<vmem>>, vector<1x16xf32>,
          %get3A_566 = vector.shape_cast %get3A_565 : vector<1x16xf32> to vector<16xf32>
          %add3A_567 = arith.addf %add3A_519, %get3A_566 : vector<16xf32>
          %add3A_568 = arith.constant 9 : i32
          %add3A_569 = arith.addi %mul3A_125, %add3A_568 : i32
          %get3A_570 = arith.index_cast %add3A_569 : i32 to index
          %get3A_571 = tpu.vector_load %arg7[%get3A_570] {strides = array<i32>} : memref<848xi32, #tpu.memory_space<vmem>>, vector<16xi32>,
          %get3A_572 = vector.shape_cast %get3A_571 : vector<16xi32> to vector<16xi32>
          %slice3A_573 = vector.extract_strided_slice %get3A_572 {offsets = [0], sizes = [1], strides = [1]} : vector<16xi32> to vector<1xi32>
          %squeeze3A_574 = vector.extract %slice3A_573[0] : i32 from vector<1xi32>
          %ge3A_575 = arith.constant 51200 : i32
          %ge3A_576 = arith.cmpi sge, %squeeze3A_574, %ge3A_575 : i32
          %jit3A_577 = arith.constant 64 : i32
          %jit3A_578 = arith.constant 0 : i32
          %select_n3A_579 = arith.select %ge3A_576, %jit3A_577, %jit3A_578 : i32
          %add3A_580 = arith.constant 9 : i32
          %add3A_581 = arith.addi %mul3A_125, %add3A_580 : i32
          %add3A_582 = arith.constant 0 : i32
          %add3A_583 = arith.addi %select_n3A_579, %add3A_582 : i32
          %get3A_584 = arith.index_cast %add3A_581 : i32 to index
          %get3A_585 = arith.index_cast %add3A_583 : i32 to index
          %get3A_586 = tpu.vector_load %arg10[%get3A_584, %get3A_585] {strides = array<i32>} : memref<832x128xf32, #tpu.memory_space<vmem>>, vector<1x16xf32>,
          %get3A_587 = vector.shape_cast %get3A_586 : vector<1x16xf32> to vector<16xf32>
          %add3A_588 = arith.addf %add3A_540, %get3A_587 : vector<16xf32>
          %add3A_589 = arith.constant 9 : i32
          %add3A_590 = arith.addi %mul3A_125, %add3A_589 : i32
          %add3A_591 = arith.constant 16 : i32
          %add3A_592 = arith.addi %select_n3A_579, %add3A_591 : i32
          %get3A_593 = arith.index_cast %add3A_590 : i32 to index
          %get3A_594 = arith.index_cast %add3A_592 : i32 to index
          %get3A_595 = tpu.vector_load %arg10[%get3A_593, %get3A_594] {strides = array<i32>} : memref<832x128xf32, #tpu.memory_space<vmem>>, vector<1x16xf32>,
          %get3A_596 = vector.shape_cast %get3A_595 : vector<1x16xf32> to vector<16xf32>
          %add3A_597 = arith.addf %add3A_549, %get3A_596 : vector<16xf32>
          %add3A_598 = arith.constant 9 : i32
          %add3A_599 = arith.addi %mul3A_125, %add3A_598 : i32
          %add3A_600 = arith.constant 32 : i32
          %add3A_601 = arith.addi %select_n3A_579, %add3A_600 : i32
          %get3A_602 = arith.index_cast %add3A_599 : i32 to index
          %get3A_603 = arith.index_cast %add3A_601 : i32 to index
          %get3A_604 = tpu.vector_load %arg10[%get3A_602, %get3A_603] {strides = array<i32>} : memref<832x128xf32, #tpu.memory_space<vmem>>, vector<1x16xf32>,
          %get3A_605 = vector.shape_cast %get3A_604 : vector<1x16xf32> to vector<16xf32>
          %add3A_606 = arith.addf %add3A_558, %get3A_605 : vector<16xf32>
          %add3A_607 = arith.constant 9 : i32
          %add3A_608 = arith.addi %mul3A_125, %add3A_607 : i32
          %add3A_609 = arith.constant 48 : i32
          %add3A_610 = arith.addi %select_n3A_579, %add3A_609 : i32
          %get3A_611 = arith.index_cast %add3A_608 : i32 to index
          %get3A_612 = arith.index_cast %add3A_610 : i32 to index
          %get3A_613 = tpu.vector_load %arg10[%get3A_611, %get3A_612] {strides = array<i32>} : memref<832x128xf32, #tpu.memory_space<vmem>>, vector<1x16xf32>,
          %get3A_614 = vector.shape_cast %get3A_613 : vector<1x16xf32> to vector<16xf32>
          %add3A_615 = arith.addf %add3A_567, %get3A_614 : vector<16xf32>
          %add3A_616 = arith.constant 10 : i32
          %add3A_617 = arith.addi %mul3A_125, %add3A_616 : i32
          %get3A_618 = arith.index_cast %add3A_617 : i32 to index
          %get3A_619 = tpu.vector_load %arg7[%get3A_618] {strides = array<i32>} : memref<848xi32, #tpu.memory_space<vmem>>, vector<16xi32>,
          %get3A_620 = vector.shape_cast %get3A_619 : vector<16xi32> to vector<16xi32>
          %slice3A_621 = vector.extract_strided_slice %get3A_620 {offsets = [0], sizes = [1], strides = [1]} : vector<16xi32> to vector<1xi32>
          %squeeze3A_622 = vector.extract %slice3A_621[0] : i32 from vector<1xi32>
          %ge3A_623 = arith.constant 51200 : i32
          %ge3A_624 = arith.cmpi sge, %squeeze3A_622, %ge3A_623 : i32
          %jit3A_625 = arith.constant 64 : i32
          %jit3A_626 = arith.constant 0 : i32
          %select_n3A_627 = arith.select %ge3A_624, %jit3A_625, %jit3A_626 : i32
          %add3A_628 = arith.constant 10 : i32
          %add3A_629 = arith.addi %mul3A_125, %add3A_628 : i32
          %add3A_630 = arith.constant 0 : i32
          %add3A_631 = arith.addi %select_n3A_627, %add3A_630 : i32
          %get3A_632 = arith.index_cast %add3A_629 : i32 to index
          %get3A_633 = arith.index_cast %add3A_631 : i32 to index
          %get3A_634 = tpu.vector_load %arg10[%get3A_632, %get3A_633] {strides = array<i32>} : memref<832x128xf32, #tpu.memory_space<vmem>>, vector<1x16xf32>,
          %get3A_635 = vector.shape_cast %get3A_634 : vector<1x16xf32> to vector<16xf32>
          %add3A_636 = arith.addf %add3A_588, %get3A_635 : vector<16xf32>
          %add3A_637 = arith.constant 10 : i32
          %add3A_638 = arith.addi %mul3A_125, %add3A_637 : i32
          %add3A_639 = arith.constant 16 : i32
          %add3A_640 = arith.addi %select_n3A_627, %add3A_639 : i32
          %get3A_641 = arith.index_cast %add3A_638 : i32 to index
          %get3A_642 = arith.index_cast %add3A_640 : i32 to index
          %get3A_643 = tpu.vector_load %arg10[%get3A_641, %get3A_642] {strides = array<i32>} : memref<832x128xf32, #tpu.memory_space<vmem>>, vector<1x16xf32>,
          %get3A_644 = vector.shape_cast %get3A_643 : vector<1x16xf32> to vector<16xf32>
          %add3A_645 = arith.addf %add3A_597, %get3A_644 : vector<16xf32>
          %add3A_646 = arith.constant 10 : i32
          %add3A_647 = arith.addi %mul3A_125, %add3A_646 : i32
          %add3A_648 = arith.constant 32 : i32
          %add3A_649 = arith.addi %select_n3A_627, %add3A_648 : i32
          %get3A_650 = arith.index_cast %add3A_647 : i32 to index
          %get3A_651 = arith.index_cast %add3A_649 : i32 to index
          %get3A_652 = tpu.vector_load %arg10[%get3A_650, %get3A_651] {strides = array<i32>} : memref<832x128xf32, #tpu.memory_space<vmem>>, vector<1x16xf32>,
          %get3A_653 = vector.shape_cast %get3A_652 : vector<1x16xf32> to vector<16xf32>
          %add3A_654 = arith.addf %add3A_606, %get3A_653 : vector<16xf32>
          %add3A_655 = arith.constant 10 : i32
          %add3A_656 = arith.addi %mul3A_125, %add3A_655 : i32
          %add3A_657 = arith.constant 48 : i32
          %add3A_658 = arith.addi %select_n3A_627, %add3A_657 : i32
          %get3A_659 = arith.index_cast %add3A_656 : i32 to index
          %get3A_660 = arith.index_cast %add3A_658 : i32 to index
          %get3A_661 = tpu.vector_load %arg10[%get3A_659, %get3A_660] {strides = array<i32>} : memref<832x128xf32, #tpu.memory_space<vmem>>, vector<1x16xf32>,
          %get3A_662 = vector.shape_cast %get3A_661 : vector<1x16xf32> to vector<16xf32>
          %add3A_663 = arith.addf %add3A_615, %get3A_662 : vector<16xf32>
          %add3A_664 = arith.constant 11 : i32
          %add3A_665 = arith.addi %mul3A_125, %add3A_664 : i32
          %get3A_666 = arith.index_cast %add3A_665 : i32 to index
          %get3A_667 = tpu.vector_load %arg7[%get3A_666] {strides = array<i32>} : memref<848xi32, #tpu.memory_space<vmem>>, vector<16xi32>,
          %get3A_668 = vector.shape_cast %get3A_667 : vector<16xi32> to vector<16xi32>
          %slice3A_669 = vector.extract_strided_slice %get3A_668 {offsets = [0], sizes = [1], strides = [1]} : vector<16xi32> to vector<1xi32>
          %squeeze3A_670 = vector.extract %slice3A_669[0] : i32 from vector<1xi32>
          %ge3A_671 = arith.constant 51200 : i32
          %ge3A_672 = arith.cmpi sge, %squeeze3A_670, %ge3A_671 : i32
          %jit3A_673 = arith.constant 64 : i32
          %jit3A_674 = arith.constant 0 : i32
          %select_n3A_675 = arith.select %ge3A_672, %jit3A_673, %jit3A_674 : i32
          %add3A_676 = arith.constant 11 : i32
          %add3A_677 = arith.addi %mul3A_125, %add3A_676 : i32
          %add3A_678 = arith.constant 0 : i32
          %add3A_679 = arith.addi %select_n3A_675, %add3A_678 : i32
          %get3A_680 = arith.index_cast %add3A_677 : i32 to index
          %get3A_681 = arith.index_cast %add3A_679 : i32 to index
          %get3A_682 = tpu.vector_load %arg10[%get3A_680, %get3A_681] {strides = array<i32>} : memref<832x128xf32, #tpu.memory_space<vmem>>, vector<1x16xf32>,
          %get3A_683 = vector.shape_cast %get3A_682 : vector<1x16xf32> to vector<16xf32>
          %add3A_684 = arith.addf %add3A_636, %get3A_683 : vector<16xf32>
          %add3A_685 = arith.constant 11 : i32
          %add3A_686 = arith.addi %mul3A_125, %add3A_685 : i32
          %add3A_687 = arith.constant 16 : i32
          %add3A_688 = arith.addi %select_n3A_675, %add3A_687 : i32
          %get3A_689 = arith.index_cast %add3A_686 : i32 to index
          %get3A_690 = arith.index_cast %add3A_688 : i32 to index
          %get3A_691 = tpu.vector_load %arg10[%get3A_689, %get3A_690] {strides = array<i32>} : memref<832x128xf32, #tpu.memory_space<vmem>>, vector<1x16xf32>,
          %get3A_692 = vector.shape_cast %get3A_691 : vector<1x16xf32> to vector<16xf32>
          %add3A_693 = arith.addf %add3A_645, %get3A_692 : vector<16xf32>
          %add3A_694 = arith.constant 11 : i32
          %add3A_695 = arith.addi %mul3A_125, %add3A_694 : i32
          %add3A_696 = arith.constant 32 : i32
          %add3A_697 = arith.addi %select_n3A_675, %add3A_696 : i32
          %get3A_698 = arith.index_cast %add3A_695 : i32 to index
          %get3A_699 = arith.index_cast %add3A_697 : i32 to index
          %get3A_700 = tpu.vector_load %arg10[%get3A_698, %get3A_699] {strides = array<i32>} : memref<832x128xf32, #tpu.memory_space<vmem>>, vector<1x16xf32>,
          %get3A_701 = vector.shape_cast %get3A_700 : vector<1x16xf32> to vector<16xf32>
          %add3A_702 = arith.addf %add3A_654, %get3A_701 : vector<16xf32>
          %add3A_703 = arith.constant 11 : i32
          %add3A_704 = arith.addi %mul3A_125, %add3A_703 : i32
          %add3A_705 = arith.constant 48 : i32
          %add3A_706 = arith.addi %select_n3A_675, %add3A_705 : i32
          %get3A_707 = arith.index_cast %add3A_704 : i32 to index
          %get3A_708 = arith.index_cast %add3A_706 : i32 to index
          %get3A_709 = tpu.vector_load %arg10[%get3A_707, %get3A_708] {strides = array<i32>} : memref<832x128xf32, #tpu.memory_space<vmem>>, vector<1x16xf32>,
          %get3A_710 = vector.shape_cast %get3A_709 : vector<1x16xf32> to vector<16xf32>
          %add3A_711 = arith.addf %add3A_663, %get3A_710 : vector<16xf32>
          %add3A_712 = arith.constant 12 : i32
          %add3A_713 = arith.addi %mul3A_125, %add3A_712 : i32
          %get3A_714 = arith.index_cast %add3A_713 : i32 to index
          %get3A_715 = tpu.vector_load %arg7[%get3A_714] {strides = array<i32>} : memref<848xi32, #tpu.memory_space<vmem>>, vector<16xi32>,
          %get3A_716 = vector.shape_cast %get3A_715 : vector<16xi32> to vector<16xi32>
          %slice3A_717 = vector.extract_strided_slice %get3A_716 {offsets = [0], sizes = [1], strides = [1]} : vector<16xi32> to vector<1xi32>
          %squeeze3A_718 = vector.extract %slice3A_717[0] : i32 from vector<1xi32>
          %ge3A_719 = arith.constant 51200 : i32
          %ge3A_720 = arith.cmpi sge, %squeeze3A_718, %ge3A_719 : i32
          %jit3A_721 = arith.constant 64 : i32
          %jit3A_722 = arith.constant 0 : i32
          %select_n3A_723 = arith.select %ge3A_720, %jit3A_721, %jit3A_722 : i32
          %add3A_724 = arith.constant 12 : i32
          %add3A_725 = arith.addi %mul3A_125, %add3A_724 : i32
          %add3A_726 = arith.constant 0 : i32
          %add3A_727 = arith.addi %select_n3A_723, %add3A_726 : i32
          %get3A_728 = arith.index_cast %add3A_725 : i32 to index
          %get3A_729 = arith.index_cast %add3A_727 : i32 to index
          %get3A_730 = tpu.vector_load %arg10[%get3A_728, %get3A_729] {strides = array<i32>} : memref<832x128xf32, #tpu.memory_space<vmem>>, vector<1x16xf32>,
          %get3A_731 = vector.shape_cast %get3A_730 : vector<1x16xf32> to vector<16xf32>
          %add3A_732 = arith.addf %add3A_684, %get3A_731 : vector<16xf32>
          %add3A_733 = arith.constant 12 : i32
          %add3A_734 = arith.addi %mul3A_125, %add3A_733 : i32
          %add3A_735 = arith.constant 16 : i32
          %add3A_736 = arith.addi %select_n3A_723, %add3A_735 : i32
          %get3A_737 = arith.index_cast %add3A_734 : i32 to index
          %get3A_738 = arith.index_cast %add3A_736 : i32 to index
          %get3A_739 = tpu.vector_load %arg10[%get3A_737, %get3A_738] {strides = array<i32>} : memref<832x128xf32, #tpu.memory_space<vmem>>, vector<1x16xf32>,
          %get3A_740 = vector.shape_cast %get3A_739 : vector<1x16xf32> to vector<16xf32>
          %add3A_741 = arith.addf %add3A_693, %get3A_740 : vector<16xf32>
          %add3A_742 = arith.constant 12 : i32
          %add3A_743 = arith.addi %mul3A_125, %add3A_742 : i32
          %add3A_744 = arith.constant 32 : i32
          %add3A_745 = arith.addi %select_n3A_723, %add3A_744 : i32
          %get3A_746 = arith.index_cast %add3A_743 : i32 to index
          %get3A_747 = arith.index_cast %add3A_745 : i32 to index
          %get3A_748 = tpu.vector_load %arg10[%get3A_746, %get3A_747] {strides = array<i32>} : memref<832x128xf32, #tpu.memory_space<vmem>>, vector<1x16xf32>,
          %get3A_749 = vector.shape_cast %get3A_748 : vector<1x16xf32> to vector<16xf32>
          %add3A_750 = arith.addf %add3A_702, %get3A_749 : vector<16xf32>
          %add3A_751 = arith.constant 12 : i32
          %add3A_752 = arith.addi %mul3A_125, %add3A_751 : i32
          %add3A_753 = arith.constant 48 : i32
          %add3A_754 = arith.addi %select_n3A_723, %add3A_753 : i32
          %get3A_755 = arith.index_cast %add3A_752 : i32 to index
          %get3A_756 = arith.index_cast %add3A_754 : i32 to index
          %get3A_757 = tpu.vector_load %arg10[%get3A_755, %get3A_756] {strides = array<i32>} : memref<832x128xf32, #tpu.memory_space<vmem>>, vector<1x16xf32>,
          %get3A_758 = vector.shape_cast %get3A_757 : vector<1x16xf32> to vector<16xf32>
          %add3A_759 = arith.addf %add3A_711, %get3A_758 : vector<16xf32>
          %add3A_760 = arith.constant 13 : i32
          %add3A_761 = arith.addi %mul3A_125, %add3A_760 : i32
          %get3A_762 = arith.index_cast %add3A_761 : i32 to index
          %get3A_763 = tpu.vector_load %arg7[%get3A_762] {strides = array<i32>} : memref<848xi32, #tpu.memory_space<vmem>>, vector<16xi32>,
          %get3A_764 = vector.shape_cast %get3A_763 : vector<16xi32> to vector<16xi32>
          %slice3A_765 = vector.extract_strided_slice %get3A_764 {offsets = [0], sizes = [1], strides = [1]} : vector<16xi32> to vector<1xi32>
          %squeeze3A_766 = vector.extract %slice3A_765[0] : i32 from vector<1xi32>
          %ge3A_767 = arith.constant 51200 : i32
          %ge3A_768 = arith.cmpi sge, %squeeze3A_766, %ge3A_767 : i32
          %jit3A_769 = arith.constant 64 : i32
          %jit3A_770 = arith.constant 0 : i32
          %select_n3A_771 = arith.select %ge3A_768, %jit3A_769, %jit3A_770 : i32
          %add3A_772 = arith.constant 13 : i32
          %add3A_773 = arith.addi %mul3A_125, %add3A_772 : i32
          %add3A_774 = arith.constant 0 : i32
          %add3A_775 = arith.addi %select_n3A_771, %add3A_774 : i32
          %get3A_776 = arith.index_cast %add3A_773 : i32 to index
          %get3A_777 = arith.index_cast %add3A_775 : i32 to index
          %get3A_778 = tpu.vector_load %arg10[%get3A_776, %get3A_777] {strides = array<i32>} : memref<832x128xf32, #tpu.memory_space<vmem>>, vector<1x16xf32>,
          %get3A_779 = vector.shape_cast %get3A_778 : vector<1x16xf32> to vector<16xf32>
          %add3A_780 = arith.addf %add3A_732, %get3A_779 : vector<16xf32>
          %add3A_781 = arith.constant 13 : i32
          %add3A_782 = arith.addi %mul3A_125, %add3A_781 : i32
          %add3A_783 = arith.constant 16 : i32
          %add3A_784 = arith.addi %select_n3A_771, %add3A_783 : i32
          %get3A_785 = arith.index_cast %add3A_782 : i32 to index
          %get3A_786 = arith.index_cast %add3A_784 : i32 to index
          %get3A_787 = tpu.vector_load %arg10[%get3A_785, %get3A_786] {strides = array<i32>} : memref<832x128xf32, #tpu.memory_space<vmem>>, vector<1x16xf32>,
          %get3A_788 = vector.shape_cast %get3A_787 : vector<1x16xf32> to vector<16xf32>
          %add3A_789 = arith.addf %add3A_741, %get3A_788 : vector<16xf32>
          %add3A_790 = arith.constant 13 : i32
          %add3A_791 = arith.addi %mul3A_125, %add3A_790 : i32
          %add3A_792 = arith.constant 32 : i32
          %add3A_793 = arith.addi %select_n3A_771, %add3A_792 : i32
          %get3A_794 = arith.index_cast %add3A_791 : i32 to index
          %get3A_795 = arith.index_cast %add3A_793 : i32 to index
          %get3A_796 = tpu.vector_load %arg10[%get3A_794, %get3A_795] {strides = array<i32>} : memref<832x128xf32, #tpu.memory_space<vmem>>, vector<1x16xf32>,
          %get3A_797 = vector.shape_cast %get3A_796 : vector<1x16xf32> to vector<16xf32>
          %add3A_798 = arith.addf %add3A_750, %get3A_797 : vector<16xf32>
          %add3A_799 = arith.constant 13 : i32
          %add3A_800 = arith.addi %mul3A_125, %add3A_799 : i32
          %add3A_801 = arith.constant 48 : i32
          %add3A_802 = arith.addi %select_n3A_771, %add3A_801 : i32
          %get3A_803 = arith.index_cast %add3A_800 : i32 to index
          %get3A_804 = arith.index_cast %add3A_802 : i32 to index
          %get3A_805 = tpu.vector_load %arg10[%get3A_803, %get3A_804] {strides = array<i32>} : memref<832x128xf32, #tpu.memory_space<vmem>>, vector<1x16xf32>,
          %get3A_806 = vector.shape_cast %get3A_805 : vector<1x16xf32> to vector<16xf32>
          %add3A_807 = arith.addf %add3A_759, %get3A_806 : vector<16xf32>
          %add3A_808 = arith.constant 14 : i32
          %add3A_809 = arith.addi %mul3A_125, %add3A_808 : i32
          %get3A_810 = arith.index_cast %add3A_809 : i32 to index
          %get3A_811 = tpu.vector_load %arg7[%get3A_810] {strides = array<i32>} : memref<848xi32, #tpu.memory_space<vmem>>, vector<16xi32>,
          %get3A_812 = vector.shape_cast %get3A_811 : vector<16xi32> to vector<16xi32>
          %slice3A_813 = vector.extract_strided_slice %get3A_812 {offsets = [0], sizes = [1], strides = [1]} : vector<16xi32> to vector<1xi32>
          %squeeze3A_814 = vector.extract %slice3A_813[0] : i32 from vector<1xi32>
          %ge3A_815 = arith.constant 51200 : i32
          %ge3A_816 = arith.cmpi sge, %squeeze3A_814, %ge3A_815 : i32
          %jit3A_817 = arith.constant 64 : i32
          %jit3A_818 = arith.constant 0 : i32
          %select_n3A_819 = arith.select %ge3A_816, %jit3A_817, %jit3A_818 : i32
          %add3A_820 = arith.constant 14 : i32
          %add3A_821 = arith.addi %mul3A_125, %add3A_820 : i32
          %add3A_822 = arith.constant 0 : i32
          %add3A_823 = arith.addi %select_n3A_819, %add3A_822 : i32
          %get3A_824 = arith.index_cast %add3A_821 : i32 to index
          %get3A_825 = arith.index_cast %add3A_823 : i32 to index
          %get3A_826 = tpu.vector_load %arg10[%get3A_824, %get3A_825] {strides = array<i32>} : memref<832x128xf32, #tpu.memory_space<vmem>>, vector<1x16xf32>,
          %get3A_827 = vector.shape_cast %get3A_826 : vector<1x16xf32> to vector<16xf32>
          %add3A_828 = arith.addf %add3A_780, %get3A_827 : vector<16xf32>
          %add3A_829 = arith.constant 14 : i32
          %add3A_830 = arith.addi %mul3A_125, %add3A_829 : i32
          %add3A_831 = arith.constant 16 : i32
          %add3A_832 = arith.addi %select_n3A_819, %add3A_831 : i32
          %get3A_833 = arith.index_cast %add3A_830 : i32 to index
          %get3A_834 = arith.index_cast %add3A_832 : i32 to index
          %get3A_835 = tpu.vector_load %arg10[%get3A_833, %get3A_834] {strides = array<i32>} : memref<832x128xf32, #tpu.memory_space<vmem>>, vector<1x16xf32>,
          %get3A_836 = vector.shape_cast %get3A_835 : vector<1x16xf32> to vector<16xf32>
          %add3A_837 = arith.addf %add3A_789, %get3A_836 : vector<16xf32>
          %add3A_838 = arith.constant 14 : i32
          %add3A_839 = arith.addi %mul3A_125, %add3A_838 : i32
          %add3A_840 = arith.constant 32 : i32
          %add3A_841 = arith.addi %select_n3A_819, %add3A_840 : i32
          %get3A_842 = arith.index_cast %add3A_839 : i32 to index
          %get3A_843 = arith.index_cast %add3A_841 : i32 to index
          %get3A_844 = tpu.vector_load %arg10[%get3A_842, %get3A_843] {strides = array<i32>} : memref<832x128xf32, #tpu.memory_space<vmem>>, vector<1x16xf32>,
          %get3A_845 = vector.shape_cast %get3A_844 : vector<1x16xf32> to vector<16xf32>
          %add3A_846 = arith.addf %add3A_798, %get3A_845 : vector<16xf32>
          %add3A_847 = arith.constant 14 : i32
          %add3A_848 = arith.addi %mul3A_125, %add3A_847 : i32
          %add3A_849 = arith.constant 48 : i32
          %add3A_850 = arith.addi %select_n3A_819, %add3A_849 : i32
          %get3A_851 = arith.index_cast %add3A_848 : i32 to index
          %get3A_852 = arith.index_cast %add3A_850 : i32 to index
          %get3A_853 = tpu.vector_load %arg10[%get3A_851, %get3A_852] {strides = array<i32>} : memref<832x128xf32, #tpu.memory_space<vmem>>, vector<1x16xf32>,
          %get3A_854 = vector.shape_cast %get3A_853 : vector<1x16xf32> to vector<16xf32>
          %add3A_855 = arith.addf %add3A_807, %get3A_854 : vector<16xf32>
          %add3A_856 = arith.constant 15 : i32
          %add3A_857 = arith.addi %mul3A_125, %add3A_856 : i32
          %get3A_858 = arith.index_cast %add3A_857 : i32 to index
          %get3A_859 = tpu.vector_load %arg7[%get3A_858] {strides = array<i32>} : memref<848xi32, #tpu.memory_space<vmem>>, vector<16xi32>,
          %get3A_860 = vector.shape_cast %get3A_859 : vector<16xi32> to vector<16xi32>
          %slice3A_861 = vector.extract_strided_slice %get3A_860 {offsets = [0], sizes = [1], strides = [1]} : vector<16xi32> to vector<1xi32>
          %squeeze3A_862 = vector.extract %slice3A_861[0] : i32 from vector<1xi32>
          %ge3A_863 = arith.constant 51200 : i32
          %ge3A_864 = arith.cmpi sge, %squeeze3A_862, %ge3A_863 : i32
          %jit3A_865 = arith.constant 64 : i32
          %jit3A_866 = arith.constant 0 : i32
          %select_n3A_867 = arith.select %ge3A_864, %jit3A_865, %jit3A_866 : i32
          %add3A_868 = arith.constant 15 : i32
          %add3A_869 = arith.addi %mul3A_125, %add3A_868 : i32
          %add3A_870 = arith.constant 0 : i32
          %add3A_871 = arith.addi %select_n3A_867, %add3A_870 : i32
          %get3A_872 = arith.index_cast %add3A_869 : i32 to index
          %get3A_873 = arith.index_cast %add3A_871 : i32 to index
          %get3A_874 = tpu.vector_load %arg10[%get3A_872, %get3A_873] {strides = array<i32>} : memref<832x128xf32, #tpu.memory_space<vmem>>, vector<1x16xf32>,
          %get3A_875 = vector.shape_cast %get3A_874 : vector<1x16xf32> to vector<16xf32>
          %add3A_876 = arith.addf %add3A_828, %get3A_875 : vector<16xf32>
          %add3A_877 = arith.constant 15 : i32
          %add3A_878 = arith.addi %mul3A_125, %add3A_877 : i32
          %add3A_879 = arith.constant 16 : i32
          %add3A_880 = arith.addi %select_n3A_867, %add3A_879 : i32
          %get3A_881 = arith.index_cast %add3A_878 : i32 to index
          %get3A_882 = arith.index_cast %add3A_880 : i32 to index
          %get3A_883 = tpu.vector_load %arg10[%get3A_881, %get3A_882] {strides = array<i32>} : memref<832x128xf32, #tpu.memory_space<vmem>>, vector<1x16xf32>,
          %get3A_884 = vector.shape_cast %get3A_883 : vector<1x16xf32> to vector<16xf32>
          %add3A_885 = arith.addf %add3A_837, %get3A_884 : vector<16xf32>
          %add3A_886 = arith.constant 15 : i32
          %add3A_887 = arith.addi %mul3A_125, %add3A_886 : i32
          %add3A_888 = arith.constant 32 : i32
          %add3A_889 = arith.addi %select_n3A_867, %add3A_888 : i32
          %get3A_890 = arith.index_cast %add3A_887 : i32 to index
          %get3A_891 = arith.index_cast %add3A_889 : i32 to index
          %get3A_892 = tpu.vector_load %arg10[%get3A_890, %get3A_891] {strides = array<i32>} : memref<832x128xf32, #tpu.memory_space<vmem>>, vector<1x16xf32>,
          %get3A_893 = vector.shape_cast %get3A_892 : vector<1x16xf32> to vector<16xf32>
          %add3A_894 = arith.addf %add3A_846, %get3A_893 : vector<16xf32>
          %add3A_895 = arith.constant 15 : i32
          %add3A_896 = arith.addi %mul3A_125, %add3A_895 : i32
          %add3A_897 = arith.constant 48 : i32
          %add3A_898 = arith.addi %select_n3A_867, %add3A_897 : i32
          %get3A_899 = arith.index_cast %add3A_896 : i32 to index
          %get3A_900 = arith.index_cast %add3A_898 : i32 to index
          %get3A_901 = tpu.vector_load %arg10[%get3A_899, %get3A_900] {strides = array<i32>} : memref<832x128xf32, #tpu.memory_space<vmem>>, vector<1x16xf32>,
          %get3A_902 = vector.shape_cast %get3A_901 : vector<1x16xf32> to vector<16xf32>
          %add3A_903 = arith.addf %add3A_855, %get3A_902 : vector<16xf32>
          %add3A_904 = arith.constant 16 : i32
          %add3A_905 = arith.addi %mul3A_125, %add3A_904 : i32
          %get3A_906 = arith.index_cast %add3A_905 : i32 to index
          %get3A_907 = tpu.vector_load %arg7[%get3A_906] {strides = array<i32>} : memref<848xi32, #tpu.memory_space<vmem>>, vector<16xi32>,
          %get3A_908 = vector.shape_cast %get3A_907 : vector<16xi32> to vector<16xi32>
          %slice3A_909 = vector.extract_strided_slice %get3A_908 {offsets = [0], sizes = [1], strides = [1]} : vector<16xi32> to vector<1xi32>
          %squeeze3A_910 = vector.extract %slice3A_909[0] : i32 from vector<1xi32>
          %ge3A_911 = arith.constant 51200 : i32
          %ge3A_912 = arith.cmpi sge, %squeeze3A_910, %ge3A_911 : i32
          %jit3A_913 = arith.constant 64 : i32
          %jit3A_914 = arith.constant 0 : i32
          %select_n3A_915 = arith.select %ge3A_912, %jit3A_913, %jit3A_914 : i32
          %add3A_916 = arith.constant 16 : i32
          %add3A_917 = arith.addi %mul3A_125, %add3A_916 : i32
          %add3A_918 = arith.constant 0 : i32
          %add3A_919 = arith.addi %select_n3A_915, %add3A_918 : i32
          %get3A_920 = arith.index_cast %add3A_917 : i32 to index
          %get3A_921 = arith.index_cast %add3A_919 : i32 to index
          %get3A_922 = tpu.vector_load %arg10[%get3A_920, %get3A_921] {strides = array<i32>} : memref<832x128xf32, #tpu.memory_space<vmem>>, vector<1x16xf32>,
          %get3A_923 = vector.shape_cast %get3A_922 : vector<1x16xf32> to vector<16xf32>
          %add3A_924 = arith.addf %add3A_876, %get3A_923 : vector<16xf32>
          %add3A_925 = arith.constant 16 : i32
          %add3A_926 = arith.addi %mul3A_125, %add3A_925 : i32
          %add3A_927 = arith.constant 16 : i32
          %add3A_928 = arith.addi %select_n3A_915, %add3A_927 : i32
          %get3A_929 = arith.index_cast %add3A_926 : i32 to index
          %get3A_930 = arith.index_cast %add3A_928 : i32 to index
          %get3A_931 = tpu.vector_load %arg10[%get3A_929, %get3A_930] {strides = array<i32>} : memref<832x128xf32, #tpu.memory_space<vmem>>, vector<1x16xf32>,
          %get3A_932 = vector.shape_cast %get3A_931 : vector<1x16xf32> to vector<16xf32>
          %add3A_933 = arith.addf %add3A_885, %get3A_932 : vector<16xf32>
          %add3A_934 = arith.constant 16 : i32
          %add3A_935 = arith.addi %mul3A_125, %add3A_934 : i32
          %add3A_936 = arith.constant 32 : i32
          %add3A_937 = arith.addi %select_n3A_915, %add3A_936 : i32
          %get3A_938 = arith.index_cast %add3A_935 : i32 to index
          %get3A_939 = arith.index_cast %add3A_937 : i32 to index
          %get3A_940 = tpu.vector_load %arg10[%get3A_938, %get3A_939] {strides = array<i32>} : memref<832x128xf32, #tpu.memory_space<vmem>>, vector<1x16xf32>,
          %get3A_941 = vector.shape_cast %get3A_940 : vector<1x16xf32> to vector<16xf32>
          %add3A_942 = arith.addf %add3A_894, %get3A_941 : vector<16xf32>
          %add3A_943 = arith.constant 16 : i32
          %add3A_944 = arith.addi %mul3A_125, %add3A_943 : i32
          %add3A_945 = arith.constant 48 : i32
          %add3A_946 = arith.addi %select_n3A_915, %add3A_945 : i32
          %get3A_947 = arith.index_cast %add3A_944 : i32 to index
          %get3A_948 = arith.index_cast %add3A_946 : i32 to index
          %get3A_949 = tpu.vector_load %arg10[%get3A_947, %get3A_948] {strides = array<i32>} : memref<832x128xf32, #tpu.memory_space<vmem>>, vector<1x16xf32>,
          %get3A_950 = vector.shape_cast %get3A_949 : vector<1x16xf32> to vector<16xf32>
          %add3A_951 = arith.addf %add3A_903, %get3A_950 : vector<16xf32>
          %add3A_952 = arith.constant 17 : i32
          %add3A_953 = arith.addi %mul3A_125, %add3A_952 : i32
          %get3A_954 = arith.index_cast %add3A_953 : i32 to index
          %get3A_955 = tpu.vector_load %arg7[%get3A_954] {strides = array<i32>} : memref<848xi32, #tpu.memory_space<vmem>>, vector<16xi32>,
          %get3A_956 = vector.shape_cast %get3A_955 : vector<16xi32> to vector<16xi32>
          %slice3A_957 = vector.extract_strided_slice %get3A_956 {offsets = [0], sizes = [1], strides = [1]} : vector<16xi32> to vector<1xi32>
          %squeeze3A_958 = vector.extract %slice3A_957[0] : i32 from vector<1xi32>
          %ge3A_959 = arith.constant 51200 : i32
          %ge3A_960 = arith.cmpi sge, %squeeze3A_958, %ge3A_959 : i32
          %jit3A_961 = arith.constant 64 : i32
          %jit3A_962 = arith.constant 0 : i32
          %select_n3A_963 = arith.select %ge3A_960, %jit3A_961, %jit3A_962 : i32
          %add3A_964 = arith.constant 17 : i32
          %add3A_965 = arith.addi %mul3A_125, %add3A_964 : i32
          %add3A_966 = arith.constant 0 : i32
          %add3A_967 = arith.addi %select_n3A_963, %add3A_966 : i32
          %get3A_968 = arith.index_cast %add3A_965 : i32 to index
          %get3A_969 = arith.index_cast %add3A_967 : i32 to index
          %get3A_970 = tpu.vector_load %arg10[%get3A_968, %get3A_969] {strides = array<i32>} : memref<832x128xf32, #tpu.memory_space<vmem>>, vector<1x16xf32>,
          %get3A_971 = vector.shape_cast %get3A_970 : vector<1x16xf32> to vector<16xf32>
          %add3A_972 = arith.addf %add3A_924, %get3A_971 : vector<16xf32>
          %add3A_973 = arith.constant 17 : i32
          %add3A_974 = arith.addi %mul3A_125, %add3A_973 : i32
          %add3A_975 = arith.constant 16 : i32
          %add3A_976 = arith.addi %select_n3A_963, %add3A_975 : i32
          %get3A_977 = arith.index_cast %add3A_974 : i32 to index
          %get3A_978 = arith.index_cast %add3A_976 : i32 to index
          %get3A_979 = tpu.vector_load %arg10[%get3A_977, %get3A_978] {strides = array<i32>} : memref<832x128xf32, #tpu.memory_space<vmem>>, vector<1x16xf32>,
          %get3A_980 = vector.shape_cast %get3A_979 : vector<1x16xf32> to vector<16xf32>
          %add3A_981 = arith.addf %add3A_933, %get3A_980 : vector<16xf32>
          %add3A_982 = arith.constant 17 : i32
          %add3A_983 = arith.addi %mul3A_125, %add3A_982 : i32
          %add3A_984 = arith.constant 32 : i32
          %add3A_985 = arith.addi %select_n3A_963, %add3A_984 : i32
          %get3A_986 = arith.index_cast %add3A_983 : i32 to index
          %get3A_987 = arith.index_cast %add3A_985 : i32 to index
          %get3A_988 = tpu.vector_load %arg10[%get3A_986, %get3A_987] {strides = array<i32>} : memref<832x128xf32, #tpu.memory_space<vmem>>, vector<1x16xf32>,
          %get3A_989 = vector.shape_cast %get3A_988 : vector<1x16xf32> to vector<16xf32>
          %add3A_990 = arith.addf %add3A_942, %get3A_989 : vector<16xf32>
          %add3A_991 = arith.constant 17 : i32
          %add3A_992 = arith.addi %mul3A_125, %add3A_991 : i32
          %add3A_993 = arith.constant 48 : i32
          %add3A_994 = arith.addi %select_n3A_963, %add3A_993 : i32
          %get3A_995 = arith.index_cast %add3A_992 : i32 to index
          %get3A_996 = arith.index_cast %add3A_994 : i32 to index
          %get3A_997 = tpu.vector_load %arg10[%get3A_995, %get3A_996] {strides = array<i32>} : memref<832x128xf32, #tpu.memory_space<vmem>>, vector<1x16xf32>,
          %get3A_998 = vector.shape_cast %get3A_997 : vector<1x16xf32> to vector<16xf32>
          %add3A_999 = arith.addf %add3A_951, %get3A_998 : vector<16xf32>
          %add3A_1000 = arith.constant 18 : i32
          %add3A_1001 = arith.addi %mul3A_125, %add3A_1000 : i32
          %get3A_1002 = arith.index_cast %add3A_1001 : i32 to index
          %get3A_1003 = tpu.vector_load %arg7[%get3A_1002] {strides = array<i32>} : memref<848xi32, #tpu.memory_space<vmem>>, vector<16xi32>,
          %get3A_1004 = vector.shape_cast %get3A_1003 : vector<16xi32> to vector<16xi32>
          %slice3A_1005 = vector.extract_strided_slice %get3A_1004 {offsets = [0], sizes = [1], strides = [1]} : vector<16xi32> to vector<1xi32>
          %squeeze3A_1006 = vector.extract %slice3A_1005[0] : i32 from vector<1xi32>
          %ge3A_1007 = arith.constant 51200 : i32
          %ge3A_1008 = arith.cmpi sge, %squeeze3A_1006, %ge3A_1007 : i32
          %jit3A_1009 = arith.constant 64 : i32
          %jit3A_1010 = arith.constant 0 : i32
          %select_n3A_1011 = arith.select %ge3A_1008, %jit3A_1009, %jit3A_1010 : i32
          %add3A_1012 = arith.constant 18 : i32
          %add3A_1013 = arith.addi %mul3A_125, %add3A_1012 : i32
          %add3A_1014 = arith.constant 0 : i32
          %add3A_1015 = arith.addi %select_n3A_1011, %add3A_1014 : i32
          %get3A_1016 = arith.index_cast %add3A_1013 : i32 to index
          %get3A_1017 = arith.index_cast %add3A_1015 : i32 to index
          %get3A_1018 = tpu.vector_load %arg10[%get3A_1016, %get3A_1017] {strides = array<i32>} : memref<832x128xf32, #tpu.memory_space<vmem>>, vector<1x16xf32>,
          %get3A_1019 = vector.shape_cast %get3A_1018 : vector<1x16xf32> to vector<16xf32>
          %add3A_1020 = arith.addf %add3A_972, %get3A_1019 : vector<16xf32>
          %add3A_1021 = arith.constant 18 : i32
          %add3A_1022 = arith.addi %mul3A_125, %add3A_1021 : i32
          %add3A_1023 = arith.constant 16 : i32
          %add3A_1024 = arith.addi %select_n3A_1011, %add3A_1023 : i32
          %get3A_1025 = arith.index_cast %add3A_1022 : i32 to index
          %get3A_1026 = arith.index_cast %add3A_1024 : i32 to index
          %get3A_1027 = tpu.vector_load %arg10[%get3A_1025, %get3A_1026] {strides = array<i32>} : memref<832x128xf32, #tpu.memory_space<vmem>>, vector<1x16xf32>,
          %get3A_1028 = vector.shape_cast %get3A_1027 : vector<1x16xf32> to vector<16xf32>
          %add3A_1029 = arith.addf %add3A_981, %get3A_1028 : vector<16xf32>
          %add3A_1030 = arith.constant 18 : i32
          %add3A_1031 = arith.addi %mul3A_125, %add3A_1030 : i32
          %add3A_1032 = arith.constant 32 : i32
          %add3A_1033 = arith.addi %select_n3A_1011, %add3A_1032 : i32
          %get3A_1034 = arith.index_cast %add3A_1031 : i32 to index
          %get3A_1035 = arith.index_cast %add3A_1033 : i32 to index
          %get3A_1036 = tpu.vector_load %arg10[%get3A_1034, %get3A_1035] {strides = array<i32>} : memref<832x128xf32, #tpu.memory_space<vmem>>, vector<1x16xf32>,
          %get3A_1037 = vector.shape_cast %get3A_1036 : vector<1x16xf32> to vector<16xf32>
          %add3A_1038 = arith.addf %add3A_990, %get3A_1037 : vector<16xf32>
          %add3A_1039 = arith.constant 18 : i32
          %add3A_1040 = arith.addi %mul3A_125, %add3A_1039 : i32
          %add3A_1041 = arith.constant 48 : i32
          %add3A_1042 = arith.addi %select_n3A_1011, %add3A_1041 : i32
          %get3A_1043 = arith.index_cast %add3A_1040 : i32 to index
          %get3A_1044 = arith.index_cast %add3A_1042 : i32 to index
          %get3A_1045 = tpu.vector_load %arg10[%get3A_1043, %get3A_1044] {strides = array<i32>} : memref<832x128xf32, #tpu.memory_space<vmem>>, vector<1x16xf32>,
          %get3A_1046 = vector.shape_cast %get3A_1045 : vector<1x16xf32> to vector<16xf32>
          %add3A_1047 = arith.addf %add3A_999, %get3A_1046 : vector<16xf32>
          %add3A_1048 = arith.constant 19 : i32
          %add3A_1049 = arith.addi %mul3A_125, %add3A_1048 : i32
          %get3A_1050 = arith.index_cast %add3A_1049 : i32 to index
          %get3A_1051 = tpu.vector_load %arg7[%get3A_1050] {strides = array<i32>} : memref<848xi32, #tpu.memory_space<vmem>>, vector<16xi32>,
          %get3A_1052 = vector.shape_cast %get3A_1051 : vector<16xi32> to vector<16xi32>
          %slice3A_1053 = vector.extract_strided_slice %get3A_1052 {offsets = [0], sizes = [1], strides = [1]} : vector<16xi32> to vector<1xi32>
          %squeeze3A_1054 = vector.extract %slice3A_1053[0] : i32 from vector<1xi32>
          %ge3A_1055 = arith.constant 51200 : i32
          %ge3A_1056 = arith.cmpi sge, %squeeze3A_1054, %ge3A_1055 : i32
          %jit3A_1057 = arith.constant 64 : i32
          %jit3A_1058 = arith.constant 0 : i32
          %select_n3A_1059 = arith.select %ge3A_1056, %jit3A_1057, %jit3A_1058 : i32
          %add3A_1060 = arith.constant 19 : i32
          %add3A_1061 = arith.addi %mul3A_125, %add3A_1060 : i32
          %add3A_1062 = arith.constant 0 : i32
          %add3A_1063 = arith.addi %select_n3A_1059, %add3A_1062 : i32
          %get3A_1064 = arith.index_cast %add3A_1061 : i32 to index
          %get3A_1065 = arith.index_cast %add3A_1063 : i32 to index
          %get3A_1066 = tpu.vector_load %arg10[%get3A_1064, %get3A_1065] {strides = array<i32>} : memref<832x128xf32, #tpu.memory_space<vmem>>, vector<1x16xf32>,
          %get3A_1067 = vector.shape_cast %get3A_1066 : vector<1x16xf32> to vector<16xf32>
          %add3A_1068 = arith.addf %add3A_1020, %get3A_1067 : vector<16xf32>
          %add3A_1069 = arith.constant 19 : i32
          %add3A_1070 = arith.addi %mul3A_125, %add3A_1069 : i32
          %add3A_1071 = arith.constant 16 : i32
          %add3A_1072 = arith.addi %select_n3A_1059, %add3A_1071 : i32
          %get3A_1073 = arith.index_cast %add3A_1070 : i32 to index
          %get3A_1074 = arith.index_cast %add3A_1072 : i32 to index
          %get3A_1075 = tpu.vector_load %arg10[%get3A_1073, %get3A_1074] {strides = array<i32>} : memref<832x128xf32, #tpu.memory_space<vmem>>, vector<1x16xf32>,
          %get3A_1076 = vector.shape_cast %get3A_1075 : vector<1x16xf32> to vector<16xf32>
          %add3A_1077 = arith.addf %add3A_1029, %get3A_1076 : vector<16xf32>
          %add3A_1078 = arith.constant 19 : i32
          %add3A_1079 = arith.addi %mul3A_125, %add3A_1078 : i32
          %add3A_1080 = arith.constant 32 : i32
          %add3A_1081 = arith.addi %select_n3A_1059, %add3A_1080 : i32
          %get3A_1082 = arith.index_cast %add3A_1079 : i32 to index
          %get3A_1083 = arith.index_cast %add3A_1081 : i32 to index
          %get3A_1084 = tpu.vector_load %arg10[%get3A_1082, %get3A_1083] {strides = array<i32>} : memref<832x128xf32, #tpu.memory_space<vmem>>, vector<1x16xf32>,
          %get3A_1085 = vector.shape_cast %get3A_1084 : vector<1x16xf32> to vector<16xf32>
          %add3A_1086 = arith.addf %add3A_1038, %get3A_1085 : vector<16xf32>
          %add3A_1087 = arith.constant 19 : i32
          %add3A_1088 = arith.addi %mul3A_125, %add3A_1087 : i32
          %add3A_1089 = arith.constant 48 : i32
          %add3A_1090 = arith.addi %select_n3A_1059, %add3A_1089 : i32
          %get3A_1091 = arith.index_cast %add3A_1088 : i32 to index
          %get3A_1092 = arith.index_cast %add3A_1090 : i32 to index
          %get3A_1093 = tpu.vector_load %arg10[%get3A_1091, %get3A_1092] {strides = array<i32>} : memref<832x128xf32, #tpu.memory_space<vmem>>, vector<1x16xf32>,
          %get3A_1094 = vector.shape_cast %get3A_1093 : vector<1x16xf32> to vector<16xf32>
          %add3A_1095 = arith.addf %add3A_1047, %get3A_1094 : vector<16xf32>
          %add3A_1096 = arith.constant 20 : i32
          %add3A_1097 = arith.addi %mul3A_125, %add3A_1096 : i32
          %get3A_1098 = arith.index_cast %add3A_1097 : i32 to index
          %get3A_1099 = tpu.vector_load %arg7[%get3A_1098] {strides = array<i32>} : memref<848xi32, #tpu.memory_space<vmem>>, vector<16xi32>,
          %get3A_1100 = vector.shape_cast %get3A_1099 : vector<16xi32> to vector<16xi32>
          %slice3A_1101 = vector.extract_strided_slice %get3A_1100 {offsets = [0], sizes = [1], strides = [1]} : vector<16xi32> to vector<1xi32>
          %squeeze3A_1102 = vector.extract %slice3A_1101[0] : i32 from vector<1xi32>
          %ge3A_1103 = arith.constant 51200 : i32
          %ge3A_1104 = arith.cmpi sge, %squeeze3A_1102, %ge3A_1103 : i32
          %jit3A_1105 = arith.constant 64 : i32
          %jit3A_1106 = arith.constant 0 : i32
          %select_n3A_1107 = arith.select %ge3A_1104, %jit3A_1105, %jit3A_1106 : i32
          %add3A_1108 = arith.constant 20 : i32
          %add3A_1109 = arith.addi %mul3A_125, %add3A_1108 : i32
          %add3A_1110 = arith.constant 0 : i32
          %add3A_1111 = arith.addi %select_n3A_1107, %add3A_1110 : i32
          %get3A_1112 = arith.index_cast %add3A_1109 : i32 to index
          %get3A_1113 = arith.index_cast %add3A_1111 : i32 to index
          %get3A_1114 = tpu.vector_load %arg10[%get3A_1112, %get3A_1113] {strides = array<i32>} : memref<832x128xf32, #tpu.memory_space<vmem>>, vector<1x16xf32>,
          %get3A_1115 = vector.shape_cast %get3A_1114 : vector<1x16xf32> to vector<16xf32>
          %add3A_1116 = arith.addf %add3A_1068, %get3A_1115 : vector<16xf32>
          %add3A_1117 = arith.constant 20 : i32
          %add3A_1118 = arith.addi %mul3A_125, %add3A_1117 : i32
          %add3A_1119 = arith.constant 16 : i32
          %add3A_1120 = arith.addi %select_n3A_1107, %add3A_1119 : i32
          %get3A_1121 = arith.index_cast %add3A_1118 : i32 to index
          %get3A_1122 = arith.index_cast %add3A_1120 : i32 to index
          %get3A_1123 = tpu.vector_load %arg10[%get3A_1121, %get3A_1122] {strides = array<i32>} : memref<832x128xf32, #tpu.memory_space<vmem>>, vector<1x16xf32>,
          %get3A_1124 = vector.shape_cast %get3A_1123 : vector<1x16xf32> to vector<16xf32>
          %add3A_1125 = arith.addf %add3A_1077, %get3A_1124 : vector<16xf32>
          %add3A_1126 = arith.constant 20 : i32
          %add3A_1127 = arith.addi %mul3A_125, %add3A_1126 : i32
          %add3A_1128 = arith.constant 32 : i32
          %add3A_1129 = arith.addi %select_n3A_1107, %add3A_1128 : i32
          %get3A_1130 = arith.index_cast %add3A_1127 : i32 to index
          %get3A_1131 = arith.index_cast %add3A_1129 : i32 to index
          %get3A_1132 = tpu.vector_load %arg10[%get3A_1130, %get3A_1131] {strides = array<i32>} : memref<832x128xf32, #tpu.memory_space<vmem>>, vector<1x16xf32>,
          %get3A_1133 = vector.shape_cast %get3A_1132 : vector<1x16xf32> to vector<16xf32>
          %add3A_1134 = arith.addf %add3A_1086, %get3A_1133 : vector<16xf32>
          %add3A_1135 = arith.constant 20 : i32
          %add3A_1136 = arith.addi %mul3A_125, %add3A_1135 : i32
          %add3A_1137 = arith.constant 48 : i32
          %add3A_1138 = arith.addi %select_n3A_1107, %add3A_1137 : i32
          %get3A_1139 = arith.index_cast %add3A_1136 : i32 to index
          %get3A_1140 = arith.index_cast %add3A_1138 : i32 to index
          %get3A_1141 = tpu.vector_load %arg10[%get3A_1139, %get3A_1140] {strides = array<i32>} : memref<832x128xf32, #tpu.memory_space<vmem>>, vector<1x16xf32>,
          %get3A_1142 = vector.shape_cast %get3A_1141 : vector<1x16xf32> to vector<16xf32>
          %add3A_1143 = arith.addf %add3A_1095, %get3A_1142 : vector<16xf32>
          %add3A_1144 = arith.constant 21 : i32
          %add3A_1145 = arith.addi %mul3A_125, %add3A_1144 : i32
          %get3A_1146 = arith.index_cast %add3A_1145 : i32 to index
          %get3A_1147 = tpu.vector_load %arg7[%get3A_1146] {strides = array<i32>} : memref<848xi32, #tpu.memory_space<vmem>>, vector<16xi32>,
          %get3A_1148 = vector.shape_cast %get3A_1147 : vector<16xi32> to vector<16xi32>
          %slice3A_1149 = vector.extract_strided_slice %get3A_1148 {offsets = [0], sizes = [1], strides = [1]} : vector<16xi32> to vector<1xi32>
          %squeeze3A_1150 = vector.extract %slice3A_1149[0] : i32 from vector<1xi32>
          %ge3A_1151 = arith.constant 51200 : i32
          %ge3A_1152 = arith.cmpi sge, %squeeze3A_1150, %ge3A_1151 : i32
          %jit3A_1153 = arith.constant 64 : i32
          %jit3A_1154 = arith.constant 0 : i32
          %select_n3A_1155 = arith.select %ge3A_1152, %jit3A_1153, %jit3A_1154 : i32
          %add3A_1156 = arith.constant 21 : i32
          %add3A_1157 = arith.addi %mul3A_125, %add3A_1156 : i32
          %add3A_1158 = arith.constant 0 : i32
          %add3A_1159 = arith.addi %select_n3A_1155, %add3A_1158 : i32
          %get3A_1160 = arith.index_cast %add3A_1157 : i32 to index
          %get3A_1161 = arith.index_cast %add3A_1159 : i32 to index
          %get3A_1162 = tpu.vector_load %arg10[%get3A_1160, %get3A_1161] {strides = array<i32>} : memref<832x128xf32, #tpu.memory_space<vmem>>, vector<1x16xf32>,
          %get3A_1163 = vector.shape_cast %get3A_1162 : vector<1x16xf32> to vector<16xf32>
          %add3A_1164 = arith.addf %add3A_1116, %get3A_1163 : vector<16xf32>
          %add3A_1165 = arith.constant 21 : i32
          %add3A_1166 = arith.addi %mul3A_125, %add3A_1165 : i32
          %add3A_1167 = arith.constant 16 : i32
          %add3A_1168 = arith.addi %select_n3A_1155, %add3A_1167 : i32
          %get3A_1169 = arith.index_cast %add3A_1166 : i32 to index
          %get3A_1170 = arith.index_cast %add3A_1168 : i32 to index
          %get3A_1171 = tpu.vector_load %arg10[%get3A_1169, %get3A_1170] {strides = array<i32>} : memref<832x128xf32, #tpu.memory_space<vmem>>, vector<1x16xf32>,
          %get3A_1172 = vector.shape_cast %get3A_1171 : vector<1x16xf32> to vector<16xf32>
          %add3A_1173 = arith.addf %add3A_1125, %get3A_1172 : vector<16xf32>
          %add3A_1174 = arith.constant 21 : i32
          %add3A_1175 = arith.addi %mul3A_125, %add3A_1174 : i32
          %add3A_1176 = arith.constant 32 : i32
          %add3A_1177 = arith.addi %select_n3A_1155, %add3A_1176 : i32
          %get3A_1178 = arith.index_cast %add3A_1175 : i32 to index
          %get3A_1179 = arith.index_cast %add3A_1177 : i32 to index
          %get3A_1180 = tpu.vector_load %arg10[%get3A_1178, %get3A_1179] {strides = array<i32>} : memref<832x128xf32, #tpu.memory_space<vmem>>, vector<1x16xf32>,
          %get3A_1181 = vector.shape_cast %get3A_1180 : vector<1x16xf32> to vector<16xf32>
          %add3A_1182 = arith.addf %add3A_1134, %get3A_1181 : vector<16xf32>
          %add3A_1183 = arith.constant 21 : i32
          %add3A_1184 = arith.addi %mul3A_125, %add3A_1183 : i32
          %add3A_1185 = arith.constant 48 : i32
          %add3A_1186 = arith.addi %select_n3A_1155, %add3A_1185 : i32
          %get3A_1187 = arith.index_cast %add3A_1184 : i32 to index
          %get3A_1188 = arith.index_cast %add3A_1186 : i32 to index
          %get3A_1189 = tpu.vector_load %arg10[%get3A_1187, %get3A_1188] {strides = array<i32>} : memref<832x128xf32, #tpu.memory_space<vmem>>, vector<1x16xf32>,
          %get3A_1190 = vector.shape_cast %get3A_1189 : vector<1x16xf32> to vector<16xf32>
          %add3A_1191 = arith.addf %add3A_1143, %get3A_1190 : vector<16xf32>
          %add3A_1192 = arith.constant 22 : i32
          %add3A_1193 = arith.addi %mul3A_125, %add3A_1192 : i32
          %get3A_1194 = arith.index_cast %add3A_1193 : i32 to index
          %get3A_1195 = tpu.vector_load %arg7[%get3A_1194] {strides = array<i32>} : memref<848xi32, #tpu.memory_space<vmem>>, vector<16xi32>,
          %get3A_1196 = vector.shape_cast %get3A_1195 : vector<16xi32> to vector<16xi32>
          %slice3A_1197 = vector.extract_strided_slice %get3A_1196 {offsets = [0], sizes = [1], strides = [1]} : vector<16xi32> to vector<1xi32>
          %squeeze3A_1198 = vector.extract %slice3A_1197[0] : i32 from vector<1xi32>
          %ge3A_1199 = arith.constant 51200 : i32
          %ge3A_1200 = arith.cmpi sge, %squeeze3A_1198, %ge3A_1199 : i32
          %jit3A_1201 = arith.constant 64 : i32
          %jit3A_1202 = arith.constant 0 : i32
          %select_n3A_1203 = arith.select %ge3A_1200, %jit3A_1201, %jit3A_1202 : i32
          %add3A_1204 = arith.constant 22 : i32
          %add3A_1205 = arith.addi %mul3A_125, %add3A_1204 : i32
          %add3A_1206 = arith.constant 0 : i32
          %add3A_1207 = arith.addi %select_n3A_1203, %add3A_1206 : i32
          %get3A_1208 = arith.index_cast %add3A_1205 : i32 to index
          %get3A_1209 = arith.index_cast %add3A_1207 : i32 to index
          %get3A_1210 = tpu.vector_load %arg10[%get3A_1208, %get3A_1209] {strides = array<i32>} : memref<832x128xf32, #tpu.memory_space<vmem>>, vector<1x16xf32>,
          %get3A_1211 = vector.shape_cast %get3A_1210 : vector<1x16xf32> to vector<16xf32>
          %add3A_1212 = arith.addf %add3A_1164, %get3A_1211 : vector<16xf32>
          %add3A_1213 = arith.constant 22 : i32
          %add3A_1214 = arith.addi %mul3A_125, %add3A_1213 : i32
          %add3A_1215 = arith.constant 16 : i32
          %add3A_1216 = arith.addi %select_n3A_1203, %add3A_1215 : i32
          %get3A_1217 = arith.index_cast %add3A_1214 : i32 to index
          %get3A_1218 = arith.index_cast %add3A_1216 : i32 to index
          %get3A_1219 = tpu.vector_load %arg10[%get3A_1217, %get3A_1218] {strides = array<i32>} : memref<832x128xf32, #tpu.memory_space<vmem>>, vector<1x16xf32>,
          %get3A_1220 = vector.shape_cast %get3A_1219 : vector<1x16xf32> to vector<16xf32>
          %add3A_1221 = arith.addf %add3A_1173, %get3A_1220 : vector<16xf32>
          %add3A_1222 = arith.constant 22 : i32
          %add3A_1223 = arith.addi %mul3A_125, %add3A_1222 : i32
          %add3A_1224 = arith.constant 32 : i32
          %add3A_1225 = arith.addi %select_n3A_1203, %add3A_1224 : i32
          %get3A_1226 = arith.index_cast %add3A_1223 : i32 to index
          %get3A_1227 = arith.index_cast %add3A_1225 : i32 to index
          %get3A_1228 = tpu.vector_load %arg10[%get3A_1226, %get3A_1227] {strides = array<i32>} : memref<832x128xf32, #tpu.memory_space<vmem>>, vector<1x16xf32>,
          %get3A_1229 = vector.shape_cast %get3A_1228 : vector<1x16xf32> to vector<16xf32>
          %add3A_1230 = arith.addf %add3A_1182, %get3A_1229 : vector<16xf32>
          %add3A_1231 = arith.constant 22 : i32
          %add3A_1232 = arith.addi %mul3A_125, %add3A_1231 : i32
          %add3A_1233 = arith.constant 48 : i32
          %add3A_1234 = arith.addi %select_n3A_1203, %add3A_1233 : i32
          %get3A_1235 = arith.index_cast %add3A_1232 : i32 to index
          %get3A_1236 = arith.index_cast %add3A_1234 : i32 to index
          %get3A_1237 = tpu.vector_load %arg10[%get3A_1235, %get3A_1236] {strides = array<i32>} : memref<832x128xf32, #tpu.memory_space<vmem>>, vector<1x16xf32>,
          %get3A_1238 = vector.shape_cast %get3A_1237 : vector<1x16xf32> to vector<16xf32>
          %add3A_1239 = arith.addf %add3A_1191, %get3A_1238 : vector<16xf32>
          %add3A_1240 = arith.constant 23 : i32
          %add3A_1241 = arith.addi %mul3A_125, %add3A_1240 : i32
          %get3A_1242 = arith.index_cast %add3A_1241 : i32 to index
          %get3A_1243 = tpu.vector_load %arg7[%get3A_1242] {strides = array<i32>} : memref<848xi32, #tpu.memory_space<vmem>>, vector<16xi32>,
          %get3A_1244 = vector.shape_cast %get3A_1243 : vector<16xi32> to vector<16xi32>
          %slice3A_1245 = vector.extract_strided_slice %get3A_1244 {offsets = [0], sizes = [1], strides = [1]} : vector<16xi32> to vector<1xi32>
          %squeeze3A_1246 = vector.extract %slice3A_1245[0] : i32 from vector<1xi32>
          %ge3A_1247 = arith.constant 51200 : i32
          %ge3A_1248 = arith.cmpi sge, %squeeze3A_1246, %ge3A_1247 : i32
          %jit3A_1249 = arith.constant 64 : i32
          %jit3A_1250 = arith.constant 0 : i32
          %select_n3A_1251 = arith.select %ge3A_1248, %jit3A_1249, %jit3A_1250 : i32
          %add3A_1252 = arith.constant 23 : i32
          %add3A_1253 = arith.addi %mul3A_125, %add3A_1252 : i32
          %add3A_1254 = arith.constant 0 : i32
          %add3A_1255 = arith.addi %select_n3A_1251, %add3A_1254 : i32
          %get3A_1256 = arith.index_cast %add3A_1253 : i32 to index
          %get3A_1257 = arith.index_cast %add3A_1255 : i32 to index
          %get3A_1258 = tpu.vector_load %arg10[%get3A_1256, %get3A_1257] {strides = array<i32>} : memref<832x128xf32, #tpu.memory_space<vmem>>, vector<1x16xf32>,
          %get3A_1259 = vector.shape_cast %get3A_1258 : vector<1x16xf32> to vector<16xf32>
          %add3A_1260 = arith.addf %add3A_1212, %get3A_1259 : vector<16xf32>
          %add3A_1261 = arith.constant 23 : i32
          %add3A_1262 = arith.addi %mul3A_125, %add3A_1261 : i32
          %add3A_1263 = arith.constant 16 : i32
          %add3A_1264 = arith.addi %select_n3A_1251, %add3A_1263 : i32
          %get3A_1265 = arith.index_cast %add3A_1262 : i32 to index
          %get3A_1266 = arith.index_cast %add3A_1264 : i32 to index
          %get3A_1267 = tpu.vector_load %arg10[%get3A_1265, %get3A_1266] {strides = array<i32>} : memref<832x128xf32, #tpu.memory_space<vmem>>, vector<1x16xf32>,
          %get3A_1268 = vector.shape_cast %get3A_1267 : vector<1x16xf32> to vector<16xf32>
          %add3A_1269 = arith.addf %add3A_1221, %get3A_1268 : vector<16xf32>
          %add3A_1270 = arith.constant 23 : i32
          %add3A_1271 = arith.addi %mul3A_125, %add3A_1270 : i32
          %add3A_1272 = arith.constant 32 : i32
          %add3A_1273 = arith.addi %select_n3A_1251, %add3A_1272 : i32
          %get3A_1274 = arith.index_cast %add3A_1271 : i32 to index
          %get3A_1275 = arith.index_cast %add3A_1273 : i32 to index
          %get3A_1276 = tpu.vector_load %arg10[%get3A_1274, %get3A_1275] {strides = array<i32>} : memref<832x128xf32, #tpu.memory_space<vmem>>, vector<1x16xf32>,
          %get3A_1277 = vector.shape_cast %get3A_1276 : vector<1x16xf32> to vector<16xf32>
          %add3A_1278 = arith.addf %add3A_1230, %get3A_1277 : vector<16xf32>
          %add3A_1279 = arith.constant 23 : i32
          %add3A_1280 = arith.addi %mul3A_125, %add3A_1279 : i32
          %add3A_1281 = arith.constant 48 : i32
          %add3A_1282 = arith.addi %select_n3A_1251, %add3A_1281 : i32
          %get3A_1283 = arith.index_cast %add3A_1280 : i32 to index
          %get3A_1284 = arith.index_cast %add3A_1282 : i32 to index
          %get3A_1285 = tpu.vector_load %arg10[%get3A_1283, %get3A_1284] {strides = array<i32>} : memref<832x128xf32, #tpu.memory_space<vmem>>, vector<1x16xf32>,
          %get3A_1286 = vector.shape_cast %get3A_1285 : vector<1x16xf32> to vector<16xf32>
          %add3A_1287 = arith.addf %add3A_1239, %get3A_1286 : vector<16xf32>
          %add3A_1288 = arith.constant 24 : i32
          %add3A_1289 = arith.addi %mul3A_125, %add3A_1288 : i32
          %get3A_1290 = arith.index_cast %add3A_1289 : i32 to index
          %get3A_1291 = tpu.vector_load %arg7[%get3A_1290] {strides = array<i32>} : memref<848xi32, #tpu.memory_space<vmem>>, vector<16xi32>,
          %get3A_1292 = vector.shape_cast %get3A_1291 : vector<16xi32> to vector<16xi32>
          %slice3A_1293 = vector.extract_strided_slice %get3A_1292 {offsets = [0], sizes = [1], strides = [1]} : vector<16xi32> to vector<1xi32>
          %squeeze3A_1294 = vector.extract %slice3A_1293[0] : i32 from vector<1xi32>
          %ge3A_1295 = arith.constant 51200 : i32
          %ge3A_1296 = arith.cmpi sge, %squeeze3A_1294, %ge3A_1295 : i32
          %jit3A_1297 = arith.constant 64 : i32
          %jit3A_1298 = arith.constant 0 : i32
          %select_n3A_1299 = arith.select %ge3A_1296, %jit3A_1297, %jit3A_1298 : i32
          %add3A_1300 = arith.constant 24 : i32
          %add3A_1301 = arith.addi %mul3A_125, %add3A_1300 : i32
          %add3A_1302 = arith.constant 0 : i32
          %add3A_1303 = arith.addi %select_n3A_1299, %add3A_1302 : i32
          %get3A_1304 = arith.index_cast %add3A_1301 : i32 to index
          %get3A_1305 = arith.index_cast %add3A_1303 : i32 to index
          %get3A_1306 = tpu.vector_load %arg10[%get3A_1304, %get3A_1305] {strides = array<i32>} : memref<832x128xf32, #tpu.memory_space<vmem>>, vector<1x16xf32>,
          %get3A_1307 = vector.shape_cast %get3A_1306 : vector<1x16xf32> to vector<16xf32>
          %add3A_1308 = arith.addf %add3A_1260, %get3A_1307 : vector<16xf32>
          %add3A_1309 = arith.constant 24 : i32
          %add3A_1310 = arith.addi %mul3A_125, %add3A_1309 : i32
          %add3A_1311 = arith.constant 16 : i32
          %add3A_1312 = arith.addi %select_n3A_1299, %add3A_1311 : i32
          %get3A_1313 = arith.index_cast %add3A_1310 : i32 to index
          %get3A_1314 = arith.index_cast %add3A_1312 : i32 to index
          %get3A_1315 = tpu.vector_load %arg10[%get3A_1313, %get3A_1314] {strides = array<i32>} : memref<832x128xf32, #tpu.memory_space<vmem>>, vector<1x16xf32>,
          %get3A_1316 = vector.shape_cast %get3A_1315 : vector<1x16xf32> to vector<16xf32>
          %add3A_1317 = arith.addf %add3A_1269, %get3A_1316 : vector<16xf32>
          %add3A_1318 = arith.constant 24 : i32
          %add3A_1319 = arith.addi %mul3A_125, %add3A_1318 : i32
          %add3A_1320 = arith.constant 32 : i32
          %add3A_1321 = arith.addi %select_n3A_1299, %add3A_1320 : i32
          %get3A_1322 = arith.index_cast %add3A_1319 : i32 to index
          %get3A_1323 = arith.index_cast %add3A_1321 : i32 to index
          %get3A_1324 = tpu.vector_load %arg10[%get3A_1322, %get3A_1323] {strides = array<i32>} : memref<832x128xf32, #tpu.memory_space<vmem>>, vector<1x16xf32>,
          %get3A_1325 = vector.shape_cast %get3A_1324 : vector<1x16xf32> to vector<16xf32>
          %add3A_1326 = arith.addf %add3A_1278, %get3A_1325 : vector<16xf32>
          %add3A_1327 = arith.constant 24 : i32
          %add3A_1328 = arith.addi %mul3A_125, %add3A_1327 : i32
          %add3A_1329 = arith.constant 48 : i32
          %add3A_1330 = arith.addi %select_n3A_1299, %add3A_1329 : i32
          %get3A_1331 = arith.index_cast %add3A_1328 : i32 to index
          %get3A_1332 = arith.index_cast %add3A_1330 : i32 to index
          %get3A_1333 = tpu.vector_load %arg10[%get3A_1331, %get3A_1332] {strides = array<i32>} : memref<832x128xf32, #tpu.memory_space<vmem>>, vector<1x16xf32>,
          %get3A_1334 = vector.shape_cast %get3A_1333 : vector<1x16xf32> to vector<16xf32>
          %add3A_1335 = arith.addf %add3A_1287, %get3A_1334 : vector<16xf32>
          %add3A_1336 = arith.constant 25 : i32
          %add3A_1337 = arith.addi %mul3A_125, %add3A_1336 : i32
          %get3A_1338 = arith.index_cast %add3A_1337 : i32 to index
          %get3A_1339 = tpu.vector_load %arg7[%get3A_1338] {strides = array<i32>} : memref<848xi32, #tpu.memory_space<vmem>>, vector<16xi32>,
          %get3A_1340 = vector.shape_cast %get3A_1339 : vector<16xi32> to vector<16xi32>
          %slice3A_1341 = vector.extract_strided_slice %get3A_1340 {offsets = [0], sizes = [1], strides = [1]} : vector<16xi32> to vector<1xi32>
          %squeeze3A_1342 = vector.extract %slice3A_1341[0] : i32 from vector<1xi32>
          %ge3A_1343 = arith.constant 51200 : i32
          %ge3A_1344 = arith.cmpi sge, %squeeze3A_1342, %ge3A_1343 : i32
          %jit3A_1345 = arith.constant 64 : i32
          %jit3A_1346 = arith.constant 0 : i32
          %select_n3A_1347 = arith.select %ge3A_1344, %jit3A_1345, %jit3A_1346 : i32
          %add3A_1348 = arith.constant 25 : i32
          %add3A_1349 = arith.addi %mul3A_125, %add3A_1348 : i32
          %add3A_1350 = arith.constant 0 : i32
          %add3A_1351 = arith.addi %select_n3A_1347, %add3A_1350 : i32
          %get3A_1352 = arith.index_cast %add3A_1349 : i32 to index
          %get3A_1353 = arith.index_cast %add3A_1351 : i32 to index
          %get3A_1354 = tpu.vector_load %arg10[%get3A_1352, %get3A_1353] {strides = array<i32>} : memref<832x128xf32, #tpu.memory_space<vmem>>, vector<1x16xf32>,
          %get3A_1355 = vector.shape_cast %get3A_1354 : vector<1x16xf32> to vector<16xf32>
          %add3A_1356 = arith.addf %add3A_1308, %get3A_1355 : vector<16xf32>
          %add3A_1357 = arith.constant 25 : i32
          %add3A_1358 = arith.addi %mul3A_125, %add3A_1357 : i32
          %add3A_1359 = arith.constant 16 : i32
          %add3A_1360 = arith.addi %select_n3A_1347, %add3A_1359 : i32
          %get3A_1361 = arith.index_cast %add3A_1358 : i32 to index
          %get3A_1362 = arith.index_cast %add3A_1360 : i32 to index
          %get3A_1363 = tpu.vector_load %arg10[%get3A_1361, %get3A_1362] {strides = array<i32>} : memref<832x128xf32, #tpu.memory_space<vmem>>, vector<1x16xf32>,
          %get3A_1364 = vector.shape_cast %get3A_1363 : vector<1x16xf32> to vector<16xf32>
          %add3A_1365 = arith.addf %add3A_1317, %get3A_1364 : vector<16xf32>
          %add3A_1366 = arith.constant 25 : i32
          %add3A_1367 = arith.addi %mul3A_125, %add3A_1366 : i32
          %add3A_1368 = arith.constant 32 : i32
          %add3A_1369 = arith.addi %select_n3A_1347, %add3A_1368 : i32
          %get3A_1370 = arith.index_cast %add3A_1367 : i32 to index
          %get3A_1371 = arith.index_cast %add3A_1369 : i32 to index
          %get3A_1372 = tpu.vector_load %arg10[%get3A_1370, %get3A_1371] {strides = array<i32>} : memref<832x128xf32, #tpu.memory_space<vmem>>, vector<1x16xf32>,
          %get3A_1373 = vector.shape_cast %get3A_1372 : vector<1x16xf32> to vector<16xf32>
          %add3A_1374 = arith.addf %add3A_1326, %get3A_1373 : vector<16xf32>
          %add3A_1375 = arith.constant 25 : i32
          %add3A_1376 = arith.addi %mul3A_125, %add3A_1375 : i32
          %add3A_1377 = arith.constant 48 : i32
          %add3A_1378 = arith.addi %select_n3A_1347, %add3A_1377 : i32
          %get3A_1379 = arith.index_cast %add3A_1376 : i32 to index
          %get3A_1380 = arith.index_cast %add3A_1378 : i32 to index
          %get3A_1381 = tpu.vector_load %arg10[%get3A_1379, %get3A_1380] {strides = array<i32>} : memref<832x128xf32, #tpu.memory_space<vmem>>, vector<1x16xf32>,
          %get3A_1382 = vector.shape_cast %get3A_1381 : vector<1x16xf32> to vector<16xf32>
          %add3A_1383 = arith.addf %add3A_1335, %get3A_1382 : vector<16xf32>
          %swap3A = arith.index_cast %while3A_122 : i32 to index
          %swap3A_1384 = arith.constant 0 : index
          %swap3A_1385 = tpu.vector_load %arg12[%swap3A, %swap3A_1384] {strides = array<i32>} : memref<32x128xf32, #tpu.memory_space<vmem>>, vector<1x16xf32>,
          %swap3A_1386 = vector.shape_cast %swap3A_1385 : vector<1x16xf32> to vector<16xf32>
          %swap3A_1387 = vector.shape_cast %add3A_1356 : vector<16xf32> to vector<1x16xf32>
          tpu.vector_store %arg12[%swap3A, %swap3A_1384], %swap3A_1387 {strides = array<i32>} : memref<32x128xf32, #tpu.memory_space<vmem>>, vector<1x16xf32>,
          %swap3A_1388 = arith.index_cast %while3A_122 : i32 to index
          %swap3A_1389 = arith.constant 16 : index
          %swap3A_1390 = tpu.vector_load %arg12[%swap3A_1388, %swap3A_1389] {strides = array<i32>} : memref<32x128xf32, #tpu.memory_space<vmem>>, vector<1x16xf32>,
          %swap3A_1391 = vector.shape_cast %swap3A_1390 : vector<1x16xf32> to vector<16xf32>
          %swap3A_1392 = vector.shape_cast %add3A_1365 : vector<16xf32> to vector<1x16xf32>
          tpu.vector_store %arg12[%swap3A_1388, %swap3A_1389], %swap3A_1392 {strides = array<i32>} : memref<32x128xf32, #tpu.memory_space<vmem>>, vector<1x16xf32>,
          %swap3A_1393 = arith.index_cast %while3A_122 : i32 to index
          %swap3A_1394 = arith.constant 32 : index
          %swap3A_1395 = tpu.vector_load %arg12[%swap3A_1393, %swap3A_1394] {strides = array<i32>} : memref<32x128xf32, #tpu.memory_space<vmem>>, vector<1x16xf32>,
          %swap3A_1396 = vector.shape_cast %swap3A_1395 : vector<1x16xf32> to vector<16xf32>
          %swap3A_1397 = vector.shape_cast %add3A_1374 : vector<16xf32> to vector<1x16xf32>
          tpu.vector_store %arg12[%swap3A_1393, %swap3A_1394], %swap3A_1397 {strides = array<i32>} : memref<32x128xf32, #tpu.memory_space<vmem>>, vector<1x16xf32>,
          %swap3A_1398 = arith.index_cast %while3A_122 : i32 to index
          %swap3A_1399 = arith.constant 48 : index
          %swap3A_1400 = tpu.vector_load %arg12[%swap3A_1398, %swap3A_1399] {strides = array<i32>} : memref<32x128xf32, #tpu.memory_space<vmem>>, vector<1x16xf32>,
          %swap3A_1401 = vector.shape_cast %swap3A_1400 : vector<1x16xf32> to vector<16xf32>
          %swap3A_1402 = vector.shape_cast %add3A_1383 : vector<16xf32> to vector<1x16xf32>
          tpu.vector_store %arg12[%swap3A_1398, %swap3A_1399], %swap3A_1402 {strides = array<i32>} : memref<32x128xf32, #tpu.memory_space<vmem>>, vector<1x16xf32>,
          %while3A_1403 = arith.constant 0 : i32
          scf.yield %while3A_1403 : i32
        }
        %scan3A_121 = arith.constant 0 : i32
        scf.yield %scan3A_121 : i32
      }
      %scan3A_92 = arith.constant 8 : i32
      "tpu.region"() ({
        %run_scoped3A = tpu.sem_alloc : memref<!tpu.dma_semaphore, #tpu.memory_space<semaphore_mem>>
        %dma_start3A_94 = arith.constant 0 : i32
        %dma_start3A_95 = tpu.memref_slice %arg6[%add3A_13, %dma_start3A_94] : memref<16384x128xf32, #tpu.memory_space<hbm>> -> memref<32x128xf32, #tpu.memory_space<hbm>>
        %dma_start3A_96 = arith.constant 0 : i32
        %dma_start3A_97 = tpu.memref_slice %arg6[%add3A_13, %dma_start3A_96] : memref<16384x128xf32, #tpu.memory_space<hbm>> -> memref<32x128xf32, #tpu.memory_space<hbm>>
        tpu.enqueue_dma source(%arg12 : memref<32x128xf32, #tpu.memory_space<vmem>>) target(%dma_start3A_97 : memref<32x128xf32, #tpu.memory_space<hbm>>) target_semaphore(%run_scoped3A : memref<!tpu.dma_semaphore, #tpu.memory_space<semaphore_mem>>)
        %dma_wait3A = arith.constant 0 : i32
        %dma_wait3A_98 = tpu.memref_slice %arg6[%add3A_13, %dma_wait3A] : memref<16384x128xf32, #tpu.memory_space<hbm>> -> memref<32x128xf32, #tpu.memory_space<hbm>>
        %dma_wait3A_99 = arith.constant 0 : i32
        %dma_wait3A_100 = tpu.memref_slice %arg6[%add3A_13, %dma_wait3A_99] : memref<16384x128xf32, #tpu.memory_space<hbm>> -> memref<32x128xf32, #tpu.memory_space<hbm>>
        tpu.wait_dma2 semaphore(%run_scoped3A : memref<!tpu.dma_semaphore, #tpu.memory_space<semaphore_mem>>) src(%arg12 : memref<32x128xf32, #tpu.memory_space<vmem>>) dst(%dma_wait3A_100 : memref<32x128xf32, #tpu.memory_space<hbm>>)
        tpu.yield
      }) : () -> ()
      %scan3A_93 = arith.constant 0 : i32
      scf.yield %scan3A_93 : i32
    }
    %scan3A_8 = arith.constant 16 : i32
    return
  }
}

module attributes {stable_mosaic.version = 14 : i64} {
  func.func @_pack_body(%arg0: i32, %arg1: memref<1x64x100000xf32, #tpu.memory_space<vmem>>, %arg2: memref<128x128xf32, #tpu.memory_space<vmem>>, %arg3: memref<1331200x128xf32, #tpu.memory_space<any>>, %arg4: memref<3x6400x128xf32, #tpu.memory_space<vmem>>, %arg5: memref<!tpu.dma_semaphore, #tpu.memory_space<semaphore_mem>>) attributes {dimension_semantics = [#tpu.dimension_semantics<arbitrary>], iteration_bounds = array<i64: 26>, scalar_prefetch = 0 : i64, scratch_operands = 2 : i64, tpu.core_type = #tpu.core_type<tc>, window_params = [{transform_indices = @transform_0, window_bounds = array<i64: 1, 64, 100000>}, {pipeline_mode = #tpu.pipeline_mode<synchronous>, transform_indices = @transform_1, window_bounds = array<i64: 128, 128>}, {}]} {
    %get3A = arith.constant 0 : index
    %get3A_0 = arith.constant 0 : index
    %get3A_1 = arith.constant 0 : index
    %get3A_2 = vector.load %arg1[%get3A, %get3A_0, %get3A_1] : memref<1x64x100000xf32, #tpu.memory_space<vmem>>, vector<1x64x6400xf32>
    %get3A_3 = vector.shape_cast %get3A_2 : vector<1x64x6400xf32> to vector<64x6400xf32>
    %get3A_4 = arith.constant 0 : index
    %get3A_5 = arith.constant 0 : index
    %get3A_6 = arith.constant 51200 : index
    %get3A_7 = vector.load %arg1[%get3A_4, %get3A_5, %get3A_6] : memref<1x64x100000xf32, #tpu.memory_space<vmem>>, vector<1x64x6400xf32>
    %get3A_8 = vector.shape_cast %get3A_7 : vector<1x64x6400xf32> to vector<64x6400xf32>
    %concatenate3A = tpu.concatenate %get3A_3, %get3A_8 in 0 : vector<64x6400xf32>, vector<64x6400xf32> -> vector<128x6400xf32>
    %get3A_9 = arith.constant 0 : index
    %get3A_10 = arith.constant 0 : index
    %get3A_11 = vector.load %arg2[%get3A_9, %get3A_10] : memref<128x128xf32, #tpu.memory_space<vmem>>, vector<128x128xf32>
    %dot_general3A = arith.constant dense<0.000000e+00> : vector<6400x128xf32>
    %dot_general3A_12 = tpu.matmul %concatenate3A, %get3A_11, %dot_general3A {dimension_numbers = #tpu.dot_dimension_numbers<[0], [0], [1], [1], [0, 1, 1, 1], [], []>, transpose_lhs_hint = false} : vector<128x6400xf32>, vector<128x128xf32>, vector<6400x128xf32> -> vector<6400x128xf32>
    %swap3A = arith.constant 0 : index
    %swap3A_13 = arith.constant 0 : index
    %swap3A_14 = arith.constant 0 : index
    %swap3A_15 = vector.load %arg4[%swap3A, %swap3A_13, %swap3A_14] : memref<3x6400x128xf32, #tpu.memory_space<vmem>>, vector<1x6400x128xf32>
    %swap3A_16 = vector.shape_cast %swap3A_15 : vector<1x6400x128xf32> to vector<6400x128xf32>
    %swap3A_17 = vector.shape_cast %dot_general3A_12 : vector<6400x128xf32> to vector<1x6400x128xf32>
    tpu.vector_store %arg4[%swap3A, %swap3A_13, %swap3A_14], %swap3A_17 {strides = array<i32>} : memref<3x6400x128xf32, #tpu.memory_space<vmem>>, vector<1x6400x128xf32>,
    %mul3A = arith.constant 51200 : i32
    %mul3A_18 = arith.muli %arg0, %mul3A : i32
    %add3A = arith.constant 0 : i32
    %add3A_19 = arith.addi %mul3A_18, %add3A : i32
    %dma_start3A = arith.constant 0 : i32
    %dma_start3A_20 = arith.constant 0 : i32
    %dma_start3A_21 = tpu.memref_slice %arg3[%add3A_19, %dma_start3A_20] : memref<1331200x128xf32, #tpu.memory_space<any>> -> memref<6400x128xf32, #tpu.memory_space<any>>
    %dma_start3A_22 = arith.constant 0 : i32
    %dma_start3A_23 = arith.constant 0 : i32
    %dma_start3A_24 = tpu.memref_slice %arg4[%dma_start3A, %dma_start3A_22, %dma_start3A_23] : memref<3x6400x128xf32, #tpu.memory_space<vmem>> -> memref<1x6400x128xf32, #tpu.memory_space<vmem>>
    %dma_start3A_25 = tpu.memref_squeeze %dma_start3A_24 : memref<1x6400x128xf32, #tpu.memory_space<vmem>> -> memref<6400x128xf32, #tpu.memory_space<vmem>>
    tpu.enqueue_dma source(%dma_start3A_25 : memref<6400x128xf32, #tpu.memory_space<vmem>>) target(%dma_start3A_21 : memref<6400x128xf32, #tpu.memory_space<any>>) target_semaphore(%arg5 : memref<!tpu.dma_semaphore, #tpu.memory_space<semaphore_mem>>)
    %get3A_26 = arith.constant 0 : index
    %get3A_27 = arith.constant 0 : index
    %get3A_28 = arith.constant 6400 : index
    %get3A_29 = vector.load %arg1[%get3A_26, %get3A_27, %get3A_28] : memref<1x64x100000xf32, #tpu.memory_space<vmem>>, vector<1x64x6400xf32>
    %get3A_30 = vector.shape_cast %get3A_29 : vector<1x64x6400xf32> to vector<64x6400xf32>
    %get3A_31 = arith.constant 0 : index
    %get3A_32 = arith.constant 0 : index
    %get3A_33 = arith.constant 57600 : index
    %get3A_34 = vector.load %arg1[%get3A_31, %get3A_32, %get3A_33] : memref<1x64x100000xf32, #tpu.memory_space<vmem>>, vector<1x64x6400xf32>
    %get3A_35 = vector.shape_cast %get3A_34 : vector<1x64x6400xf32> to vector<64x6400xf32>
    %concatenate3A_36 = tpu.concatenate %get3A_30, %get3A_35 in 0 : vector<64x6400xf32>, vector<64x6400xf32> -> vector<128x6400xf32>
    %get3A_37 = arith.constant 0 : index
    %get3A_38 = arith.constant 0 : index
    %get3A_39 = vector.load %arg2[%get3A_37, %get3A_38] : memref<128x128xf32, #tpu.memory_space<vmem>>, vector<128x128xf32>
    %dot_general3A_40 = arith.constant dense<0.000000e+00> : vector<6400x128xf32>
    %dot_general3A_41 = tpu.matmul %concatenate3A_36, %get3A_39, %dot_general3A_40 {dimension_numbers = #tpu.dot_dimension_numbers<[0], [0], [1], [1], [0, 1, 1, 1], [], []>, transpose_lhs_hint = false} : vector<128x6400xf32>, vector<128x128xf32>, vector<6400x128xf32> -> vector<6400x128xf32>
    %swap3A_42 = arith.constant 1 : index
    %swap3A_43 = arith.constant 0 : index
    %swap3A_44 = arith.constant 0 : index
    %swap3A_45 = vector.load %arg4[%swap3A_42, %swap3A_43, %swap3A_44] : memref<3x6400x128xf32, #tpu.memory_space<vmem>>, vector<1x6400x128xf32>
    %swap3A_46 = vector.shape_cast %swap3A_45 : vector<1x6400x128xf32> to vector<6400x128xf32>
    %swap3A_47 = vector.shape_cast %dot_general3A_41 : vector<6400x128xf32> to vector<1x6400x128xf32>
    tpu.vector_store %arg4[%swap3A_42, %swap3A_43, %swap3A_44], %swap3A_47 {strides = array<i32>} : memref<3x6400x128xf32, #tpu.memory_space<vmem>>, vector<1x6400x128xf32>,
    %mul3A_48 = arith.constant 51200 : i32
    %mul3A_49 = arith.muli %arg0, %mul3A_48 : i32
    %add3A_50 = arith.constant 6400 : i32
    %add3A_51 = arith.addi %mul3A_49, %add3A_50 : i32
    %dma_start3A_52 = arith.constant 1 : i32
    %dma_start3A_53 = arith.constant 0 : i32
    %dma_start3A_54 = tpu.memref_slice %arg3[%add3A_51, %dma_start3A_53] : memref<1331200x128xf32, #tpu.memory_space<any>> -> memref<6400x128xf32, #tpu.memory_space<any>>
    %dma_start3A_55 = arith.constant 0 : i32
    %dma_start3A_56 = arith.constant 0 : i32
    %dma_start3A_57 = tpu.memref_slice %arg4[%dma_start3A_52, %dma_start3A_55, %dma_start3A_56] : memref<3x6400x128xf32, #tpu.memory_space<vmem>> -> memref<1x6400x128xf32, #tpu.memory_space<vmem>>
    %dma_start3A_58 = tpu.memref_squeeze %dma_start3A_57 : memref<1x6400x128xf32, #tpu.memory_space<vmem>> -> memref<6400x128xf32, #tpu.memory_space<vmem>>
    tpu.enqueue_dma source(%dma_start3A_58 : memref<6400x128xf32, #tpu.memory_space<vmem>>) target(%dma_start3A_54 : memref<6400x128xf32, #tpu.memory_space<any>>) target_semaphore(%arg5 : memref<!tpu.dma_semaphore, #tpu.memory_space<semaphore_mem>>)
    %get3A_59 = arith.constant 0 : index
    %get3A_60 = arith.constant 0 : index
    %get3A_61 = arith.constant 12800 : index
    %get3A_62 = vector.load %arg1[%get3A_59, %get3A_60, %get3A_61] : memref<1x64x100000xf32, #tpu.memory_space<vmem>>, vector<1x64x6400xf32>
    %get3A_63 = vector.shape_cast %get3A_62 : vector<1x64x6400xf32> to vector<64x6400xf32>
    %get3A_64 = arith.constant 0 : index
    %get3A_65 = arith.constant 0 : index
    %get3A_66 = arith.constant 64000 : index
    %get3A_67 = vector.load %arg1[%get3A_64, %get3A_65, %get3A_66] : memref<1x64x100000xf32, #tpu.memory_space<vmem>>, vector<1x64x6400xf32>
    %get3A_68 = vector.shape_cast %get3A_67 : vector<1x64x6400xf32> to vector<64x6400xf32>
    %concatenate3A_69 = tpu.concatenate %get3A_63, %get3A_68 in 0 : vector<64x6400xf32>, vector<64x6400xf32> -> vector<128x6400xf32>
    %get3A_70 = arith.constant 0 : index
    %get3A_71 = arith.constant 0 : index
    %get3A_72 = vector.load %arg2[%get3A_70, %get3A_71] : memref<128x128xf32, #tpu.memory_space<vmem>>, vector<128x128xf32>
    %dot_general3A_73 = arith.constant dense<0.000000e+00> : vector<6400x128xf32>
    %dot_general3A_74 = tpu.matmul %concatenate3A_69, %get3A_72, %dot_general3A_73 {dimension_numbers = #tpu.dot_dimension_numbers<[0], [0], [1], [1], [0, 1, 1, 1], [], []>, transpose_lhs_hint = false} : vector<128x6400xf32>, vector<128x128xf32>, vector<6400x128xf32> -> vector<6400x128xf32>
    %swap3A_75 = arith.constant 2 : index
    %swap3A_76 = arith.constant 0 : index
    %swap3A_77 = arith.constant 0 : index
    %swap3A_78 = vector.load %arg4[%swap3A_75, %swap3A_76, %swap3A_77] : memref<3x6400x128xf32, #tpu.memory_space<vmem>>, vector<1x6400x128xf32>
    %swap3A_79 = vector.shape_cast %swap3A_78 : vector<1x6400x128xf32> to vector<6400x128xf32>
    %swap3A_80 = vector.shape_cast %dot_general3A_74 : vector<6400x128xf32> to vector<1x6400x128xf32>
    tpu.vector_store %arg4[%swap3A_75, %swap3A_76, %swap3A_77], %swap3A_80 {strides = array<i32>} : memref<3x6400x128xf32, #tpu.memory_space<vmem>>, vector<1x6400x128xf32>,
    %mul3A_81 = arith.constant 51200 : i32
    %mul3A_82 = arith.muli %arg0, %mul3A_81 : i32
    %add3A_83 = arith.constant 12800 : i32
    %add3A_84 = arith.addi %mul3A_82, %add3A_83 : i32
    %dma_start3A_85 = arith.constant 2 : i32
    %dma_start3A_86 = arith.constant 0 : i32
    %dma_start3A_87 = tpu.memref_slice %arg3[%add3A_84, %dma_start3A_86] : memref<1331200x128xf32, #tpu.memory_space<any>> -> memref<6400x128xf32, #tpu.memory_space<any>>
    %dma_start3A_88 = arith.constant 0 : i32
    %dma_start3A_89 = arith.constant 0 : i32
    %dma_start3A_90 = tpu.memref_slice %arg4[%dma_start3A_85, %dma_start3A_88, %dma_start3A_89] : memref<3x6400x128xf32, #tpu.memory_space<vmem>> -> memref<1x6400x128xf32, #tpu.memory_space<vmem>>
    %dma_start3A_91 = tpu.memref_squeeze %dma_start3A_90 : memref<1x6400x128xf32, #tpu.memory_space<vmem>> -> memref<6400x128xf32, #tpu.memory_space<vmem>>
    tpu.enqueue_dma source(%dma_start3A_91 : memref<6400x128xf32, #tpu.memory_space<vmem>>) target(%dma_start3A_87 : memref<6400x128xf32, #tpu.memory_space<any>>) target_semaphore(%arg5 : memref<!tpu.dma_semaphore, #tpu.memory_space<semaphore_mem>>)
    %dma_wait3A = arith.constant 0 : i32
    %dma_wait3A_92 = arith.constant 0 : i32
    %dma_wait3A_93 = tpu.memref_slice %arg3[%add3A_19, %dma_wait3A_92] : memref<1331200x128xf32, #tpu.memory_space<any>> -> memref<6400x128xf32, #tpu.memory_space<any>>
    %dma_wait3A_94 = arith.constant 0 : i32
    %dma_wait3A_95 = arith.constant 0 : i32
    %dma_wait3A_96 = tpu.memref_slice %arg4[%dma_wait3A, %dma_wait3A_94, %dma_wait3A_95] : memref<3x6400x128xf32, #tpu.memory_space<vmem>> -> memref<1x6400x128xf32, #tpu.memory_space<vmem>>
    %dma_wait3A_97 = tpu.memref_squeeze %dma_wait3A_96 : memref<1x6400x128xf32, #tpu.memory_space<vmem>> -> memref<6400x128xf32, #tpu.memory_space<vmem>>
    tpu.wait_dma2 semaphore(%arg5 : memref<!tpu.dma_semaphore, #tpu.memory_space<semaphore_mem>>) src(%dma_wait3A_97 : memref<6400x128xf32, #tpu.memory_space<vmem>>) dst(%dma_wait3A_93 : memref<6400x128xf32, #tpu.memory_space<any>>)
    %get3A_98 = arith.constant 0 : index
    %get3A_99 = arith.constant 0 : index
    %get3A_100 = arith.constant 19200 : index
    %get3A_101 = vector.load %arg1[%get3A_98, %get3A_99, %get3A_100] : memref<1x64x100000xf32, #tpu.memory_space<vmem>>, vector<1x64x6400xf32>
    %get3A_102 = vector.shape_cast %get3A_101 : vector<1x64x6400xf32> to vector<64x6400xf32>
    %get3A_103 = arith.constant 0 : index
    %get3A_104 = arith.constant 0 : index
    %get3A_105 = arith.constant 70400 : index
    %get3A_106 = vector.load %arg1[%get3A_103, %get3A_104, %get3A_105] : memref<1x64x100000xf32, #tpu.memory_space<vmem>>, vector<1x64x6400xf32>
    %get3A_107 = vector.shape_cast %get3A_106 : vector<1x64x6400xf32> to vector<64x6400xf32>
    %concatenate3A_108 = tpu.concatenate %get3A_102, %get3A_107 in 0 : vector<64x6400xf32>, vector<64x6400xf32> -> vector<128x6400xf32>
    %get3A_109 = arith.constant 0 : index
    %get3A_110 = arith.constant 0 : index
    %get3A_111 = vector.load %arg2[%get3A_109, %get3A_110] : memref<128x128xf32, #tpu.memory_space<vmem>>, vector<128x128xf32>
    %dot_general3A_112 = arith.constant dense<0.000000e+00> : vector<6400x128xf32>
    %dot_general3A_113 = tpu.matmul %concatenate3A_108, %get3A_111, %dot_general3A_112 {dimension_numbers = #tpu.dot_dimension_numbers<[0], [0], [1], [1], [0, 1, 1, 1], [], []>, transpose_lhs_hint = false} : vector<128x6400xf32>, vector<128x128xf32>, vector<6400x128xf32> -> vector<6400x128xf32>
    %swap3A_114 = arith.constant 0 : index
    %swap3A_115 = arith.constant 0 : index
    %swap3A_116 = arith.constant 0 : index
    %swap3A_117 = vector.load %arg4[%swap3A_114, %swap3A_115, %swap3A_116] : memref<3x6400x128xf32, #tpu.memory_space<vmem>>, vector<1x6400x128xf32>
    %swap3A_118 = vector.shape_cast %swap3A_117 : vector<1x6400x128xf32> to vector<6400x128xf32>
    %swap3A_119 = vector.shape_cast %dot_general3A_113 : vector<6400x128xf32> to vector<1x6400x128xf32>
    tpu.vector_store %arg4[%swap3A_114, %swap3A_115, %swap3A_116], %swap3A_119 {strides = array<i32>} : memref<3x6400x128xf32, #tpu.memory_space<vmem>>, vector<1x6400x128xf32>,
    %mul3A_120 = arith.constant 51200 : i32
    %mul3A_121 = arith.muli %arg0, %mul3A_120 : i32
    %add3A_122 = arith.constant 19200 : i32
    %add3A_123 = arith.addi %mul3A_121, %add3A_122 : i32
    %dma_start3A_124 = arith.constant 0 : i32
    %dma_start3A_125 = arith.constant 0 : i32
    %dma_start3A_126 = tpu.memref_slice %arg3[%add3A_123, %dma_start3A_125] : memref<1331200x128xf32, #tpu.memory_space<any>> -> memref<6400x128xf32, #tpu.memory_space<any>>
    %dma_start3A_127 = arith.constant 0 : i32
    %dma_start3A_128 = arith.constant 0 : i32
    %dma_start3A_129 = tpu.memref_slice %arg4[%dma_start3A_124, %dma_start3A_127, %dma_start3A_128] : memref<3x6400x128xf32, #tpu.memory_space<vmem>> -> memref<1x6400x128xf32, #tpu.memory_space<vmem>>
    %dma_start3A_130 = tpu.memref_squeeze %dma_start3A_129 : memref<1x6400x128xf32, #tpu.memory_space<vmem>> -> memref<6400x128xf32, #tpu.memory_space<vmem>>
    tpu.enqueue_dma source(%dma_start3A_130 : memref<6400x128xf32, #tpu.memory_space<vmem>>) target(%dma_start3A_126 : memref<6400x128xf32, #tpu.memory_space<any>>) target_semaphore(%arg5 : memref<!tpu.dma_semaphore, #tpu.memory_space<semaphore_mem>>)
    %dma_wait3A_131 = arith.constant 1 : i32
    %dma_wait3A_132 = arith.constant 0 : i32
    %dma_wait3A_133 = tpu.memref_slice %arg3[%add3A_51, %dma_wait3A_132] : memref<1331200x128xf32, #tpu.memory_space<any>> -> memref<6400x128xf32, #tpu.memory_space<any>>
    %dma_wait3A_134 = arith.constant 0 : i32
    %dma_wait3A_135 = arith.constant 0 : i32
    %dma_wait3A_136 = tpu.memref_slice %arg4[%dma_wait3A_131, %dma_wait3A_134, %dma_wait3A_135] : memref<3x6400x128xf32, #tpu.memory_space<vmem>> -> memref<1x6400x128xf32, #tpu.memory_space<vmem>>
    %dma_wait3A_137 = tpu.memref_squeeze %dma_wait3A_136 : memref<1x6400x128xf32, #tpu.memory_space<vmem>> -> memref<6400x128xf32, #tpu.memory_space<vmem>>
    tpu.wait_dma2 semaphore(%arg5 : memref<!tpu.dma_semaphore, #tpu.memory_space<semaphore_mem>>) src(%dma_wait3A_137 : memref<6400x128xf32, #tpu.memory_space<vmem>>) dst(%dma_wait3A_133 : memref<6400x128xf32, #tpu.memory_space<any>>)
    %get3A_138 = arith.constant 0 : index
    %get3A_139 = arith.constant 0 : index
    %get3A_140 = arith.constant 25600 : index
    %get3A_141 = vector.load %arg1[%get3A_138, %get3A_139, %get3A_140] : memref<1x64x100000xf32, #tpu.memory_space<vmem>>, vector<1x64x6400xf32>
    %get3A_142 = vector.shape_cast %get3A_141 : vector<1x64x6400xf32> to vector<64x6400xf32>
    %get3A_143 = arith.constant 0 : index
    %get3A_144 = arith.constant 0 : index
    %get3A_145 = arith.constant 76800 : index
    %get3A_146 = vector.load %arg1[%get3A_143, %get3A_144, %get3A_145] : memref<1x64x100000xf32, #tpu.memory_space<vmem>>, vector<1x64x6400xf32>
    %get3A_147 = vector.shape_cast %get3A_146 : vector<1x64x6400xf32> to vector<64x6400xf32>
    %concatenate3A_148 = tpu.concatenate %get3A_142, %get3A_147 in 0 : vector<64x6400xf32>, vector<64x6400xf32> -> vector<128x6400xf32>
    %get3A_149 = arith.constant 0 : index
    %get3A_150 = arith.constant 0 : index
    %get3A_151 = vector.load %arg2[%get3A_149, %get3A_150] : memref<128x128xf32, #tpu.memory_space<vmem>>, vector<128x128xf32>
    %dot_general3A_152 = arith.constant dense<0.000000e+00> : vector<6400x128xf32>
    %dot_general3A_153 = tpu.matmul %concatenate3A_148, %get3A_151, %dot_general3A_152 {dimension_numbers = #tpu.dot_dimension_numbers<[0], [0], [1], [1], [0, 1, 1, 1], [], []>, transpose_lhs_hint = false} : vector<128x6400xf32>, vector<128x128xf32>, vector<6400x128xf32> -> vector<6400x128xf32>
    %swap3A_154 = arith.constant 1 : index
    %swap3A_155 = arith.constant 0 : index
    %swap3A_156 = arith.constant 0 : index
    %swap3A_157 = vector.load %arg4[%swap3A_154, %swap3A_155, %swap3A_156] : memref<3x6400x128xf32, #tpu.memory_space<vmem>>, vector<1x6400x128xf32>
    %swap3A_158 = vector.shape_cast %swap3A_157 : vector<1x6400x128xf32> to vector<6400x128xf32>
    %swap3A_159 = vector.shape_cast %dot_general3A_153 : vector<6400x128xf32> to vector<1x6400x128xf32>
    tpu.vector_store %arg4[%swap3A_154, %swap3A_155, %swap3A_156], %swap3A_159 {strides = array<i32>} : memref<3x6400x128xf32, #tpu.memory_space<vmem>>, vector<1x6400x128xf32>,
    %mul3A_160 = arith.constant 51200 : i32
    %mul3A_161 = arith.muli %arg0, %mul3A_160 : i32
    %add3A_162 = arith.constant 25600 : i32
    %add3A_163 = arith.addi %mul3A_161, %add3A_162 : i32
    %dma_start3A_164 = arith.constant 1 : i32
    %dma_start3A_165 = arith.constant 0 : i32
    %dma_start3A_166 = tpu.memref_slice %arg3[%add3A_163, %dma_start3A_165] : memref<1331200x128xf32, #tpu.memory_space<any>> -> memref<6400x128xf32, #tpu.memory_space<any>>
    %dma_start3A_167 = arith.constant 0 : i32
    %dma_start3A_168 = arith.constant 0 : i32
    %dma_start3A_169 = tpu.memref_slice %arg4[%dma_start3A_164, %dma_start3A_167, %dma_start3A_168] : memref<3x6400x128xf32, #tpu.memory_space<vmem>> -> memref<1x6400x128xf32, #tpu.memory_space<vmem>>
    %dma_start3A_170 = tpu.memref_squeeze %dma_start3A_169 : memref<1x6400x128xf32, #tpu.memory_space<vmem>> -> memref<6400x128xf32, #tpu.memory_space<vmem>>
    tpu.enqueue_dma source(%dma_start3A_170 : memref<6400x128xf32, #tpu.memory_space<vmem>>) target(%dma_start3A_166 : memref<6400x128xf32, #tpu.memory_space<any>>) target_semaphore(%arg5 : memref<!tpu.dma_semaphore, #tpu.memory_space<semaphore_mem>>)
    %dma_wait3A_171 = arith.constant 2 : i32
    %dma_wait3A_172 = arith.constant 0 : i32
    %dma_wait3A_173 = tpu.memref_slice %arg3[%add3A_84, %dma_wait3A_172] : memref<1331200x128xf32, #tpu.memory_space<any>> -> memref<6400x128xf32, #tpu.memory_space<any>>
    %dma_wait3A_174 = arith.constant 0 : i32
    %dma_wait3A_175 = arith.constant 0 : i32
    %dma_wait3A_176 = tpu.memref_slice %arg4[%dma_wait3A_171, %dma_wait3A_174, %dma_wait3A_175] : memref<3x6400x128xf32, #tpu.memory_space<vmem>> -> memref<1x6400x128xf32, #tpu.memory_space<vmem>>
    %dma_wait3A_177 = tpu.memref_squeeze %dma_wait3A_176 : memref<1x6400x128xf32, #tpu.memory_space<vmem>> -> memref<6400x128xf32, #tpu.memory_space<vmem>>
    tpu.wait_dma2 semaphore(%arg5 : memref<!tpu.dma_semaphore, #tpu.memory_space<semaphore_mem>>) src(%dma_wait3A_177 : memref<6400x128xf32, #tpu.memory_space<vmem>>) dst(%dma_wait3A_173 : memref<6400x128xf32, #tpu.memory_space<any>>)
    %get3A_178 = arith.constant 0 : index
    %get3A_179 = arith.constant 0 : index
    %get3A_180 = arith.constant 32000 : index
    %get3A_181 = vector.load %arg1[%get3A_178, %get3A_179, %get3A_180] : memref<1x64x100000xf32, #tpu.memory_space<vmem>>, vector<1x64x6400xf32>
    %get3A_182 = vector.shape_cast %get3A_181 : vector<1x64x6400xf32> to vector<64x6400xf32>
    %get3A_183 = arith.constant 0 : index
    %get3A_184 = arith.constant 0 : index
    %get3A_185 = arith.constant 83200 : index
    %get3A_186 = vector.load %arg1[%get3A_183, %get3A_184, %get3A_185] : memref<1x64x100000xf32, #tpu.memory_space<vmem>>, vector<1x64x6400xf32>
    %get3A_187 = vector.shape_cast %get3A_186 : vector<1x64x6400xf32> to vector<64x6400xf32>
    %concatenate3A_188 = tpu.concatenate %get3A_182, %get3A_187 in 0 : vector<64x6400xf32>, vector<64x6400xf32> -> vector<128x6400xf32>
    %get3A_189 = arith.constant 0 : index
    %get3A_190 = arith.constant 0 : index
    %get3A_191 = vector.load %arg2[%get3A_189, %get3A_190] : memref<128x128xf32, #tpu.memory_space<vmem>>, vector<128x128xf32>
    %dot_general3A_192 = arith.constant dense<0.000000e+00> : vector<6400x128xf32>
    %dot_general3A_193 = tpu.matmul %concatenate3A_188, %get3A_191, %dot_general3A_192 {dimension_numbers = #tpu.dot_dimension_numbers<[0], [0], [1], [1], [0, 1, 1, 1], [], []>, transpose_lhs_hint = false} : vector<128x6400xf32>, vector<128x128xf32>, vector<6400x128xf32> -> vector<6400x128xf32>
    %swap3A_194 = arith.constant 2 : index
    %swap3A_195 = arith.constant 0 : index
    %swap3A_196 = arith.constant 0 : index
    %swap3A_197 = vector.load %arg4[%swap3A_194, %swap3A_195, %swap3A_196] : memref<3x6400x128xf32, #tpu.memory_space<vmem>>, vector<1x6400x128xf32>
    %swap3A_198 = vector.shape_cast %swap3A_197 : vector<1x6400x128xf32> to vector<6400x128xf32>
    %swap3A_199 = vector.shape_cast %dot_general3A_193 : vector<6400x128xf32> to vector<1x6400x128xf32>
    tpu.vector_store %arg4[%swap3A_194, %swap3A_195, %swap3A_196], %swap3A_199 {strides = array<i32>} : memref<3x6400x128xf32, #tpu.memory_space<vmem>>, vector<1x6400x128xf32>,
    %mul3A_200 = arith.constant 51200 : i32
    %mul3A_201 = arith.muli %arg0, %mul3A_200 : i32
    %add3A_202 = arith.constant 32000 : i32
    %add3A_203 = arith.addi %mul3A_201, %add3A_202 : i32
    %dma_start3A_204 = arith.constant 2 : i32
    %dma_start3A_205 = arith.constant 0 : i32
    %dma_start3A_206 = tpu.memref_slice %arg3[%add3A_203, %dma_start3A_205] : memref<1331200x128xf32, #tpu.memory_space<any>> -> memref<6400x128xf32, #tpu.memory_space<any>>
    %dma_start3A_207 = arith.constant 0 : i32
    %dma_start3A_208 = arith.constant 0 : i32
    %dma_start3A_209 = tpu.memref_slice %arg4[%dma_start3A_204, %dma_start3A_207, %dma_start3A_208] : memref<3x6400x128xf32, #tpu.memory_space<vmem>> -> memref<1x6400x128xf32, #tpu.memory_space<vmem>>
    %dma_start3A_210 = tpu.memref_squeeze %dma_start3A_209 : memref<1x6400x128xf32, #tpu.memory_space<vmem>> -> memref<6400x128xf32, #tpu.memory_space<vmem>>
    tpu.enqueue_dma source(%dma_start3A_210 : memref<6400x128xf32, #tpu.memory_space<vmem>>) target(%dma_start3A_206 : memref<6400x128xf32, #tpu.memory_space<any>>) target_semaphore(%arg5 : memref<!tpu.dma_semaphore, #tpu.memory_space<semaphore_mem>>)
    %dma_wait3A_211 = arith.constant 0 : i32
    %dma_wait3A_212 = arith.constant 0 : i32
    %dma_wait3A_213 = tpu.memref_slice %arg3[%add3A_123, %dma_wait3A_212] : memref<1331200x128xf32, #tpu.memory_space<any>> -> memref<6400x128xf32, #tpu.memory_space<any>>
    %dma_wait3A_214 = arith.constant 0 : i32
    %dma_wait3A_215 = arith.constant 0 : i32
    %dma_wait3A_216 = tpu.memref_slice %arg4[%dma_wait3A_211, %dma_wait3A_214, %dma_wait3A_215] : memref<3x6400x128xf32, #tpu.memory_space<vmem>> -> memref<1x6400x128xf32, #tpu.memory_space<vmem>>
    %dma_wait3A_217 = tpu.memref_squeeze %dma_wait3A_216 : memref<1x6400x128xf32, #tpu.memory_space<vmem>> -> memref<6400x128xf32, #tpu.memory_space<vmem>>
    tpu.wait_dma2 semaphore(%arg5 : memref<!tpu.dma_semaphore, #tpu.memory_space<semaphore_mem>>) src(%dma_wait3A_217 : memref<6400x128xf32, #tpu.memory_space<vmem>>) dst(%dma_wait3A_213 : memref<6400x128xf32, #tpu.memory_space<any>>)
    %get3A_218 = arith.constant 0 : index
    %get3A_219 = arith.constant 0 : index
    %get3A_220 = arith.constant 38400 : index
    %get3A_221 = vector.load %arg1[%get3A_218, %get3A_219, %get3A_220] : memref<1x64x100000xf32, #tpu.memory_space<vmem>>, vector<1x64x6400xf32>
    %get3A_222 = vector.shape_cast %get3A_221 : vector<1x64x6400xf32> to vector<64x6400xf32>
    %get3A_223 = arith.constant 0 : index
    %get3A_224 = arith.constant 0 : index
    %get3A_225 = arith.constant 89600 : index
    %get3A_226 = vector.load %arg1[%get3A_223, %get3A_224, %get3A_225] : memref<1x64x100000xf32, #tpu.memory_space<vmem>>, vector<1x64x6400xf32>
    %get3A_227 = vector.shape_cast %get3A_226 : vector<1x64x6400xf32> to vector<64x6400xf32>
    %concatenate3A_228 = tpu.concatenate %get3A_222, %get3A_227 in 0 : vector<64x6400xf32>, vector<64x6400xf32> -> vector<128x6400xf32>
    %get3A_229 = arith.constant 0 : index
    %get3A_230 = arith.constant 0 : index
    %get3A_231 = vector.load %arg2[%get3A_229, %get3A_230] : memref<128x128xf32, #tpu.memory_space<vmem>>, vector<128x128xf32>
    %dot_general3A_232 = arith.constant dense<0.000000e+00> : vector<6400x128xf32>
    %dot_general3A_233 = tpu.matmul %concatenate3A_228, %get3A_231, %dot_general3A_232 {dimension_numbers = #tpu.dot_dimension_numbers<[0], [0], [1], [1], [0, 1, 1, 1], [], []>, transpose_lhs_hint = false} : vector<128x6400xf32>, vector<128x128xf32>, vector<6400x128xf32> -> vector<6400x128xf32>
    %swap3A_234 = arith.constant 0 : index
    %swap3A_235 = arith.constant 0 : index
    %swap3A_236 = arith.constant 0 : index
    %swap3A_237 = vector.load %arg4[%swap3A_234, %swap3A_235, %swap3A_236] : memref<3x6400x128xf32, #tpu.memory_space<vmem>>, vector<1x6400x128xf32>
    %swap3A_238 = vector.shape_cast %swap3A_237 : vector<1x6400x128xf32> to vector<6400x128xf32>
    %swap3A_239 = vector.shape_cast %dot_general3A_233 : vector<6400x128xf32> to vector<1x6400x128xf32>
    tpu.vector_store %arg4[%swap3A_234, %swap3A_235, %swap3A_236], %swap3A_239 {strides = array<i32>} : memref<3x6400x128xf32, #tpu.memory_space<vmem>>, vector<1x6400x128xf32>,
    %mul3A_240 = arith.constant 51200 : i32
    %mul3A_241 = arith.muli %arg0, %mul3A_240 : i32
    %add3A_242 = arith.constant 38400 : i32
    %add3A_243 = arith.addi %mul3A_241, %add3A_242 : i32
    %dma_start3A_244 = arith.constant 0 : i32
    %dma_start3A_245 = arith.constant 0 : i32
    %dma_start3A_246 = tpu.memref_slice %arg3[%add3A_243, %dma_start3A_245] : memref<1331200x128xf32, #tpu.memory_space<any>> -> memref<6400x128xf32, #tpu.memory_space<any>>
    %dma_start3A_247 = arith.constant 0 : i32
    %dma_start3A_248 = arith.constant 0 : i32
    %dma_start3A_249 = tpu.memref_slice %arg4[%dma_start3A_244, %dma_start3A_247, %dma_start3A_248] : memref<3x6400x128xf32, #tpu.memory_space<vmem>> -> memref<1x6400x128xf32, #tpu.memory_space<vmem>>
    %dma_start3A_250 = tpu.memref_squeeze %dma_start3A_249 : memref<1x6400x128xf32, #tpu.memory_space<vmem>> -> memref<6400x128xf32, #tpu.memory_space<vmem>>
    tpu.enqueue_dma source(%dma_start3A_250 : memref<6400x128xf32, #tpu.memory_space<vmem>>) target(%dma_start3A_246 : memref<6400x128xf32, #tpu.memory_space<any>>) target_semaphore(%arg5 : memref<!tpu.dma_semaphore, #tpu.memory_space<semaphore_mem>>)
    %dma_wait3A_251 = arith.constant 1 : i32
    %dma_wait3A_252 = arith.constant 0 : i32
    %dma_wait3A_253 = tpu.memref_slice %arg3[%add3A_163, %dma_wait3A_252] : memref<1331200x128xf32, #tpu.memory_space<any>> -> memref<6400x128xf32, #tpu.memory_space<any>>
    %dma_wait3A_254 = arith.constant 0 : i32
    %dma_wait3A_255 = arith.constant 0 : i32
    %dma_wait3A_256 = tpu.memref_slice %arg4[%dma_wait3A_251, %dma_wait3A_254, %dma_wait3A_255] : memref<3x6400x128xf32, #tpu.memory_space<vmem>> -> memref<1x6400x128xf32, #tpu.memory_space<vmem>>
    %dma_wait3A_257 = tpu.memref_squeeze %dma_wait3A_256 : memref<1x6400x128xf32, #tpu.memory_space<vmem>> -> memref<6400x128xf32, #tpu.memory_space<vmem>>
    tpu.wait_dma2 semaphore(%arg5 : memref<!tpu.dma_semaphore, #tpu.memory_space<semaphore_mem>>) src(%dma_wait3A_257 : memref<6400x128xf32, #tpu.memory_space<vmem>>) dst(%dma_wait3A_253 : memref<6400x128xf32, #tpu.memory_space<any>>)
    %get3A_258 = arith.constant 0 : index
    %get3A_259 = arith.constant 0 : index
    %get3A_260 = arith.constant 44800 : index
    %get3A_261 = vector.load %arg1[%get3A_258, %get3A_259, %get3A_260] : memref<1x64x100000xf32, #tpu.memory_space<vmem>>, vector<1x64x6400xf32>
    %get3A_262 = vector.shape_cast %get3A_261 : vector<1x64x6400xf32> to vector<64x6400xf32>
    %get3A_263 = arith.constant 0 : index
    %get3A_264 = arith.constant 0 : index
    %get3A_265 = vector.load %arg2[%get3A_263, %get3A_264] : memref<128x128xf32, #tpu.memory_space<vmem>>, vector<64x64xf32>
    %dot_general3A_266 = arith.constant dense<0.000000e+00> : vector<6400x64xf32>
    %dot_general3A_267 = tpu.matmul %get3A_262, %get3A_265, %dot_general3A_266 {dimension_numbers = #tpu.dot_dimension_numbers<[0], [0], [1], [1], [0, 1, 1, 1], [], []>, transpose_lhs_hint = false} : vector<64x6400xf32>, vector<64x64xf32>, vector<6400x64xf32> -> vector<6400x64xf32>
    %swap3A_268 = arith.constant 1 : i32
    %swap3A_269 = arith.constant 0 : i32
    %swap3A_270 = arith.constant 0 : i32
    %swap3A_271 = tpu.memref_slice %arg4[%swap3A_268, %swap3A_269, %swap3A_270] : memref<3x6400x128xf32, #tpu.memory_space<vmem>> -> memref<1x6400x128xf32, #tpu.memory_space<vmem>>
    %swap3A_272 = tpu.memref_squeeze %swap3A_271 : memref<1x6400x128xf32, #tpu.memory_space<vmem>> -> memref<6400x128xf32, #tpu.memory_space<vmem>>
    %swap3A_273 = arith.constant 0 : index
    %swap3A_274 = arith.constant 0 : index
    %swap3A_275 = vector.load %swap3A_272[%swap3A_273, %swap3A_274] : memref<6400x128xf32, #tpu.memory_space<vmem>>, vector<6400x64xf32>
    tpu.vector_store %swap3A_272[%swap3A_273, %swap3A_274], %dot_general3A_267 {strides = array<i32>} : memref<6400x128xf32, #tpu.memory_space<vmem>>, vector<6400x64xf32>,
    %get3A_276 = arith.constant 0 : index
    %get3A_277 = arith.constant 0 : index
    %get3A_278 = arith.constant 96000 : index
    %get3A_279 = vector.load %arg1[%get3A_276, %get3A_277, %get3A_278] : memref<1x64x100000xf32, #tpu.memory_space<vmem>>, vector<1x64x4000xf32>
    %get3A_280 = vector.shape_cast %get3A_279 : vector<1x64x4000xf32> to vector<64x4000xf32>
    %get3A_281 = arith.constant 0 : index
    %get3A_282 = arith.constant 0 : index
    %get3A_283 = vector.load %arg2[%get3A_281, %get3A_282] : memref<128x128xf32, #tpu.memory_space<vmem>>, vector<64x64xf32>
    %dot_general3A_284 = arith.constant dense<0.000000e+00> : vector<4000x64xf32>
    %dot_general3A_285 = tpu.matmul %get3A_280, %get3A_283, %dot_general3A_284 {dimension_numbers = #tpu.dot_dimension_numbers<[0], [0], [1], [1], [0, 1, 1, 1], [], []>, transpose_lhs_hint = false} : vector<64x4000xf32>, vector<64x64xf32>, vector<4000x64xf32> -> vector<4000x64xf32>
    %swap3A_286 = arith.constant 1 : i32
    %swap3A_287 = arith.constant 0 : i32
    %swap3A_288 = arith.constant 0 : i32
    %swap3A_289 = tpu.memref_slice %arg4[%swap3A_286, %swap3A_287, %swap3A_288] : memref<3x6400x128xf32, #tpu.memory_space<vmem>> -> memref<1x6400x128xf32, #tpu.memory_space<vmem>>
    %swap3A_290 = tpu.memref_squeeze %swap3A_289 : memref<1x6400x128xf32, #tpu.memory_space<vmem>> -> memref<6400x128xf32, #tpu.memory_space<vmem>>
    %swap3A_291 = arith.constant 0 : index
    %swap3A_292 = arith.constant 64 : index
    %swap3A_293 = vector.load %swap3A_290[%swap3A_291, %swap3A_292] : memref<6400x128xf32, #tpu.memory_space<vmem>>, vector<4000x64xf32>
    tpu.vector_store %swap3A_290[%swap3A_291, %swap3A_292], %dot_general3A_285 {strides = array<i32>} : memref<6400x128xf32, #tpu.memory_space<vmem>>, vector<4000x64xf32>,
    %mul3A_294 = arith.constant 51200 : i32
    %mul3A_295 = arith.muli %arg0, %mul3A_294 : i32
    %add3A_296 = arith.constant 44800 : i32
    %add3A_297 = arith.addi %mul3A_295, %add3A_296 : i32
    %dma_start3A_298 = arith.constant 1 : i32
    %dma_start3A_299 = arith.constant 0 : i32
    %dma_start3A_300 = tpu.memref_slice %arg3[%add3A_297, %dma_start3A_299] : memref<1331200x128xf32, #tpu.memory_space<any>> -> memref<6400x128xf32, #tpu.memory_space<any>>
    %dma_start3A_301 = arith.constant 0 : i32
    %dma_start3A_302 = arith.constant 0 : i32
    %dma_start3A_303 = tpu.memref_slice %arg4[%dma_start3A_298, %dma_start3A_301, %dma_start3A_302] : memref<3x6400x128xf32, #tpu.memory_space<vmem>> -> memref<1x6400x128xf32, #tpu.memory_space<vmem>>
    %dma_start3A_304 = tpu.memref_squeeze %dma_start3A_303 : memref<1x6400x128xf32, #tpu.memory_space<vmem>> -> memref<6400x128xf32, #tpu.memory_space<vmem>>
    tpu.enqueue_dma source(%dma_start3A_304 : memref<6400x128xf32, #tpu.memory_space<vmem>>) target(%dma_start3A_300 : memref<6400x128xf32, #tpu.memory_space<any>>) target_semaphore(%arg5 : memref<!tpu.dma_semaphore, #tpu.memory_space<semaphore_mem>>)
    %dma_wait3A_305 = arith.constant 2 : i32
    %dma_wait3A_306 = arith.constant 0 : i32
    %dma_wait3A_307 = tpu.memref_slice %arg3[%add3A_203, %dma_wait3A_306] : memref<1331200x128xf32, #tpu.memory_space<any>> -> memref<6400x128xf32, #tpu.memory_space<any>>
    %dma_wait3A_308 = arith.constant 0 : i32
    %dma_wait3A_309 = arith.constant 0 : i32
    %dma_wait3A_310 = tpu.memref_slice %arg4[%dma_wait3A_305, %dma_wait3A_308, %dma_wait3A_309] : memref<3x6400x128xf32, #tpu.memory_space<vmem>> -> memref<1x6400x128xf32, #tpu.memory_space<vmem>>
    %dma_wait3A_311 = tpu.memref_squeeze %dma_wait3A_310 : memref<1x6400x128xf32, #tpu.memory_space<vmem>> -> memref<6400x128xf32, #tpu.memory_space<vmem>>
    tpu.wait_dma2 semaphore(%arg5 : memref<!tpu.dma_semaphore, #tpu.memory_space<semaphore_mem>>) src(%dma_wait3A_311 : memref<6400x128xf32, #tpu.memory_space<vmem>>) dst(%dma_wait3A_307 : memref<6400x128xf32, #tpu.memory_space<any>>)
    %dma_wait3A_312 = arith.constant 0 : i32
    %dma_wait3A_313 = arith.constant 0 : i32
    %dma_wait3A_314 = tpu.memref_slice %arg3[%add3A_243, %dma_wait3A_313] : memref<1331200x128xf32, #tpu.memory_space<any>> -> memref<6400x128xf32, #tpu.memory_space<any>>
    %dma_wait3A_315 = arith.constant 0 : i32
    %dma_wait3A_316 = arith.constant 0 : i32
    %dma_wait3A_317 = tpu.memref_slice %arg4[%dma_wait3A_312, %dma_wait3A_315, %dma_wait3A_316] : memref<3x6400x128xf32, #tpu.memory_space<vmem>> -> memref<1x6400x128xf32, #tpu.memory_space<vmem>>
    %dma_wait3A_318 = tpu.memref_squeeze %dma_wait3A_317 : memref<1x6400x128xf32, #tpu.memory_space<vmem>> -> memref<6400x128xf32, #tpu.memory_space<vmem>>
    tpu.wait_dma2 semaphore(%arg5 : memref<!tpu.dma_semaphore, #tpu.memory_space<semaphore_mem>>) src(%dma_wait3A_318 : memref<6400x128xf32, #tpu.memory_space<vmem>>) dst(%dma_wait3A_314 : memref<6400x128xf32, #tpu.memory_space<any>>)
    %dma_wait3A_319 = arith.constant 1 : i32
    %dma_wait3A_320 = arith.constant 0 : i32
    %dma_wait3A_321 = tpu.memref_slice %arg3[%add3A_297, %dma_wait3A_320] : memref<1331200x128xf32, #tpu.memory_space<any>> -> memref<6400x128xf32, #tpu.memory_space<any>>
    %dma_wait3A_322 = arith.constant 0 : i32
    %dma_wait3A_323 = arith.constant 0 : i32
    %dma_wait3A_324 = tpu.memref_slice %arg4[%dma_wait3A_319, %dma_wait3A_322, %dma_wait3A_323] : memref<3x6400x128xf32, #tpu.memory_space<vmem>> -> memref<1x6400x128xf32, #tpu.memory_space<vmem>>
    %dma_wait3A_325 = tpu.memref_squeeze %dma_wait3A_324 : memref<1x6400x128xf32, #tpu.memory_space<vmem>> -> memref<6400x128xf32, #tpu.memory_space<vmem>>
    tpu.wait_dma2 semaphore(%arg5 : memref<!tpu.dma_semaphore, #tpu.memory_space<semaphore_mem>>) src(%dma_wait3A_325 : memref<6400x128xf32, #tpu.memory_space<vmem>>) dst(%dma_wait3A_321 : memref<6400x128xf32, #tpu.memory_space<any>>)
    return
  }
  func.func @transform_0(%arg0: i32) -> (i32, i32, i32) {
    %c0_i32 = arith.constant 0 : i32
    %c0_i32_0 = arith.constant 0 : i32
    %c0_i32_1 = arith.constant 0 : i32
    return %arg0, %c0_i32, %c0_i32_0 : i32, i32, i32
  }
  func.func @transform_1(%arg0: i32) -> (i32, i32) {
    %c0_i32 = arith.constant 0 : i32
    %c0_i32_0 = arith.constant 0 : i32
    %c0_i32_1 = arith.constant 0 : i32
    return %c0_i32, %c0_i32_0 : i32, i32
  }
}

module attributes {stable_mosaic.version = 14 : i64} {
  func.func @_dense_body(%arg0: memref<16384x13xf32, #tpu.memory_space<vmem>>, %arg1: memref<128x13xf32, #tpu.memory_space<vmem>>, %arg2: memref<1x128xf32, #tpu.memory_space<vmem>>, %arg3: memref<16384x128xf32, #tpu.memory_space<vmem>>) attributes {dimension_semantics = [], scalar_prefetch = 0 : i64, scratch_operands = 0 : i64, tpu.core_type = #tpu.core_type<tc>} {
    %get3A = arith.constant 0 : index
    %get3A_0 = arith.constant 0 : index
    %get3A_1 = vector.load %arg0[%get3A, %get3A_0] : memref<16384x13xf32, #tpu.memory_space<vmem>>, vector<16384x13xf32>
    %get3A_2 = arith.constant 0 : index
    %get3A_3 = arith.constant 0 : index
    %get3A_4 = vector.load %arg1[%get3A_2, %get3A_3] : memref<128x13xf32, #tpu.memory_space<vmem>>, vector<128x13xf32>
    %dot_general3A = arith.constant dense<0.000000e+00> : vector<16384x128xf32>
    %dot_general3A_5 = tpu.matmul %get3A_1, %get3A_4, %dot_general3A {dimension_numbers = #tpu.dot_dimension_numbers<[1], [1], [0], [0], [0, 0, 1, 0], [], []>, transpose_lhs_hint = false} : vector<16384x13xf32>, vector<128x13xf32>, vector<16384x128xf32> -> vector<16384x128xf32>
    %get3A_6 = arith.constant 0 : index
    %get3A_7 = arith.constant 0 : index
    %get3A_8 = vector.load %arg2[%get3A_6, %get3A_7] : memref<1x128xf32, #tpu.memory_space<vmem>>, vector<1x128xf32>
    %add3A = vector.broadcast %get3A_8 : vector<1x128xf32> to vector<16384x128xf32>
    %add3A_9 = arith.addf %dot_general3A_5, %add3A : vector<16384x128xf32>
    %swap3A = arith.constant 0 : index
    %swap3A_10 = arith.constant 0 : index
    %swap3A_11 = vector.load %arg3[%swap3A, %swap3A_10] : memref<16384x128xf32, #tpu.memory_space<vmem>>, vector<16384x128xf32>
    tpu.vector_store %arg3[%swap3A, %swap3A_10], %add3A_9 {strides = array<i32>} : memref<16384x128xf32, #tpu.memory_space<vmem>>, vector<16384x128xf32>,
    return
  }
}

</mosaic_0001>

<sc_bundles>
// kernel: kernel.5.cloned.1.call-start
scs
__scs_entry_jumppad:
0x0: {  	(pc) =	sbr.rel $0x88, $3  }
0x1: {  	(tag) =	ssettag $0x0;
	lr =	simm.s32 $0x1  }
0x2: {  	[smem:$0x3F9C] =	sst lr;
	_ =	strace $0xD0000000  }
0x3: {  	_ = 	snop  }
0x4: {  	_ = 	snop  }
0x5: {  	_ = 	snop  }
0x6: {  	_ = 	snop  }
0x7: {  	_ = 	snop  }
__scs_overlays_trampoline_lowered:
0x8: {  	[smem:$0x3FAB] =	sst s0  }
0x9: {  	[smem:$0x3FAC] =	sst s1  }
0xa: {  	[smem:$0x3FAD] =	sst s2  }
0xb: {  	[smem:$0x3FAE] =	sst s3  }
0xc: {  	[smem:$0x3FAF] =	sst s4  }
0xd: {  	[smem:$0x3FB0] =	sst s5  }
0xe: {  	[smem:$0x3FB1] =	sst s6  }
0xf: {  	[smem:$0x3FB2] =	sst s7  }
0x10: {  	[smem:$0x3FB3] =	sst s8  }
0x11: {  	[smem:$0x3FB4] =	sst s9;
	s0 =	simm.s32 @!p0 $0x0  }
0x12: {  	s1 =	sld [smem:$0x3F9A];
	s0 =	simm.s32 @p0 $0x1  }
0x13: {  	[smem:$0x3FB5] =	sst s0;
	s0 =	simm.s32 @!p1 $0x0  }
0x14: {  	s2 =	sld [smem:$0x3F99];
	s0 =	simm.s32 @p1 $0x1  }
0x15: {  	[smem:$0x3FB6] =	sst s0;
	s0 =	simm.s32 @!p2 $0x0  }
0x16: {  	s3 =	sld [smem:$0x3FDB];
	s0 =	simm.s32 @p2 $0x1  }
0x17: {  	s4 =	simm.s32 $0x1BF5;
	[smem:$0x3FB8] =	sst s0  }
0x18: {  	s0 =	sld [smem:$0x3F9B];
	_ =	swait.ge [sflag:s4], $0x0  }
0x19: {  	s7 =	sld [smem:$0x3F9C]  }
0x1a: {  	s8 =	sadd.s32 $0xFFFFE003, lr  }
0x1b: {  	s9 =	sadd.s32 $0xFFFFFEF7, lr;
	s5 =	simm.s32 $0xFFFFFFFF;
	p2 =	slt.u32 s8, $0xFFFFF086  }
0x1c: {  	p1 =	slt.u32 s9, $0xF7A;
	s5 =	simm.s32 @!p2 $0x0  }
0x1d: {  	s5 =	simm.s32 @p1 $0x1;
	p0 =	seq.s32 s7, s2  }
0x1e: {  	s7 =	smul.u32 @!p0 $0xF7A, s2;
	p2 =	seq.s32 @!p0 s5, $0x0  }
0x1f: {  	s9 =	smul.u32 $0xF7A, s1;
	s8 =	simm.s32 @!p0 $0x1BF5;
	p2 =	por !p2, p0  }
0x20: {  	[sflag:s8] =	ssyncset.s32 @!p0 $0xFFFFF086;
	s6 =	sadd.s32 @!p0 s3, s7;
	s7 =	simm.s32 @!p0 $0x108  }
0x21: {  	s3 =	sadd.s32 s3, s9;
	s6 =	sadd.s32 @!p0 $0x88, s6;
	s7 =	simm.s32 @p2 $0x1082  }
0x22: {  	[simem:s7], [sflag:s8] =	dma.local @!p0 [hbm:s6], $0xF7A  }
0x23: {  	s9 =	sor.u32 $0xD0000000, s2;
	s6 =	simm.s32 $0x108;
	_ =	swait.ge @!p0 [sflag:s8], $0x0  }
0x24: {  	s3 =	sadd.s32 $0x88, s3;
	s6 =	simm.s32 @!p1 $0x1082;
	[sflag:s4] =	ssyncset.s32 $0xFFFFF086  }
0x25: {  	[simem:s6], [sflag:s4] =	dma.local [hbm:s3], $0xF7A  }
0x26: {  	[smem:$0x3F9C] =	sst s1;
	(tag) =	ssettag s2;
	_ =	strace s9  }
0x27: {  	s1 =	sld [smem:$0x3FAC]  }
0x28: {  	s2 =	sld [smem:$0x3FAD]  }
0x29: {  	s4 =	sld [smem:$0x3FAF]  }
0x2a: {  	p0 =	seq.s32 s5, $0x0;
	s5 =	sld [smem:$0x3FB0]  }
0x2b: {  	s6 =	sld [smem:$0x3FB1]  }
0x2c: {  	s7 =	sld [smem:$0x3FB2]  }
0x2d: {  	s3 =	simm.s32 $0x108;
	s8 =	sld [smem:$0x3FB3]  }
0x2e: {  	s3 =	simm.s32 @!p0 $0x1082;
	s9 =	sld [smem:$0x3FB4]  }
0x2f: {  	lr =	sadd.s32 s0, s3;
	s0 =	sld [smem:$0x3FAB]  }
0x30: {  	s3 =	sld [smem:$0x3FAE]  }
0x31: {  	[smem:$0x3FB7] =	sst s10  }
0x32: {  	s10 =	sld [smem:$0x3FB5];
	_ =	sdelay $0x3  }
0x33: {  	p0 =	seq.s32 s10, $0x1;
	s10 =	sld [smem:$0x3FB7];
	_ =	sdelay $0x3  }
0x34: {  	[smem:$0x3FB7] =	sst s10  }
0x35: {  	s10 =	sld [smem:$0x3FB6];
	_ =	sdelay $0x3  }
0x36: {  	p1 =	seq.s32 s10, $0x1;
	s10 =	sld [smem:$0x3FB7];
	_ =	sdelay $0x3  }
0x37: {  	[smem:$0x3FB7] =	sst s10  }
0x38: {  	s10 =	sld [smem:$0x3FB8]  }
0x39: {  	_ = 	snop;
	(pc) =	sbr.ind lr, $3  }
0x3a: {  	_ = 	snop  }
0x3b: {  	_ = 	snop  }
0x3c: {  	p2 =	seq.s32 s10, $0x1;
	s10 =	sld [smem:$0x3FB7]  }
0x3d: {  	_ =	shalt  }
0x3e: {  	_ =	shalt  }
0x3f: {  	_ =	shalt  }
0x40: {  	_ =	shalt  }
0x41: {  	_ =	shalt  }
0x42: {  	_ =	shalt  }
0x43: {  	_ =	shalt  }
0x44: {  	_ =	shalt  }
0x45: {  	_ =	shalt  }
0x46: {  	_ =	shalt  }
0x47: {  	_ =	shalt  }
0x48: {  	_ =	shalt  }
0x49: {  	_ =	shalt  }
0x4a: {  	_ =	shalt  }
0x4b: {  	_ =	shalt  }
0x4c: {  	_ =	shalt  }
0x4d: {  	_ =	shalt  }
0x4e: {  	_ =	shalt  }
0x4f: {  	_ =	shalt  }
0x50: {  	_ =	shalt  }
0x51: {  	_ =	shalt  }
0x52: {  	_ =	shalt  }
0x53: {  	_ =	shalt  }
0x54: {  	_ =	shalt  }
0x55: {  	_ =	shalt  }
0x56: {  	_ =	shalt  }
0x57: {  	_ =	shalt  }
0x58: {  	_ =	shalt  }
0x59: {  	_ =	shalt  }
0x5a: {  	_ =	shalt  }
0x5b: {  	_ =	shalt  }
0x5c: {  	_ =	shalt  }
0x5d: {  	_ =	shalt  }
0x5e: {  	_ =	shalt  }
0x5f: {  	_ =	shalt  }
0x60: {  	_ =	shalt  }
0x61: {  	_ =	shalt  }
0x62: {  	_ =	shalt  }
0x63: {  	_ =	shalt  }
0x64: {  	_ =	shalt  }
0x65: {  	_ =	shalt  }
0x66: {  	_ =	shalt  }
0x67: {  	_ =	shalt  }
0x68: {  	_ =	shalt  }
0x69: {  	_ =	shalt  }
0x6a: {  	_ =	shalt  }
0x6b: {  	_ =	shalt  }
0x6c: {  	_ =	shalt  }
0x6d: {  	_ =	shalt  }
0x6e: {  	_ =	shalt  }
0x6f: {  	_ =	shalt  }
0x70: {  	_ =	shalt  }
0x71: {  	_ =	shalt  }
0x72: {  	_ =	shalt  }
0x73: {  	_ =	shalt  }
0x74: {  	_ =	shalt  }
0x75: {  	_ =	shalt  }
0x76: {  	_ =	shalt  }
0x77: {  	_ =	shalt  }
0x78: {  	_ =	shalt  }
0x79: {  	_ =	shalt  }
0x7a: {  	_ =	shalt  }
0x7b: {  	_ =	shalt  }
0x7c: {  	_ =	shalt  }
0x7d: {  	_ =	shalt  }
0x7e: {  	_ =	shalt  }
0x7f: {  	_ =	shalt  }
0x80: {  	_ =	shalt  }
0x81: {  	_ =	shalt  }
0x82: {  	_ =	shalt  }
0x83: {  	_ =	shalt  }
0x84: {  	_ =	shalt  }
0x85: {  	_ =	shalt  }
0x86: {  	_ =	shalt  }
0x87: {  	_ =	shalt  }
.Lfunc_end0:
.L_simem_size_0:
called_computation_lowered:
.L_overlay_start_0:
0x88: {  	s2 =	sld [smem:$0x3FD9]  }
0x89: {  	s3 =	sld [smem:$0x3FFE];
	_ =	sdelay $0x1  }
0x8a: {  	s1 =	srdreg.scid  }
0x8b: {  	s0 =	sand.u32 $0x1, s1  }
0x8c: {  	s17 =	sshll.u32 s0, $0xA;
	s2 =	sadd.s32 s3, s2  }
0x8d: {  	s2 =	sadd.s32 s2, s17  }
0x8e: {  	[smem:$0x3FC3] =	sst s2  }
0x8f: {  	_ = 	snop  }
0x90: {  	s2 =	sld [smem:$0x3FD0];
	(tm) =	ssettm $0x1  }
0x91: {  	s18 =	sld [smem:$0x3FFB];
	_ =	sdelay $0x3  }
0x92: {  	_ =	strace s18  }
0x93: {  	s3 =	sld [smem:$0x3FFC];
	_ =	sdelay $0x3  }
0x94: {  	_ =	strace s3  }
0x95: {  	s3 =	sld [smem:$0x3FFD];
	_ =	sdelay $0x3  }
0x96: {  	_ =	strace s3  }
0x97: {  	_ =	strace $0x8FFFFFFF  }
0x98: {  	s19 =	sld [smem:$0x3FDB];
	_ =	sdelay $0x1  }
0x99: {  	s4 =	simm.s32 $_scs_section_size  }
0x9a: {  	s5 =	simm.s32 $_size__tile_overlayer_lowered;
	s6 =	simm.s32 $_tile_overlayer_lowered  }
0x9b: {  	s22 =	simm.s32 $0x1BFF;
	s21 =	sshll.u32 s6, $0x1;
	s3 =	sadd.s32 s4, s19  }
0x9c: {  	s7 =	simm.s32 $0x0;
	s20 =	sshll.u32 s5, $0x1;
	s5 =	sadd.s32 s21, s3  }
0x9d: {  	[timem:s7], [sflag:s22] =	dma.local [hbm:s5], s20  }
0x9e: {  	_ =	swait.ge [sflag:s22], s20  }
0x9f: {  	s4 =	ssub.s32 $0x0, s20;
	[sflag:s22] =	ssyncset.done $0x0  }
0xa0: {  	[sflag:s22] =	ssyncadd.s32 s4;
	_ =	sdelay $0x1  }
0xa1: {  	s23 =	simm.s32 $0x1B8B  }
0xa2: {  	_ =	swait.ge [sflag:s23], $0x1  }
0xa3: {  	[sflag:s23] =	ssyncset.done $0x0  }
0xa4: {  	s25 =	simm.s32 $0x1B8E;
	s24 =	sld [smem:$0x3FFE];
	[sflag:s23] =	ssyncadd.s32 $0xFFFFFFFF  }
0xa5: {  	s26 =	simm.s32 $execute0_lowered;
	[smem:$0x3FD2] =	sst s25  }
0xa6: {  	s5 =	sshll.u32 s26, $0x1;
	_ =	strace $0x80000046;
	[dreg:$0x1] =	wrdreg $0xFFFFFFFF  }
0xa7: {  	s28 =	simm.s32 $_size_execute0_lowered;
	s3 =	sadd.s32 s3, s5;
	[dreg:$0x0] =	wrdreg $0x0  }
0xa8: {  	s5 =	sshll.u32 s28, $0x1;
	[dreg:$0x2] =	wrdreg s3  }
0xa9: {  	[dreg:$0x3] =	wrdreg s5  }
0xaa: {  	[dreg:$0x4] =	wrdreg $0xC0  }
0xab: {  	_ =	task [dreg:s7], $0x5FFFF  }
0xac: {  	[dreg:$0x1] =	wrdreg $0xFFFFFFFF  }
0xad: {  	[dreg:$0x0] =	wrdreg $0x60  }
0xae: {  	[dreg:$0x2] =	wrdreg s2  }
0xaf: {  	[dreg:$0x3] =	wrdreg s24  }
0xb0: {  	[dreg:$0x4] =	wrdreg $0x9  }
0xb1: {  	_ =	task.clear_ibuf [dreg:s7], $0x5FFFF;
	_ =	strace $0x90000046  }
0xb2: {  	s29 =	simm.s32 $0x9;
	_ =	strace $0x80000048  }
0xb3: {  	_ =	swait.ge [sflag:s29], $0x1  }
0xb4: {  	[sflag:s29] =	ssyncadd.s32 $0xFFFFFFFF  }
0xb5: {  	_ =	strace $0x90000048  }
0xb6: {  	_ =	sfence  }
0xb7: {  	s30 =	sld [smem:$0x0];
	_ =	sdelay $0x2  }
0xb8: {  	s31 =	sshll.u32 s1, $0xD;
	s1 =	sshrl.u32 s1, $0x2  }
0xb9: {  	s3 =	sand.u32 $0x4000, s31;
	s1 =	sadd.s32 s1, s30  }
0xba: {  	s0 =	sor.u32 s3, s0;
	s1 =	sshll.u32 s1, $0x11  }
0xbb: {  	s0 =	sor.u32 s1, s0  }
0xbc: {  	s0 =	sadd.s32 $0x8F2B, s0  }
0xbd: {  	[sflag:s0] =	ssyncadd.remote.s32 $0x1  }
0xbe: {  	_ =	sfence.sel $0xFFFF  }
0xbf: {  	[dreg:$0x0] =	wrdreg $0xFFFFFFFF;
	(pc) =	sbr.abs _section_cstart, $3  }
0xc0: {  	[dreg:$0x1] =	wrdreg $0xFFFFFFFF  }
0xc1: {  	_ =	task.clear_ibuf [dreg:s7], $0x2FFFF;
	_ =	strace $0x9FFFFFFF  }
0xc2: {  	(tm) =	ssettm $0x7FFFFFFF  }
0xc3: {  	_ =	shalt  }
tec
execute0_lowered:
.L_overlay_start_1:
0x0: {  	(tag) =	ssettag $0x1  }
0x1: {  	s0 =	rddreg [dreg:$0x1]  }
0x2: {  	s1 =	simm.s32 $0x0;
	s23 =	srdreg.scid;
	s3 =	stileid.u32  }
0x3: {  	s11 =	simm.s32 $0x2;
	s13 =	simm.s32 $0x68;
	s20 =	simm.s32 $0xA680  }
0x4: {  	s21 =	simm.s32 $0x520;
	s22 =	simm.s32 $0xDA80;
	s28 =	simm.s32 $0x658  }
0x5: {  	s29 =	simm.s32 $0x17680;
	s30 =	simm.s32 $0x1;
	s31 =	simm.s32 $0x1BA80  }
0x6: {  	[smem:$0x7FF] =	sst s1;
	s2 =	sadd.s32 $0x1200, s0;
	s1 =	sand.u32 $0x1, s23  }
0x7: {  	s5 =	sadd.s32 $0x41E00, s0;
	s6 =	sadd.s32 $0x1400, s0;
	s7 =	sadd.s32 $0x1491E00, s0  }
0x8: {  	s26 =	sshll.u32 s3, $0xA;
	s23 =	simm.s32 $0x588;
	s24 =	ssub.s32 $0x2, s1  }
0x9: {  	_ =	strace $0x80000047;
	s1 =	sshll.u32 s1, $0x9;
	s25 =	sshrl.u32 s24, $0x1  }
0xa: {  	[dreg:$0x3] =	wrdreg s2;
	s8 =	sor.u32 s1, s26;
	s0 =	ssub.s32 s24, s25  }
0xb: {  	s26 =	simm.s32 $0x14280;
	s1 =	simm.s32 $0x0;
	s0 =	smax.u32 s0, $0x1  }
0xc: {  	v0 =	vimm.s32 $0xFFFF3800;
	s24 =	simm.s32 $0x10E80;
	s25 =	simm.s32 $0x5F0;
	[dreg:$0x4] =	wrdreg s0  }
.LBB2_1:
0xd: {  	[dreg:$0x5] =	wrdreg s1  }
0xe: {  	s0 =	simm.s32 $0x0;
	s19 =	rddreg [dreg:$0x3];
	s2 =	simm.s32 $0x700  }
0xf: {  	[tilespmem:s2], [sflag:$0x2] =	stream.linear.gather [hbm4b:s19+s0], $0x380, $0x38;
	[tilespmem:$0x1CA80] =	vst v63  }
0x10: {  	_ =	swait.ge [sflag:s11], $0x380  }
0x11: {  	[sflag:s11] =	ssyncset.done $0x0  }
0x12: {  	s4 =	simm.s32 $0x0;
	[sflag:s11] =	ssyncadd.s32 $0xFFFFFC80  }
.LBB2_2:
0x13: {  	s0 =	sshll.u32 s4, $0x5  }
0x14: {  	s0 =	sadd.s32 s8, s0  }
0x15: {  	s1 =	smul.u32 $0x1A, s0;
	_ =	sdelay $0x1  }
0x16: {  	s2 =	rddreg [dreg:$0x0];
	s1 =	sshrl.u32 s1, $0x3  }
0x17: {  	s19 =	simm.s32 $0x0;
	s1 =	sadd.s32 s2, s1  }
0x18: {  	[tilespmem:s19], [sflag:$0x2] =	stream.linear.gather [hbm4b:s1+s19], $0x340, $0x38;
	[tilespmem:$0x1CA80] =	vst v63  }
0x19: {  	_ =	swait.ge [sflag:s11], $0x340  }
0x1a: {  	[sflag:s11] =	ssyncset.done $0x0  }
0x1b: {  	s1 =	simm.s32 $0x0;
	[sflag:s11] =	ssyncadd.s32 $0xFFFFFCC0  }
0x1c: {  	v1 =	vld [tilespmem:s1+$0x0]  }
0x1d: {  	s2 =	simm.s32 $0x40;
	v2 =	vld [tilespmem:s1+$0x700]  }
.LBB2_3:
0x1e: {  	_ = 	snop  }
0x1f: {  	p0 =	sne.s32 s2, $0xCC0  }
.Ltmp0:
0x20: {  	_ = 	snop;
	(pc) =	sbr.rel @p0 .LBB2_3-.Ltmp0, $4  }
0x21: {  	vm0 =	vlt.s32 v1, $0xC800  }
0x22: {  	s3 =	sshra.s32 s2, $0x2;
	v4 =	vadd.s32 v1, v2;
	v3 =	vsel vm0, $0x0, v0  }
0x23: {  	v1 =	vld [tilespmem:s3+$0x0];
	v3 =	vadd.s32 v3, v4  }
0x24: {  	s2 =	sadd.s32 $0x40, s2;
	v2 =	vld [tilespmem:s3+$0x700];
	[tilespmem:s1+$0x380] =	vst v3;
	s1 =	smov.u32 s3  }
0x25: {  	_ =	sdelay $0x2  }
0x26: {  	vm0 =	vlt.s32 v1, $0xC800  }
0x27: {  	v3 =	vsel vm0, $0x0, v0;
	v1 =	vadd.s32 v1, v2  }
0x28: {  	s10 =	sshll.u32 s0, $0x4;
	v1 =	vadd.s32 v3, v1  }
0x29: {  	s3 =	simm.s32 $0x0;
	s12 =	simm.s32 $0x1AA80;
	s0 =	sadd.s32 s6, s10;
	[tilespmem:s1+$0x380] =	vst v1  }
0x2a: {  	[tilespmem:s12], [sflag:$0x2] =	stream.linear.gather [hbm4b:s0+s3], $0x1000, $0x38;
	[tilespmem:$0x1CA80] =	vst v63  }
0x2b: {  	_ =	swait.ge [sflag:s11], $0x1000  }
0x2c: {  	[sflag:s11] =	ssyncset.done $0x0  }
0x2d: {  	s9 =	simm.s32 $0xA80;
	s14 =	simm.s32 $0x380;
	[sflag:s11] =	ssyncadd.s32 $0xFFFFF000  }
0x2e: {  	[tilespmem:s9], [sflag:$0x1] =	stream.indirect.gather [hbm4b:s5+s13], $0x80, s14, s13, $0xb8;
	[tilespmem:$0x1CA80] =	vst v63  }
0x2f: {  	s15 =	simm.s32 $0x3E8;
	s16 =	simm.s32 $0x3E80  }
0x30: {  	[tilespmem:s16], [sflag:$0x1] =	stream.indirect.gather [hbm4b:s5+s13], $0x80, s15, s13, $0xb8;
	[tilespmem:$0x1CA80] =	vst v63  }
0x31: {  	s17 =	simm.s32 $0x450;
	s18 =	simm.s32 $0x7280  }
0x32: {  	[tilespmem:s18], [sflag:$0x1] =	stream.indirect.gather [hbm4b:s5+s13], $0x80, s17, s13, $0xb8;
	[tilespmem:$0x1CA80] =	vst v63  }
0x33: {  	s19 =	simm.s32 $0x4B8  }
0x34: {  	[tilespmem:s20], [sflag:$0x1] =	stream.indirect.gather [hbm4b:s5+s13], $0x80, s19, s13, $0xb8;
	[tilespmem:$0x1CA80] =	vst v63  }
0x35: {  	_ = 	snop  }
0x36: {  	[tilespmem:s22], [sflag:$0x1] =	stream.indirect.gather [hbm4b:s5+s13], $0x80, s21, s13, $0xb8;
	[tilespmem:$0x1CA80] =	vst v63  }
0x37: {  	_ = 	snop  }
0x38: {  	[tilespmem:s24], [sflag:$0x1] =	stream.indirect.gather [hbm4b:s5+s13], $0x80, s23, s13, $0xb8;
	[tilespmem:$0x1CA80] =	vst v63  }
0x39: {  	_ = 	snop  }
0x3a: {  	[tilespmem:s26], [sflag:$0x1] =	stream.indirect.gather [hbm4b:s5+s13], $0x80, s25, s13, $0xb8;
	[tilespmem:$0x1CA80] =	vst v63  }
0x3b: {  	s12 =	simm.s32 $0xD;
	s14 =	simm.s32 $0x1BAA0;
	s15 =	simm.s32 $0x1AAA0  }
0x3c: {  	[tilespmem:s29], [sflag:$0x1] =	stream.indirect.gather [hbm4b:s5+s13], $0x80, s28, s13, $0xb8;
	[tilespmem:$0x1CA80] =	vst v63  }
.LBB2_6:
0x3d: {  	_ =	swait.ge [sflag:s30], $0x3400  }
0x3e: {  	s2 =	smov.u32 s12;
	s1 =	smov.u32 s14;
	[sflag:s30] =	ssyncset.done $0x0  }
0x3f: {  	s0 =	smov.u32 s15;
	s16 =	simm.s32 $0x0;
	[sflag:s30] =	ssyncadd.s32 $0xFFFFCC00  }
.LBB2_7:
0x40: {  	v1 =	vld [tilespmem:s2+$0xFFFFFFF3];
	_ =	sdelay $0x3  }
0x41: {  	v2 =	vld [tilespmem:s2+$0xFFFFFFF4]  }
0x42: {  	(v2sf) =	vpush v1, $0x0;
	_ =	sdelay $0x1  }
0x43: {  	v1 =	vld [tilespmem:s2+$0xFFFFFFF5]  }
0x44: {  	v5 =	vld [tilespmem:s2+$0xFFFFFFF7]  }
0x45: {  	v4 =	vld [tilespmem:s0+$0x0];
	(v2sf) =	vpush v2, $0x0  }
0x46: {  	v3 =	vld [tilespmem:s0+$0x10]  }
0x47: {  	v10 =	vld [tilespmem:s2+$0xFFFFFFF8]  }
0x48: {  	(v2sf) =	vpush v1, $0x0;
	v1 =	vld [tilespmem:s2+$0xFFFFFFF6]  }
0x49: {  	v14 =	vld [tilespmem:s2+$0xFFFFFFF9]  }
0x4a: {  	v18 =	vld [tilespmem:s2+$0xFFFFFFFA]  }
0x4b: {  	v22 =	vld [tilespmem:s2+$0xFFFFFFFB]  }
0x4c: {  	v26 =	vld [tilespmem:s2+$0xFFFFFFFC]  }
0x4d: {  	v30 =	vld [tilespmem:s2+$0xFFFFFFFD];
	(v2sf) =	vpush v1, $0x0  }
0x4e: {  	v33 =	vld [tilespmem:s2+$0xFFFFFFFE]  }
0x4f: {  	v37 =	vld [tilespmem:s2+$0xFFFFFFFF]  }
0x50: {  	v40 =	vld [tilespmem:s2+$0x0];
	s17 =	spop (v2sf)  }
0x51: {  	v45 =	vld [tilespmem:s2+$0x1];
	(v2sf) =	vpush v5, $0x0;
	p0 =	sgt.s32 s17, $0xC7FF;
	s17 =	simm.s32 $0x40  }
0x52: {  	v47 =	vld [tilespmem:s2+$0x2];
	s17 =	simm.s32 @!p0 $0x0  }
0x53: {  	v63 =	vld [tilespmem:s2+$0x3];
	s18 =	sadd.s32 s17, s9;
	s17 =	sshra.s32 s16, $0x2  }
0x54: {  	v56 =	vld [tilespmem:s2+$0x4];
	s19 =	spop (v2sf);
	s18 =	sadd.s32 s17, s18  }
0x55: {  	(v2sf) =	vpush v10, $0x0;
	p0 =	sgt.s32 s19, $0xC7FF;
	s19 =	simm.s32 $0x40;
	v5 =	vld [tilespmem:s18+$0x0]  }
0x56: {  	s19 =	simm.s32 @!p0 $0x0;
	v6 =	vld [tilespmem:s18+$0x10]  }
0x57: {  	s19 =	sadd.s32 s19, s9;
	v8 =	vld [tilespmem:s18+$0x20]  }
0x58: {  	v7 =	vld [tilespmem:s18+$0x30];
	s18 =	sadd.s32 s17, s19;
	s19 =	spop (v2sf)  }
0x59: {  	(v2sf) =	vpush v14, $0x0;
	v9 =	vld [tilespmem:s18+$0x80];
	p0 =	sgt.s32 s19, $0xC7FF;
	s19 =	simm.s32 $0x40  }
0x5a: {  	v11 =	vld [tilespmem:s18+$0x90];
	s19 =	simm.s32 @!p0 $0x0  }
0x5b: {  	v13 =	vld [tilespmem:s18+$0xA0];
	s19 =	sadd.s32 s19, s9  }
0x5c: {  	v12 =	vld [tilespmem:s18+$0xB0];
	s18 =	sadd.s32 s17, s19;
	s19 =	spop (v2sf)  }
0x5d: {  	v10 =	vld [tilespmem:s18+$0x100];
	p0 =	sgt.s32 s19, $0xC7FF;
	s19 =	simm.s32 $0x40  }
0x5e: {  	v16 =	vld [tilespmem:s18+$0x110];
	s19 =	simm.s32 @!p0 $0x0  }
0x5f: {  	v14 =	vld [tilespmem:s18+$0x120];
	s19 =	sadd.s32 s19, s9  }
0x60: {  	v17 =	vld [tilespmem:s18+$0x130];
	(v2sf) =	vpush v18, $0x0;
	s18 =	sadd.s32 s17, s19;
	s19 =	spop (v2sf)  }
0x61: {  	v15 =	vld [tilespmem:s18+$0x180];
	p0 =	sgt.s32 s19, $0xC7FF;
	s19 =	simm.s32 $0x40  }
0x62: {  	v21 =	vld [tilespmem:s18+$0x190];
	s19 =	simm.s32 @!p0 $0x0  }
0x63: {  	v20 =	vld [tilespmem:s18+$0x1A0];
	s19 =	sadd.s32 s19, s9  }
0x64: {  	v18 =	vld [tilespmem:s18+$0x1B0];
	s18 =	sadd.s32 s17, s19;
	s19 =	spop (v2sf);
	(v2sf) =	vpush v22, $0x0  }
0x65: {  	v19 =	vld [tilespmem:s18+$0x200];
	p0 =	sgt.s32 s19, $0xC7FF;
	s19 =	simm.s32 $0x40  }
0x66: {  	v22 =	vld [tilespmem:s18+$0x210];
	s19 =	simm.s32 @!p0 $0x0  }
0x67: {  	v24 =	vld [tilespmem:s18+$0x220];
	s19 =	sadd.s32 s19, s9  }
0x68: {  	v23 =	vld [tilespmem:s18+$0x230];
	s18 =	sadd.s32 s17, s19;
	s19 =	spop (v2sf);
	(v2sf) =	vpush v26, $0x0  }
0x69: {  	v2 =	vld [tilespmem:s0+$0xFFFFFFE0]  }
0x6a: {  	v1 =	vld [tilespmem:s0+$0xFFFFFFF0]  }
0x6b: {  	v4 =	vadd.f32 v8, v4;
	v8 =	vld [tilespmem:s2+$0x7]  }
0x6c: {  	v25 =	vld [tilespmem:s18+$0x280];
	p0 =	sgt.s32 s19, $0xC7FF;
	s19 =	simm.s32 $0x40;
	(v2sf) =	vpush v30, $0x0  }
0x6d: {  	v27 =	vld [tilespmem:s18+$0x290];
	s19 =	simm.s32 @!p0 $0x0  }
0x6e: {  	v26 =	vld [tilespmem:s18+$0x2A0];
	s19 =	sadd.s32 s19, s9  }
0x6f: {  	v28 =	vld [tilespmem:s18+$0x2B0];
	s18 =	sadd.s32 s17, s19;
	s19 =	spop (v2sf)  }
0x70: {  	(v2sf) =	vpush v33, $0x0;
	v29 =	vld [tilespmem:s18+$0x300];
	p0 =	sgt.s32 s19, $0xC7FF;
	s19 =	simm.s32 $0x40  }
0x71: {  	v31 =	vld [tilespmem:s18+$0x310];
	s19 =	simm.s32 @!p0 $0x0  }
0x72: {  	v30 =	vld [tilespmem:s18+$0x320];
	s19 =	sadd.s32 s19, s9  }
0x73: {  	v32 =	vld [tilespmem:s18+$0x330];
	s18 =	sadd.s32 s17, s19;
	s19 =	spop (v2sf)  }
0x74: {  	v35 =	vld [tilespmem:s18+$0x380];
	(v2sf) =	vpush v37, $0x0;
	p0 =	sgt.s32 s19, $0xC7FF;
	s19 =	simm.s32 $0x40  }
0x75: {  	v33 =	vld [tilespmem:s18+$0x390];
	s19 =	simm.s32 @!p0 $0x0  }
0x76: {  	v36 =	vld [tilespmem:s18+$0x3A0];
	s19 =	sadd.s32 s19, s9  }
0x77: {  	v34 =	vld [tilespmem:s18+$0x3B0];
	s18 =	sadd.s32 s17, s19;
	s19 =	spop (v2sf)  }
0x78: {  	v37 =	vld [tilespmem:s18+$0x400];
	p0 =	sgt.s32 s19, $0xC7FF;
	s19 =	simm.s32 $0x40  }
0x79: {  	v38 =	vld [tilespmem:s18+$0x410];
	s19 =	simm.s32 @!p0 $0x0  }
0x7a: {  	(v2sf) =	vpush v40, $0x0;
	v41 =	vld [tilespmem:s18+$0x420];
	s19 =	sadd.s32 s19, s9  }
0x7b: {  	v39 =	vld [tilespmem:s18+$0x430];
	s18 =	sadd.s32 s17, s19;
	s19 =	spop (v2sf)  }
0x7c: {  	v40 =	vld [tilespmem:s18+$0x480];
	p0 =	sgt.s32 s19, $0xC7FF;
	s19 =	simm.s32 $0x40  }
0x7d: {  	v42 =	vld [tilespmem:s18+$0x490];
	s19 =	simm.s32 @!p0 $0x0  }
0x7e: {  	v6 =	vadd.f32 v6, v1;
	v43 =	vld [tilespmem:s18+$0x4A0];
	s19 =	sadd.s32 s19, s9  }
0x7f: {  	(v2sf) =	vpush v45, $0x0;
	v44 =	vld [tilespmem:s18+$0x4B0];
	s18 =	sadd.s32 s17, s19;
	s19 =	spop (v2sf)  }
0x80: {  	v6 =	vadd.f32 v11, v6;
	v48 =	vld [tilespmem:s18+$0x500];
	p0 =	sgt.s32 s19, $0xC7FF;
	s19 =	simm.s32 $0x40  }
0x81: {  	v53 =	vld [tilespmem:s18+$0x510];
	s19 =	simm.s32 @!p0 $0x0  }
0x82: {  	v6 =	vadd.f32 v16, v6;
	v49 =	vld [tilespmem:s18+$0x520];
	s19 =	sadd.s32 s19, s9  }
0x83: {  	v45 =	vld [tilespmem:s18+$0x530];
	s18 =	sadd.s32 s17, s19;
	s19 =	spop (v2sf);
	(v2sf) =	vpush v47, $0x0  }
0x84: {  	v6 =	vadd.f32 v21, v6;
	v21 =	vld [tilespmem:s2+$0x8]  }
0x85: {  	v46 =	vld [tilespmem:s18+$0x580]  }
0x86: {  	p0 =	sgt.s32 s19, $0xC7FF;
	s19 =	simm.s32 $0x40;
	v50 =	vld [tilespmem:s18+$0x590]  }
0x87: {  	v7 =	vadd.f32 v7, v3;
	v54 =	vld [tilespmem:s18+$0x5A0];
	s19 =	simm.s32 @!p0 $0x0  }
0x88: {  	v5 =	vadd.f32 v5, v2;
	v4 =	vadd.f32 v13, v4;
	v51 =	vld [tilespmem:s18+$0x5B0];
	s19 =	sadd.s32 s19, s9  }
0x89: {  	v7 =	vadd.f32 v12, v7;
	(v2sf) =	vpush v63, $0x0;
	v63 =	vld [tilespmem:s2+$0x5];
	s18 =	sadd.s32 s17, s19;
	s19 =	spop (v2sf)  }
0x8a: {  	v5 =	vadd.f32 v9, v5;
	v4 =	vadd.f32 v14, v4;
	v55 =	vld [tilespmem:s18+$0x600];
	p0 =	sgt.s32 s19, $0xC7FF;
	s19 =	simm.s32 $0x40  }
0x8b: {  	v7 =	vadd.f32 v17, v7;
	v57 =	vld [tilespmem:s18+$0x610];
	s19 =	simm.s32 @!p0 $0x0  }
0x8c: {  	v5 =	vadd.f32 v10, v5;
	v4 =	vadd.f32 v20, v4;
	v52 =	vld [tilespmem:s18+$0x620];
	s19 =	sadd.s32 s19, s9  }
0x8d: {  	v7 =	vadd.f32 v18, v7;
	v47 =	vld [tilespmem:s18+$0x630];
	s18 =	sadd.s32 s17, s19  }
0x8e: {  	v5 =	vadd.f32 v15, v5;
	v4 =	vadd.f32 v24, v4;
	s19 =	spop (v2sf);
	v58 =	vld [tilespmem:s18+$0x680]  }
0x8f: {  	v7 =	vadd.f32 v23, v7;
	(v2sf) =	vpush v56, $0x0;
	p0 =	sgt.s32 s19, $0xC7FF;
	s19 =	simm.s32 $0x40;
	v61 =	vld [tilespmem:s18+$0x690]  }
0x90: {  	v4 =	vadd.f32 v26, v4;
	v59 =	vld [tilespmem:s18+$0x6A0];
	s19 =	simm.s32 @!p0 $0x0  }
0x91: {  	v5 =	vadd.f32 v19, v5;
	v7 =	vadd.f32 v28, v7;
	v56 =	vld [tilespmem:s18+$0x6B0];
	s19 =	sadd.s32 s19, s9  }
0x92: {  	v4 =	vadd.f32 v30, v4;
	s18 =	sadd.s32 s17, s19;
	s19 =	spop (v2sf);
	(v2sf) =	vpush v63, $0x0;
	v63 =	vld [tilespmem:s2+$0x6]  }
0x93: {  	v5 =	vadd.f32 v25, v5;
	v25 =	vld [tilespmem:s2+$0x9];
	v7 =	vadd.f32 v32, v7  }
0x94: {  	v32 =	vld [tilespmem:s2+$0xA];
	v4 =	vadd.f32 v36, v4  }
0x95: {  	v7 =	vadd.f32 v34, v7;
	v34 =	vld [tilespmem:s2+$0xC]  }
0x96: {  	v4 =	vadd.f32 v41, v4;
	v41 =	vld [tilespmem:s2+$0xB]  }
0x97: {  	v62 =	vld [tilespmem:s18+$0x700];
	p0 =	sgt.s32 s19, $0xC7FF;
	s19 =	simm.s32 $0x40;
	(v2sf) =	vpush v63, $0x0  }
0x98: {  	v60 =	vld [tilespmem:s18+$0x710];
	s19 =	simm.s32 @!p0 $0x0  }
0x99: {  	v2 =	vld [tilespmem:s18+$0x720];
	s19 =	sadd.s32 s19, s9  }
0x9a: {  	v1 =	vld [tilespmem:s18+$0x730];
	s18 =	sadd.s32 s17, s19;
	s19 =	spop (v2sf)  }
0x9b: {  	v3 =	vld [tilespmem:s18+$0x780];
	p0 =	sgt.s32 s19, $0xC7FF;
	s19 =	simm.s32 $0x40;
	(v2sf) =	vpush v8, $0x0  }
0x9c: {  	v9 =	vld [tilespmem:s18+$0x790];
	s19 =	simm.s32 @!p0 $0x0  }
0x9d: {  	v10 =	vld [tilespmem:s18+$0x7A0];
	s19 =	sadd.s32 s19, s9  }
0x9e: {  	v6 =	vadd.f32 v22, v6;
	v11 =	vld [tilespmem:s18+$0x7B0];
	s18 =	sadd.s32 s17, s19;
	s19 =	spop (v2sf)  }
0x9f: {  	(v2sf) =	vpush v21, $0x0;
	v8 =	vld [tilespmem:s18+$0x800];
	p0 =	sgt.s32 s19, $0xC7FF;
	s19 =	simm.s32 $0x40  }
0xa0: {  	v6 =	vadd.f32 v27, v6;
	v13 =	vld [tilespmem:s18+$0x810];
	s19 =	simm.s32 @!p0 $0x0  }
0xa1: {  	v14 =	vld [tilespmem:s18+$0x820];
	s19 =	sadd.s32 s19, s9  }
0xa2: {  	v5 =	vadd.f32 v29, v5;
	v6 =	vadd.f32 v31, v6;
	v12 =	vld [tilespmem:s18+$0x830];
	s18 =	sadd.s32 s17, s19;
	s19 =	spop (v2sf)  }
0xa3: {  	v16 =	vld [tilespmem:s18+$0x880];
	(v2sf) =	vpush v25, $0x0;
	p0 =	sgt.s32 s19, $0xC7FF;
	s19 =	simm.s32 $0x40  }
0xa4: {  	v5 =	vadd.f32 v35, v5;
	v6 =	vadd.f32 v33, v6;
	v17 =	vld [tilespmem:s18+$0x890];
	s19 =	simm.s32 @!p0 $0x0  }
0xa5: {  	v15 =	vld [tilespmem:s18+$0x8A0];
	s19 =	sadd.s32 s19, s9  }
0xa6: {  	v5 =	vadd.f32 v37, v5;
	v6 =	vadd.f32 v38, v6;
	v19 =	vld [tilespmem:s18+$0x8B0];
	s18 =	sadd.s32 s17, s19;
	s19 =	spop (v2sf)  }
0xa7: {  	v7 =	vadd.f32 v39, v7;
	v20 =	vld [tilespmem:s18+$0x900];
	(v2sf) =	vpush v32, $0x0;
	p0 =	sgt.s32 s19, $0xC7FF;
	s19 =	simm.s32 $0x40  }
0xa8: {  	v5 =	vadd.f32 v40, v5;
	v6 =	vadd.f32 v42, v6;
	v18 =	vld [tilespmem:s18+$0x910];
	s19 =	simm.s32 @!p0 $0x0  }
0xa9: {  	v4 =	vadd.f32 v43, v4;
	v7 =	vadd.f32 v44, v7;
	v63 =	vld [tilespmem:s18+$0x920];
	s19 =	sadd.s32 s19, s9  }
0xaa: {  	v5 =	vadd.f32 v48, v5;
	v6 =	vadd.f32 v53, v6;
	v33 =	vld [tilespmem:s18+$0x930];
	s18 =	sadd.s32 s17, s19;
	s19 =	spop (v2sf)  }
0xab: {  	v4 =	vadd.f32 v49, v4;
	(v2sf) =	vpush v41, $0x0;
	v35 =	vld [tilespmem:s18+$0x980];
	p0 =	sgt.s32 s19, $0xC7FF;
	s19 =	simm.s32 $0x40  }
0xac: {  	v7 =	vadd.f32 v45, v7;
	v5 =	vadd.f32 v46, v5;
	v36 =	vld [tilespmem:s18+$0x990];
	s19 =	simm.s32 @!p0 $0x0  }
0xad: {  	v6 =	vadd.f32 v50, v6;
	v4 =	vadd.f32 v54, v4;
	v37 =	vld [tilespmem:s18+$0x9A0];
	s19 =	sadd.s32 s19, s9  }
0xae: {  	v7 =	vadd.f32 v51, v7;
	v5 =	vadd.f32 v55, v5;
	v38 =	vld [tilespmem:s18+$0x9B0];
	s18 =	sadd.s32 s17, s19;
	s19 =	spop (v2sf)  }
0xaf: {  	v6 =	vadd.f32 v57, v6;
	(v2sf) =	vpush v34, $0x0;
	v39 =	vld [tilespmem:s18+$0xA00];
	p0 =	sgt.s32 s19, $0xC7FF;
	s19 =	simm.s32 $0x40  }
0xb0: {  	v4 =	vadd.f32 v52, v4;
	v5 =	vadd.f32 v58, v5;
	v40 =	vld [tilespmem:s18+$0xA10];
	s19 =	simm.s32 @!p0 $0x0  }
0xb1: {  	v7 =	vadd.f32 v47, v7;
	v6 =	vadd.f32 v61, v6;
	v41 =	vld [tilespmem:s18+$0xA20];
	s19 =	sadd.s32 s19, s9  }
0xb2: {  	v4 =	vadd.f32 v59, v4;
	v5 =	vadd.f32 v62, v5;
	v42 =	vld [tilespmem:s18+$0xA30];
	s18 =	spop (v2sf);
	s19 =	sadd.s32 s17, s19  }
0xb3: {  	v7 =	vadd.f32 v56, v7;
	v6 =	vadd.f32 v60, v6;
	p0 =	sgt.s32 s18, $0xC7FF;
	s18 =	simm.s32 $0x40;
	v43 =	vld [tilespmem:s19+$0xA80]  }
0xb4: {  	v2 =	vadd.f32 v2, v4;
	v3 =	vadd.f32 v3, v5;
	s18 =	simm.s32 @!p0 $0x0;
	v44 =	vld [tilespmem:s19+$0xA90]  }
0xb5: {  	v1 =	vadd.f32 v1, v7;
	v45 =	vadd.f32 v9, v6;
	v46 =	vld [tilespmem:s19+$0xAA0];
	s18 =	sadd.s32 s18, s9  }
0xb6: {  	v2 =	vadd.f32 v10, v2;
	v3 =	vadd.f32 v8, v3;
	v47 =	vld [tilespmem:s19+$0xAB0];
	s18 =	sadd.s32 s17, s18;
	s19 =	spop (v2sf)  }
0xb7: {  	v1 =	vadd.f32 v11, v1;
	v5 =	vadd.f32 v13, v45;
	v48 =	vld [tilespmem:s18+$0xB00];
	p0 =	sgt.s32 s19, $0xC7FF;
	s19 =	simm.s32 $0x40  }
0xb8: {  	v2 =	vadd.f32 v14, v2;
	v3 =	vadd.f32 v16, v3;
	v49 =	vld [tilespmem:s18+$0xB10];
	s19 =	simm.s32 @!p0 $0x0  }
0xb9: {  	v1 =	vadd.f32 v12, v1;
	v5 =	vadd.f32 v17, v5;
	v50 =	vld [tilespmem:s18+$0xB20];
	s19 =	sadd.s32 s19, s9  }
0xba: {  	v2 =	vadd.f32 v15, v2;
	v3 =	vadd.f32 v20, v3;
	v51 =	vld [tilespmem:s18+$0xB30];
	s18 =	spop (v2sf);
	s19 =	sadd.s32 s17, s19  }
0xbb: {  	v1 =	vadd.f32 v19, v1;
	v5 =	vadd.f32 v18, v5;
	v52 =	vld [tilespmem:s19+$0xB80];
	p0 =	sgt.s32 s18, $0xC7FF;
	s18 =	simm.s32 $0x40  }
0xbc: {  	v2 =	vadd.f32 v63, v2;
	v3 =	vadd.f32 v35, v3;
	v53 =	vld [tilespmem:s19+$0xB90];
	s18 =	simm.s32 @!p0 $0x0  }
0xbd: {  	v1 =	vadd.f32 v33, v1;
	v5 =	vadd.f32 v36, v5;
	v54 =	vld [tilespmem:s19+$0xBA0];
	s18 =	sadd.s32 s18, s9  }
0xbe: {  	v2 =	vadd.f32 v37, v2;
	v3 =	vadd.f32 v39, v3;
	v55 =	vld [tilespmem:s19+$0xBB0];
	s18 =	sadd.s32 s17, s18;
	s19 =	spop (v2sf)  }
0xbf: {  	v1 =	vadd.f32 v38, v1;
	v5 =	vadd.f32 v40, v5;
	v56 =	vld [tilespmem:s18+$0xC00];
	p0 =	sgt.s32 s19, $0xC7FF;
	s19 =	simm.s32 $0x40  }
0xc0: {  	v2 =	vadd.f32 v41, v2;
	v3 =	vadd.f32 v43, v3;
	v57 =	vld [tilespmem:s18+$0xC10];
	s19 =	simm.s32 @!p0 $0x0  }
0xc1: {  	v1 =	vadd.f32 v42, v1;
	v4 =	vadd.f32 v44, v5;
	v58 =	vld [tilespmem:s18+$0xC20];
	s19 =	sadd.s32 s19, s9  }
0xc2: {  	v2 =	vadd.f32 v46, v2;
	v3 =	vadd.f32 v48, v3;
	v59 =	vld [tilespmem:s18+$0xC30];
	s17 =	sadd.s32 s17, s19  }
0xc3: {  	v1 =	vadd.f32 v47, v1;
	v4 =	vadd.f32 v49, v4;
	v60 =	vld [tilespmem:s17+$0xC80]  }
0xc4: {  	v2 =	vadd.f32 v50, v2;
	v3 =	vadd.f32 v52, v3;
	v61 =	vld [tilespmem:s17+$0xC90]  }
0xc5: {  	v1 =	vadd.f32 v51, v1;
	v4 =	vadd.f32 v53, v4;
	v62 =	vld [tilespmem:s17+$0xCA0]  }
0xc6: {  	v2 =	vadd.f32 v54, v2;
	v63 =	vld [tilespmem:s17+$0xCB0];
	v3 =	vadd.f32 v56, v3  }
0xc7: {  	v1 =	vadd.f32 v55, v1;
	v4 =	vadd.f32 v57, v4  }
0xc8: {  	p0 =	seq.s32 s16, $0x9C00;
	v2 =	vadd.f32 v58, v2;
	v3 =	vadd.f32 v60, v3  }
.Ltmp1:
0xc9: {  	v1 =	vadd.f32 v59, v1;
	v4 =	vadd.f32 v61, v4;
	(pc) =	sbr.rel @!p0 .LBB2_7-.Ltmp1, $4  }
0xca: {  	v2 =	vadd.f32 v62, v2;
	[tilespmem:s1+$0xFFFFFFE0] =	vst v3  }
0xcb: {  	v1 =	vadd.f32 v63, v1;
	[tilespmem:s1+$0xFFFFFFF0] =	vst v4  }
0xcc: {  	s0 =	sadd.s32 $0x80, s0;
	[tilespmem:s1+$0x0] =	vst v2  }
0xcd: {  	s2 =	sadd.s32 $0x1A, s2;
	s16 =	sadd.s32 $0x3400, s16;
	[tilespmem:s1+$0x10] =	vst v1;
	s1 =	sadd.s32 $0x80, s1  }
0xce: {  	s3 =	sadd.s32 $0x1, s3  }
0xcf: {  	p0 =	seq.s32 s3, $0x8  }
.Ltmp2:
0xd0: {  	_ = 	snop;
	(pc) =	sbr.rel @!p0 .LBB2_6-.Ltmp2, $3  }
0xd1: {  	_ =	sdelay $0x1  }
0xd2: {  	s9 =	sadd.s32 $0x3400, s9  }
0xd3: {  	s15 =	sadd.s32 $0x200, s15;
	s14 =	sadd.s32 $0x200, s14;
	s12 =	sadd.s32 $0x68, s12  }
0xd4: {  	s4 =	sadd.s32 $0x1, s4  }
0xd5: {  	p0 =	sne.s32 s4, $0x10  }
.Ltmp3:
0xd6: {  	s0 =	sadd.s32 s7, s10;
	s1 =	simm.s32 $0x0;
	(pc) =	sbr.rel @p0 .LBB2_2-.Ltmp3, $4  }
0xd7: {  	[hbm4b:s0+s1] =	stream.linear.scatter [tilespmem:s31], [sflag:$0x2], $0x1000, $0x38;
	[tilespmem:$0x1CA80] =	vst v63  }
0xd8: {  	_ =	swait.ge [sflag:s11], $0x1000  }
0xd9: {  	[sflag:s11] =	ssyncset.done $0x0  }
0xda: {  	[sflag:s11] =	ssyncadd.s32 $0xFFFFF000  }
0xdb: {  	s1 =	rddreg [dreg:$0x5]  }
0xdc: {  	s0 =	rddreg [dreg:$0x4];
	s1 =	sadd.s32 $0x1, s1  }
0xdd: {  	p0 =	sne.s32 s1, s0  }
.Ltmp4:
0xde: {  	_ = 	snop;
	(pc) =	sbr.rel @p0 .LBB2_1-.Ltmp4, $1  }
0xdf: {  	_ =	sdelay $0x3  }
0xe0: {  	_ =	sfence.sel $0x180000  }
0xe1: {  	[bflag:$0x0] =	sbarrier.arrive $0xFFFF  }
0xe2: {  	_ =	strace $0x90000047  }
0xe3: {  	s0 =	stileid.u32;
	[bflag:$0x2] =	sbarrier.arrive $0xFFFF  }
0xe4: {  	p0 =	sne.s32 s0, $0x0;
	s0 =	rddreg [dreg:$0x2]  }
0xe5: {  	s0 =	sadd.s32 @!p0 $0x100000, s0  }
0xe6: {  	[sflag:s0] =	ssyncadd.tile.s32 @!p0 $0x1;
	_ =	shalt  }
.Lfunc_end2:
_tile_overlayer_lowered:
.L_overlay_start_2:
0xe7: {  	(tag) =	ssettag $0x2  }
0xe8: {  	s0 =	rddreg [dreg:$0x0];
	s2 =	stileid.u32  }
0xe9: {  	s1 =	rddreg [dreg:$0x1];
	p0 =	sne.s32 s2, $0x0  }
0xea: {  	s3 =	rddreg [dreg:$0x2];
	[bflag:$0x3] =	sbarrier.arrive $0xFFFF;
	s2 =	simm.s32 @!p0 $0x1C02  }
0xeb: {  	[timem:s3], [sflag:s2] =	dma.local @!p0 [hbm:s0], s1  }
0xec: {  	s0 =	simm.s32 @!p0 $0x2  }
0xed: {  	_ =	swait.ge @!p0 [sflag:s0], s1  }
0xee: {  	s1 =	ssub.s32 @!p0 $0x0, s1;
	[sflag:s0] =	ssyncset.done @!p0 $0x0  }
0xef: {  	[sflag:s0] =	ssyncadd.s32 @!p0 s1  }
0xf0: {  	[bflag:$0x3] =	sbarrier.arrive $0xFFFF  }
0xf1: {  	_ =	shalt  }

</sc_bundles>
